<compile_context>
chip_gen: v7x
topology: tpu7x:2x2x1
jax: 0.10.2.dev20260603
libtpu: 0.0.44.dev20260713+nightly
codegen_flags: <defaults>
</compile_context>

<pallas_src>
import functools

import jax
import jax.numpy as jnp
from jax import lax
from jax.experimental import pallas as pl
from jax.experimental.pallas import tpu as pltpu
from jax.experimental.pallas import tpu_sc as plsc

BATCH = 16384
TWO_L = 32
IDX_CHUNK = 128

_GL_A = (6.2476935847e-09, -3.1746832687e-01, 2.4879567883e-01, -6.6671940040e-02, 2.4769139548e-02, -1.0376787293e-02, 4.6398231509e-03, -2.3896043938e-03, 1.1953810539e-03, -2.1364963692e-04, 6.1186256408e-05, -3.2629056901e-04, 1.7925801533e-04)
_GL_B = (2.9136091595e-09, 4.4392369449e-01, 3.5551962450e-01, -7.7972603421e-02, 2.5020462295e-02, -9.3959226239e-03, 3.8483280776e-03, -1.7765219361e-03, 8.2134957214e-04, -1.9548027291e-04, 7.0189433644e-05, -1.7910870432e-04, 9.2879886010e-05)
_PSI_A = (-5.7721576854e-01, 9.0470929808e-01, -3.6361230975e-01, 1.8019196040e-01, -9.5038666500e-02, 5.0278564952e-02, -2.7032811301e-02, 1.8255700336e-02, -1.0739661103e-02, 1.4765566563e-04, 5.5679639773e-04, 4.2970126602e-03, -2.5754937378e-03)
_PSI_B = (4.2278431138e-01, 6.7717969463e-01, -2.2276546352e-01, 9.5328705370e-02, -4.4921200724e-02, 2.1909431556e-02, -1.0985661785e-02, 6.4662247647e-03, -3.5137261720e-03, 4.3700050496e-04, -7.9044393152e-05, 1.1540725281e-03, -6.5357545781e-04)


def _poly(t, coeffs):
    acc = jnp.full_like(t, coeffs[-1])
    for c in coeffs[-2::-1]:
        acc = acc * t + c
    return acc


def _gl_a(x):
    return _poly((x - 1.0) * (1.0 / 0.55), _GL_A)


def _gl_b(x):
    return _poly((x - 2.0) * (1.0 / 1.05), _GL_B)


def _psi_a(x):
    return _poly((x - 1.0) * (1.0 / 0.55), _PSI_A)


def _psi_b(x):
    return _poly((x - 2.0) * (1.0 / 1.05), _PSI_B)


def _swap16(x):
    return pltpu.roll(x, 16, 1)


def _tc_body(gu_ref, gi_ref, ub_ref, ib_ref, m_ref, b_ref, out_ref):
    xu = jnp.clip(gu_ref[...] + 1.0, 0.05, 1e9)
    xi = jnp.clip(gi_ref[...] + 1.0, 0.05, 1e9)
    xu_sw = _swap16(xu)
    xi_sw = _swap16(xi)
    z = 0.5 * (xu_sw + xi_sw)
    su = xu + xu_sw
    si = xi + xi_sw
    sq = 0.5 * (su + si)
    contrib = (
        2.0 * _gl_a(z) - _gl_a(xu) - _gl_a(xi)
        + (xu - z) * _psi_a(xu) + (xi - z) * _psi_a(xi)
        + 0.5 * (
            _gl_b(su) + _gl_b(si) - 2.0 * _gl_b(sq)
            + (sq - su) * _psi_b(su) + (sq - si) * _psi_b(si)
        )
    )
    dist = jnp.dot(contrib, m_ref[...], preferred_element_type=jnp.float32)
    out_ref[...] = jax.nn.sigmoid(ub_ref[...] + ib_ref[...] - dist - b_ref[0])


def _tc_compute(gu2, gi2, ub2, ib2, m, b):
    nrows = gu2.shape[0]
    blk = 2048
    return pl.pallas_call(
        _tc_body,
        grid=(nrows // blk,),
        in_specs=[
            pl.BlockSpec((blk, TWO_L), lambda i: (i, 0)),
            pl.BlockSpec((blk, TWO_L), lambda i: (i, 0)),
            pl.BlockSpec((blk, 1), lambda i: (i, 0)),
            pl.BlockSpec((blk, 1), lambda i: (i, 0)),
            pl.BlockSpec((TWO_L, 1), lambda i: (0, 0)),
            pl.BlockSpec(memory_space=pltpu.SMEM),
        ],
        out_specs=pl.BlockSpec((blk, 1), lambda i: (i, 0)),
        out_shape=jax.ShapeDtypeStruct((nrows, 1), jnp.float32),
    )(gu2, gi2, ub2, ib2, m, b)


def _make_sc_gather():
    info = plsc.get_sparse_core_info()
    nc, ns = info.num_cores, info.num_subcores
    nw = nc * ns
    bpw = BATCH // nw
    nchunk = bpw // IDX_CHUNK
    mesh = plsc.VectorSubcoreMesh(core_axis_name="c", subcore_axis_name="s")

    half = bpw // 2

    @functools.partial(
        pl.kernel,
        mesh=mesh,
        out_type=(
            jax.ShapeDtypeStruct((BATCH, TWO_L), jnp.float32),
            jax.ShapeDtypeStruct((BATCH, TWO_L), jnp.float32),
        ),
        scratch_types=[
            pltpu.VMEM((bpw,), jnp.int32),
            pltpu.VMEM((bpw,), jnp.int32),
            pltpu.VMEM((half, TWO_L), jnp.float32),
            pltpu.VMEM((half, TWO_L), jnp.float32),
            pltpu.SemaphoreType.DMA,
            pltpu.SemaphoreType.DMA,
        ],
    )
    def sc_gather_emb(uidx_hbm, iidx_hbm, eu_hbm, ei_hbm, out_u, out_i,
                      uidx_v, iidx_v, urows_v, irows_v, semu, semi):
        wid = lax.axis_index("s") * nc + lax.axis_index("c")
        base = wid * bpw
        pltpu.sync_copy(uidx_hbm.at[pl.ds(base, bpw)], uidx_v)
        pltpu.sync_copy(iidx_hbm.at[pl.ds(base, bpw)], iidx_v)
        for h in range(2):
            def body(m, _, h=h):
                off = pl.multiple_of(h * half + m * 16, 16)
                dst = pl.multiple_of(m * 16, 16)
                ivu = uidx_v[pl.ds(off, 16)]
                ivi = iidx_v[pl.ds(off, 16)]
                for j in range(16):
                    pltpu.async_copy(
                        eu_hbm.at[pl.ds(ivu[j], 1), :],
                        urows_v.at[pl.ds(dst + j, 1), :], semu)
                    pltpu.async_copy(
                        ei_hbm.at[pl.ds(ivi[j], 1), :],
                        irows_v.at[pl.ds(dst + j, 1), :], semi)
                return _

            lax.fori_loop(0, half // 16, body, 0)
            pltpu.make_async_copy(
                eu_hbm.at[pl.ds(0, half), :], urows_v, semu).wait()
            pltpu.make_async_copy(
                ei_hbm.at[pl.ds(0, half), :], irows_v, semi).wait()
            pltpu.sync_copy(
                urows_v, out_u.at[pl.ds(base + h * half, half), :])
            pltpu.sync_copy(
                irows_v, out_i.at[pl.ds(base + h * half, half), :])

    @functools.partial(
        pl.kernel,
        mesh=plsc.VectorSubcoreMesh(core_axis_name="c", subcore_axis_name="s"),
        compiler_params=pltpu.CompilerParams(use_tc_tiling_on_sc=False),
        out_type=(
            jax.ShapeDtypeStruct((BATCH,), jnp.float32),
            jax.ShapeDtypeStruct((BATCH,), jnp.float32),
        ),
        scratch_types=[
            pltpu.VMEM((nchunk, IDX_CHUNK), jnp.int32),
            pltpu.VMEM((nchunk, IDX_CHUNK), jnp.int32),
            pltpu.VMEM((bpw,), jnp.float32),
            pltpu.VMEM((bpw,), jnp.float32),
            pltpu.SemaphoreType.DMA,
            pltpu.SemaphoreType.DMA,
        ],
    )
    def sc_gather_bias(uidx_hbm, iidx_hbm, bu_hbm, bi_hbm,
                       out_bu, out_bi,
                       uidx_v, iidx_v, ubias_v, ibias_v, sbu, sbi):
        wid = lax.axis_index("s") * nc + lax.axis_index("c")
        base = wid * bpw
        pltpu.sync_copy(uidx_hbm.at[pl.ds(wid * nchunk, nchunk), :], uidx_v)
        pltpu.sync_copy(iidx_hbm.at[pl.ds(wid * nchunk, nchunk), :], iidx_v)
        copies = []
        for k in range(nchunk):
            rows = pl.ds(k * IDX_CHUNK, IDX_CHUNK)
            copies.append(pltpu.async_copy(
                bu_hbm.at[uidx_v.at[k]], ubias_v.at[rows], sbu))
            copies.append(pltpu.async_copy(
                bi_hbm.at[iidx_v.at[k]], ibias_v.at[rows], sbi))
        for c in copies:
            c.wait()
        pltpu.sync_copy(ubias_v, out_bu.at[pl.ds(base, bpw)])
        pltpu.sync_copy(ibias_v, out_bi.at[pl.ds(base, bpw)])

    return sc_gather_emb, sc_gather_bias


def kernel(user_indices, item_indices, emb_user, emb_item, bias_user,
           bias_item, W, b):
    sc_gather_emb, sc_gather_bias = _make_sc_gather()
    uidx = user_indices.astype(jnp.int32)
    iidx = item_indices.astype(jnp.int32)
    uidxr = uidx.reshape(-1, IDX_CHUNK)
    iidxr = iidx.reshape(-1, IDX_CHUNK)
    gu2, gi2 = sc_gather_emb(uidx, iidx, emb_user, emb_item)
    b_u, b_i = sc_gather_bias(uidxr, iidxr, bias_user, bias_item)
    ub2 = b_u.reshape(BATCH, 1)
    ib2 = b_i.reshape(BATCH, 1)

    m = (0.5 * jnp.concatenate([W[0], W[0]])).reshape(TWO_L, 1)
    m = m.astype(jnp.float32)

    out = _tc_compute(gu2, gi2, ub2, ib2, m, b)
    return out.reshape(BATCH)

# --- scband reference (transcript-rebuilt; emitter-appended) ---
"""Pipeline reference for scband-br-34308198760676 (READ-ONLY COPY).

The authoritative reference and input builder live on the scoring server;
editing this copy changes nothing except your own understanding.
"""

import jax, jax.numpy as jnp
import numpy as np
from jax.scipy.special import gammaln, digamma

NUM_USERS = 1000000
NUM_ITEMS = 1000000
LATENT_DIM = 16
BATCH = 16384


def _regularizer(e):
    # Regularizer(base_add=1, min_val=0.05, max_val=1e9)
    return jnp.clip(e + 1.0, 0.05, 1000000000.0)


def _kl_beta_beta(p1, p0, q1, q0):
    # torch._kl_beta_beta: concentration1 = alpha, concentration0 = beta
    sum_p = p1 + p0
    sum_q = q1 + q0
    t1 = gammaln(q1) + gammaln(q0) + gammaln(sum_p)
    t2 = gammaln(p1) + gammaln(p0) + gammaln(sum_q)
    t3 = (p1 - q1) * digamma(p1)
    t4 = (p0 - q0) * digamma(p0)
    t5 = (sum_q - sum_p) * digamma(sum_p)
    return t1 - t2 + t3 + t4 + t5


def setup_inputs(seed: int = 0) -> dict:
    key = jax.random.key(seed)
    ks = jax.random.split(key, 8)
    user_indices = jax.random.randint(ks[0], (BATCH,), 0, NUM_USERS, dtype=jnp.int64 if jax.config.jax_enable_x64 else jnp.int32)
    item_indices = jax.random.randint(ks[1], (BATCH,), 0, NUM_ITEMS, dtype=jnp.int64 if jax.config.jax_enable_x64 else jnp.int32)
    emb_user = jax.random.uniform(ks[2], (NUM_USERS, 2 * LATENT_DIM), minval=-0.5, maxval=0.5, dtype=jnp.float32)
    emb_item = jax.random.uniform(ks[3], (NUM_ITEMS, 2 * LATENT_DIM), minval=-0.5, maxval=0.5, dtype=jnp.float32)
    bias_user = jax.random.normal(ks[4], (NUM_USERS,), dtype=jnp.float32)
    bias_item = jax.random.normal(ks[5], (NUM_ITEMS,), dtype=jnp.float32)
    W = jax.random.normal(ks[6], (1, LATENT_DIM), dtype=jnp.float32) * (1.0 / np.sqrt(LATENT_DIM))
    b = jnp.zeros((1,), dtype=jnp.float32)
    return {
        'user_indices': user_indices,
        'item_indices': item_indices,
        'emb_user': emb_user,
        'emb_item': emb_item,
        'bias_user': bias_user,
        'bias_item': bias_item,
        'W': W,
        'b': b,
    }


def reference(user_indices, item_indices, emb_user, emb_item, bias_user, bias_item, W, b):
    global_mean = 0.0
    user_embedding = jnp.take(emb_user, user_indices, axis=0)  # [B, 2L]
    item_embedding = jnp.take(emb_item, item_indices, axis=0)  # [B, 2L]
    user_bias = jnp.take(bias_user, user_indices, axis=0)      # [B]
    item_bias = jnp.take(bias_item, item_indices, axis=0)      # [B]

    ue = _regularizer(user_embedding)[..., None]  # [B, 2L, 1]
    ie = _regularizer(item_embedding)[..., None]  # [B, 2L, 1]
    L = ue.shape[1] // 2
    # torch.chunk(..., 2, dim=1): alpha = concentration1, beta = concentration0
    alpha_user, beta_user = ue[:, :L], ue[:, L:]
    alpha_item, beta_item = ie[:, :L], ie[:, L:]

    # mean_dist = Beta(0.5*(u.concentration0 + m.concentration0), 0.5*(u.concentration1 + m.concentration1))
    # Positional args: first = concentration1, second = concentration0 (note the swap, faithful to source)
    mean_c1 = 0.5 * (beta_user + beta_item)
    mean_c0 = 0.5 * (alpha_user + alpha_item)

    kl_1 = _kl_beta_beta(alpha_user, beta_user, mean_c1, mean_c0)[..., 0]  # [B, L]
    kl_2 = _kl_beta_beta(alpha_item, beta_item, mean_c1, mean_c0)[..., 0]  # [B, L]
    js = (kl_1 + kl_2) / 2.0  # [B, L]

    distance = (js @ W.T + b)[:, 0]  # Linear(L->1) then squeeze -> [B]
    rating = global_mean + user_bias + item_bias - distance
    rating = jax.nn.sigmoid(rating)
    return rating

if __name__ == "__main__":
    import jax
    _d = setup_inputs()
    print(jax.jit(kernel)(*tuple(_d.values())))

</pallas_src>

<mosaic_0001>
#map = affine_map<(d0, d1) -> (0, 0)>
#map1 = affine_map<(d0, d1) -> (0)>
module attributes {stable_mosaic.version = 14 : i64} {
  func.func @sc_gather_bias(%arg0: i32, %arg1: i32, %arg2: memref<128x128xi32, #tpu.memory_space<hbm>>, %arg3: memref<128x128xi32, #tpu.memory_space<hbm>>, %arg4: memref<1000000xf32, #tpu.memory_space<hbm>>, %arg5: memref<1000000xf32, #tpu.memory_space<hbm>>, %arg6: memref<16384xf32, #tpu.memory_space<hbm>>, %arg7: memref<16384xf32, #tpu.memory_space<hbm>>, %arg8: memref<4x128xi32, #tpu.memory_space<vmem>>, %arg9: memref<4x128xi32, #tpu.memory_space<vmem>>, %arg10: memref<512xf32, #tpu.memory_space<vmem>>, %arg11: memref<512xf32, #tpu.memory_space<vmem>>, %arg12: memref<!tpu.dma_semaphore, #tpu.memory_space<semaphore_mem>>, %arg13: memref<!tpu.dma_semaphore, #tpu.memory_space<semaphore_mem>>) attributes {dimension_semantics = [#tpu.dimension_semantics<core_parallel>, #tpu.dimension_semantics<subcore_parallel>], iteration_bounds = array<i64: 2, 16>, scalar_prefetch = 0 : i64, scratch_operands = 6 : i64, tpu.core_type = #tpu.core_type<sc_vector_subcore>, window_params = [{transform_indices = #map}, {transform_indices = #map}, {transform_indices = #map1}, {transform_indices = #map1}, {transform_indices = #map1}, {transform_indices = #map1}]} {
    %mul3A = arith.constant 2 : i32
    %mul3A_0 = arith.muli %arg1, %mul3A : i32
    %add3A = arith.addi %mul3A_0, %arg0 : i32
    %mul3A_1 = arith.constant 512 : i32
    %mul3A_2 = arith.muli %add3A, %mul3A_1 : i32
    %mul3A_3 = arith.constant 4 : i32
    %mul3A_4 = arith.muli %add3A, %mul3A_3 : i32
    "tpu.region"() ({
      %run_scoped3A = tpu.sem_alloc : memref<!tpu.dma_semaphore, #tpu.memory_space<semaphore_mem>>
      %dma_start3A_133 = arith.constant 0 : i32
      %dma_start3A_134 = tpu.memref_slice %arg2[%mul3A_4, %dma_start3A_133] : memref<128x128xi32, #tpu.memory_space<hbm>> -> memref<4x128xi32, #tpu.memory_space<hbm>>
      %dma_start3A_135 = arith.constant 0 : i32
      %dma_start3A_136 = tpu.memref_slice %arg2[%mul3A_4, %dma_start3A_135] : memref<128x128xi32, #tpu.memory_space<hbm>> -> memref<4x128xi32, #tpu.memory_space<hbm>>
      tpu.enqueue_dma source(%dma_start3A_136 : memref<4x128xi32, #tpu.memory_space<hbm>>) target(%arg8 : memref<4x128xi32, #tpu.memory_space<vmem>>) target_semaphore(%run_scoped3A : memref<!tpu.dma_semaphore, #tpu.memory_space<semaphore_mem>>)
      %dma_wait3A_137 = arith.constant 0 : i32
      %dma_wait3A_138 = tpu.memref_slice %arg2[%mul3A_4, %dma_wait3A_137] : memref<128x128xi32, #tpu.memory_space<hbm>> -> memref<4x128xi32, #tpu.memory_space<hbm>>
      %dma_wait3A_139 = arith.constant 0 : i32
      %dma_wait3A_140 = tpu.memref_slice %arg2[%mul3A_4, %dma_wait3A_139] : memref<128x128xi32, #tpu.memory_space<hbm>> -> memref<4x128xi32, #tpu.memory_space<hbm>>
      tpu.wait_dma2 semaphore(%run_scoped3A : memref<!tpu.dma_semaphore, #tpu.memory_space<semaphore_mem>>) src(%dma_wait3A_140 : memref<4x128xi32, #tpu.memory_space<hbm>>) dst(%arg8 : memref<4x128xi32, #tpu.memory_space<vmem>>)
      tpu.yield
    }) : () -> ()
    %mul3A_5 = arith.constant 4 : i32
    %mul3A_6 = arith.muli %add3A, %mul3A_5 : i32
    "tpu.region"() ({
      %run_scoped3A = tpu.sem_alloc : memref<!tpu.dma_semaphore, #tpu.memory_space<semaphore_mem>>
      %dma_start3A_133 = arith.constant 0 : i32
      %dma_start3A_134 = tpu.memref_slice %arg3[%mul3A_6, %dma_start3A_133] : memref<128x128xi32, #tpu.memory_space<hbm>> -> memref<4x128xi32, #tpu.memory_space<hbm>>
      %dma_start3A_135 = arith.constant 0 : i32
      %dma_start3A_136 = tpu.memref_slice %arg3[%mul3A_6, %dma_start3A_135] : memref<128x128xi32, #tpu.memory_space<hbm>> -> memref<4x128xi32, #tpu.memory_space<hbm>>
      tpu.enqueue_dma source(%dma_start3A_136 : memref<4x128xi32, #tpu.memory_space<hbm>>) target(%arg9 : memref<4x128xi32, #tpu.memory_space<vmem>>) target_semaphore(%run_scoped3A : memref<!tpu.dma_semaphore, #tpu.memory_space<semaphore_mem>>)
      %dma_wait3A_137 = arith.constant 0 : i32
      %dma_wait3A_138 = tpu.memref_slice %arg3[%mul3A_6, %dma_wait3A_137] : memref<128x128xi32, #tpu.memory_space<hbm>> -> memref<4x128xi32, #tpu.memory_space<hbm>>
      %dma_wait3A_139 = arith.constant 0 : i32
      %dma_wait3A_140 = tpu.memref_slice %arg3[%mul3A_6, %dma_wait3A_139] : memref<128x128xi32, #tpu.memory_space<hbm>> -> memref<4x128xi32, #tpu.memory_space<hbm>>
      tpu.wait_dma2 semaphore(%run_scoped3A : memref<!tpu.dma_semaphore, #tpu.memory_space<semaphore_mem>>) src(%dma_wait3A_140 : memref<4x128xi32, #tpu.memory_space<hbm>>) dst(%arg9 : memref<4x128xi32, #tpu.memory_space<vmem>>)
      tpu.yield
    }) : () -> ()
    %dma_start3A = arith.constant 0 : i32
    %dma_start3A_7 = arith.constant 0 : i32
    %dma_start3A_8 = tpu.memref_slice %arg10[%dma_start3A_7] : memref<512xf32, #tpu.memory_space<vmem>> -> memref<128xf32, #tpu.memory_space<vmem>>
    %dma_start3A_9 = arith.constant 0 : i32
    %dma_start3A_10 = tpu.memref_slice %arg8[%dma_start3A, %dma_start3A_9] : memref<4x128xi32, #tpu.memory_space<vmem>> -> memref<1x128xi32, #tpu.memory_space<vmem>>
    %dma_start3A_11 = tpu.memref_squeeze %dma_start3A_10 : memref<1x128xi32, #tpu.memory_space<vmem>> -> memref<128xi32, #tpu.memory_space<vmem>>
    %dma_start3A_12 = arith.constant 0 : i32
    %dma_start3A_13 = tpu.memref_slice %arg4[%dma_start3A_12] : memref<1000000xf32, #tpu.memory_space<hbm>> -> memref<1000000xf32, #tpu.memory_space<hbm>>
    tpu.enqueue_indirect_dma source(%dma_start3A_13 : memref<1000000xf32, #tpu.memory_space<hbm>>) target(%dma_start3A_8 : memref<128xf32, #tpu.memory_space<vmem>>) offsets(%dma_start3A_11 : memref<128xi32, #tpu.memory_space<vmem>>) semaphore(%arg12 : memref<!tpu.dma_semaphore, #tpu.memory_space<semaphore_mem>>)
    %dma_start3A_14 = arith.constant 0 : i32
    %dma_start3A_15 = arith.constant 0 : i32
    %dma_start3A_16 = tpu.memref_slice %arg11[%dma_start3A_15] : memref<512xf32, #tpu.memory_space<vmem>> -> memref<128xf32, #tpu.memory_space<vmem>>
    %dma_start3A_17 = arith.constant 0 : i32
    %dma_start3A_18 = tpu.memref_slice %arg9[%dma_start3A_14, %dma_start3A_17] : memref<4x128xi32, #tpu.memory_space<vmem>> -> memref<1x128xi32, #tpu.memory_space<vmem>>
    %dma_start3A_19 = tpu.memref_squeeze %dma_start3A_18 : memref<1x128xi32, #tpu.memory_space<vmem>> -> memref<128xi32, #tpu.memory_space<vmem>>
    %dma_start3A_20 = arith.constant 0 : i32
    %dma_start3A_21 = tpu.memref_slice %arg5[%dma_start3A_20] : memref<1000000xf32, #tpu.memory_space<hbm>> -> memref<1000000xf32, #tpu.memory_space<hbm>>
    tpu.enqueue_indirect_dma source(%dma_start3A_21 : memref<1000000xf32, #tpu.memory_space<hbm>>) target(%dma_start3A_16 : memref<128xf32, #tpu.memory_space<vmem>>) offsets(%dma_start3A_19 : memref<128xi32, #tpu.memory_space<vmem>>) semaphore(%arg13 : memref<!tpu.dma_semaphore, #tpu.memory_space<semaphore_mem>>)
    %dma_start3A_22 = arith.constant 1 : i32
    %dma_start3A_23 = arith.constant 128 : i32
    %dma_start3A_24 = tpu.memref_slice %arg10[%dma_start3A_23] : memref<512xf32, #tpu.memory_space<vmem>> -> memref<128xf32, #tpu.memory_space<vmem>>
    %dma_start3A_25 = arith.constant 0 : i32
    %dma_start3A_26 = tpu.memref_slice %arg8[%dma_start3A_22, %dma_start3A_25] : memref<4x128xi32, #tpu.memory_space<vmem>> -> memref<1x128xi32, #tpu.memory_space<vmem>>
    %dma_start3A_27 = tpu.memref_squeeze %dma_start3A_26 : memref<1x128xi32, #tpu.memory_space<vmem>> -> memref<128xi32, #tpu.memory_space<vmem>>
    %dma_start3A_28 = arith.constant 0 : i32
    %dma_start3A_29 = tpu.memref_slice %arg4[%dma_start3A_28] : memref<1000000xf32, #tpu.memory_space<hbm>> -> memref<1000000xf32, #tpu.memory_space<hbm>>
    tpu.enqueue_indirect_dma source(%dma_start3A_29 : memref<1000000xf32, #tpu.memory_space<hbm>>) target(%dma_start3A_24 : memref<128xf32, #tpu.memory_space<vmem>>) offsets(%dma_start3A_27 : memref<128xi32, #tpu.memory_space<vmem>>) semaphore(%arg12 : memref<!tpu.dma_semaphore, #tpu.memory_space<semaphore_mem>>)
    %dma_start3A_30 = arith.constant 1 : i32
    %dma_start3A_31 = arith.constant 128 : i32
    %dma_start3A_32 = tpu.memref_slice %arg11[%dma_start3A_31] : memref<512xf32, #tpu.memory_space<vmem>> -> memref<128xf32, #tpu.memory_space<vmem>>
    %dma_start3A_33 = arith.constant 0 : i32
    %dma_start3A_34 = tpu.memref_slice %arg9[%dma_start3A_30, %dma_start3A_33] : memref<4x128xi32, #tpu.memory_space<vmem>> -> memref<1x128xi32, #tpu.memory_space<vmem>>
    %dma_start3A_35 = tpu.memref_squeeze %dma_start3A_34 : memref<1x128xi32, #tpu.memory_space<vmem>> -> memref<128xi32, #tpu.memory_space<vmem>>
    %dma_start3A_36 = arith.constant 0 : i32
    %dma_start3A_37 = tpu.memref_slice %arg5[%dma_start3A_36] : memref<1000000xf32, #tpu.memory_space<hbm>> -> memref<1000000xf32, #tpu.memory_space<hbm>>
    tpu.enqueue_indirect_dma source(%dma_start3A_37 : memref<1000000xf32, #tpu.memory_space<hbm>>) target(%dma_start3A_32 : memref<128xf32, #tpu.memory_space<vmem>>) offsets(%dma_start3A_35 : memref<128xi32, #tpu.memory_space<vmem>>) semaphore(%arg13 : memref<!tpu.dma_semaphore, #tpu.memory_space<semaphore_mem>>)
    %dma_start3A_38 = arith.constant 2 : i32
    %dma_start3A_39 = arith.constant 256 : i32
    %dma_start3A_40 = tpu.memref_slice %arg10[%dma_start3A_39] : memref<512xf32, #tpu.memory_space<vmem>> -> memref<128xf32, #tpu.memory_space<vmem>>
    %dma_start3A_41 = arith.constant 0 : i32
    %dma_start3A_42 = tpu.memref_slice %arg8[%dma_start3A_38, %dma_start3A_41] : memref<4x128xi32, #tpu.memory_space<vmem>> -> memref<1x128xi32, #tpu.memory_space<vmem>>
    %dma_start3A_43 = tpu.memref_squeeze %dma_start3A_42 : memref<1x128xi32, #tpu.memory_space<vmem>> -> memref<128xi32, #tpu.memory_space<vmem>>
    %dma_start3A_44 = arith.constant 0 : i32
    %dma_start3A_45 = tpu.memref_slice %arg4[%dma_start3A_44] : memref<1000000xf32, #tpu.memory_space<hbm>> -> memref<1000000xf32, #tpu.memory_space<hbm>>
    tpu.enqueue_indirect_dma source(%dma_start3A_45 : memref<1000000xf32, #tpu.memory_space<hbm>>) target(%dma_start3A_40 : memref<128xf32, #tpu.memory_space<vmem>>) offsets(%dma_start3A_43 : memref<128xi32, #tpu.memory_space<vmem>>) semaphore(%arg12 : memref<!tpu.dma_semaphore, #tpu.memory_space<semaphore_mem>>)
    %dma_start3A_46 = arith.constant 2 : i32
    %dma_start3A_47 = arith.constant 256 : i32
    %dma_start3A_48 = tpu.memref_slice %arg11[%dma_start3A_47] : memref<512xf32, #tpu.memory_space<vmem>> -> memref<128xf32, #tpu.memory_space<vmem>>
    %dma_start3A_49 = arith.constant 0 : i32
    %dma_start3A_50 = tpu.memref_slice %arg9[%dma_start3A_46, %dma_start3A_49] : memref<4x128xi32, #tpu.memory_space<vmem>> -> memref<1x128xi32, #tpu.memory_space<vmem>>
    %dma_start3A_51 = tpu.memref_squeeze %dma_start3A_50 : memref<1x128xi32, #tpu.memory_space<vmem>> -> memref<128xi32, #tpu.memory_space<vmem>>
    %dma_start3A_52 = arith.constant 0 : i32
    %dma_start3A_53 = tpu.memref_slice %arg5[%dma_start3A_52] : memref<1000000xf32, #tpu.memory_space<hbm>> -> memref<1000000xf32, #tpu.memory_space<hbm>>
    tpu.enqueue_indirect_dma source(%dma_start3A_53 : memref<1000000xf32, #tpu.memory_space<hbm>>) target(%dma_start3A_48 : memref<128xf32, #tpu.memory_space<vmem>>) offsets(%dma_start3A_51 : memref<128xi32, #tpu.memory_space<vmem>>) semaphore(%arg13 : memref<!tpu.dma_semaphore, #tpu.memory_space<semaphore_mem>>)
    %dma_start3A_54 = arith.constant 3 : i32
    %dma_start3A_55 = arith.constant 384 : i32
    %dma_start3A_56 = tpu.memref_slice %arg10[%dma_start3A_55] : memref<512xf32, #tpu.memory_space<vmem>> -> memref<128xf32, #tpu.memory_space<vmem>>
    %dma_start3A_57 = arith.constant 0 : i32
    %dma_start3A_58 = tpu.memref_slice %arg8[%dma_start3A_54, %dma_start3A_57] : memref<4x128xi32, #tpu.memory_space<vmem>> -> memref<1x128xi32, #tpu.memory_space<vmem>>
    %dma_start3A_59 = tpu.memref_squeeze %dma_start3A_58 : memref<1x128xi32, #tpu.memory_space<vmem>> -> memref<128xi32, #tpu.memory_space<vmem>>
    %dma_start3A_60 = arith.constant 0 : i32
    %dma_start3A_61 = tpu.memref_slice %arg4[%dma_start3A_60] : memref<1000000xf32, #tpu.memory_space<hbm>> -> memref<1000000xf32, #tpu.memory_space<hbm>>
    tpu.enqueue_indirect_dma source(%dma_start3A_61 : memref<1000000xf32, #tpu.memory_space<hbm>>) target(%dma_start3A_56 : memref<128xf32, #tpu.memory_space<vmem>>) offsets(%dma_start3A_59 : memref<128xi32, #tpu.memory_space<vmem>>) semaphore(%arg12 : memref<!tpu.dma_semaphore, #tpu.memory_space<semaphore_mem>>)
    %dma_start3A_62 = arith.constant 3 : i32
    %dma_start3A_63 = arith.constant 384 : i32
    %dma_start3A_64 = tpu.memref_slice %arg11[%dma_start3A_63] : memref<512xf32, #tpu.memory_space<vmem>> -> memref<128xf32, #tpu.memory_space<vmem>>
    %dma_start3A_65 = arith.constant 0 : i32
    %dma_start3A_66 = tpu.memref_slice %arg9[%dma_start3A_62, %dma_start3A_65] : memref<4x128xi32, #tpu.memory_space<vmem>> -> memref<1x128xi32, #tpu.memory_space<vmem>>
    %dma_start3A_67 = tpu.memref_squeeze %dma_start3A_66 : memref<1x128xi32, #tpu.memory_space<vmem>> -> memref<128xi32, #tpu.memory_space<vmem>>
    %dma_start3A_68 = arith.constant 0 : i32
    %dma_start3A_69 = tpu.memref_slice %arg5[%dma_start3A_68] : memref<1000000xf32, #tpu.memory_space<hbm>> -> memref<1000000xf32, #tpu.memory_space<hbm>>
    tpu.enqueue_indirect_dma source(%dma_start3A_69 : memref<1000000xf32, #tpu.memory_space<hbm>>) target(%dma_start3A_64 : memref<128xf32, #tpu.memory_space<vmem>>) offsets(%dma_start3A_67 : memref<128xi32, #tpu.memory_space<vmem>>) semaphore(%arg13 : memref<!tpu.dma_semaphore, #tpu.memory_space<semaphore_mem>>)
    %dma_wait3A = arith.constant 0 : i32
    %dma_wait3A_70 = arith.constant 0 : i32
    %dma_wait3A_71 = tpu.memref_slice %arg10[%dma_wait3A_70] : memref<512xf32, #tpu.memory_space<vmem>> -> memref<128xf32, #tpu.memory_space<vmem>>
    %dma_wait3A_72 = arith.constant 0 : i32
    %dma_wait3A_73 = tpu.memref_slice %arg8[%dma_wait3A, %dma_wait3A_72] : memref<4x128xi32, #tpu.memory_space<vmem>> -> memref<1x128xi32, #tpu.memory_space<vmem>>
    %dma_wait3A_74 = tpu.memref_squeeze %dma_wait3A_73 : memref<1x128xi32, #tpu.memory_space<vmem>> -> memref<128xi32, #tpu.memory_space<vmem>>
    %dma_wait3A_75 = arith.constant 0 : i32
    %dma_wait3A_76 = tpu.memref_slice %arg4[%dma_wait3A_75] : memref<1000000xf32, #tpu.memory_space<hbm>> -> memref<1000000xf32, #tpu.memory_space<hbm>>
    tpu.wait_indirect_dma semaphore(%arg12 : memref<!tpu.dma_semaphore, #tpu.memory_space<semaphore_mem>>) src(%dma_wait3A_76 : memref<1000000xf32, #tpu.memory_space<hbm>>) dst(%dma_wait3A_71 : memref<128xf32, #tpu.memory_space<vmem>>)
    %dma_wait3A_77 = arith.constant 0 : i32
    %dma_wait3A_78 = arith.constant 0 : i32
    %dma_wait3A_79 = tpu.memref_slice %arg11[%dma_wait3A_78] : memref<512xf32, #tpu.memory_space<vmem>> -> memref<128xf32, #tpu.memory_space<vmem>>
    %dma_wait3A_80 = arith.constant 0 : i32
    %dma_wait3A_81 = tpu.memref_slice %arg9[%dma_wait3A_77, %dma_wait3A_80] : memref<4x128xi32, #tpu.memory_space<vmem>> -> memref<1x128xi32, #tpu.memory_space<vmem>>
    %dma_wait3A_82 = tpu.memref_squeeze %dma_wait3A_81 : memref<1x128xi32, #tpu.memory_space<vmem>> -> memref<128xi32, #tpu.memory_space<vmem>>
    %dma_wait3A_83 = arith.constant 0 : i32
    %dma_wait3A_84 = tpu.memref_slice %arg5[%dma_wait3A_83] : memref<1000000xf32, #tpu.memory_space<hbm>> -> memref<1000000xf32, #tpu.memory_space<hbm>>
    tpu.wait_indirect_dma semaphore(%arg13 : memref<!tpu.dma_semaphore, #tpu.memory_space<semaphore_mem>>) src(%dma_wait3A_84 : memref<1000000xf32, #tpu.memory_space<hbm>>) dst(%dma_wait3A_79 : memref<128xf32, #tpu.memory_space<vmem>>)
    %dma_wait3A_85 = arith.constant 1 : i32
    %dma_wait3A_86 = arith.constant 128 : i32
    %dma_wait3A_87 = tpu.memref_slice %arg10[%dma_wait3A_86] : memref<512xf32, #tpu.memory_space<vmem>> -> memref<128xf32, #tpu.memory_space<vmem>>
    %dma_wait3A_88 = arith.constant 0 : i32
    %dma_wait3A_89 = tpu.memref_slice %arg8[%dma_wait3A_85, %dma_wait3A_88] : memref<4x128xi32, #tpu.memory_space<vmem>> -> memref<1x128xi32, #tpu.memory_space<vmem>>
    %dma_wait3A_90 = tpu.memref_squeeze %dma_wait3A_89 : memref<1x128xi32, #tpu.memory_space<vmem>> -> memref<128xi32, #tpu.memory_space<vmem>>
    %dma_wait3A_91 = arith.constant 0 : i32
    %dma_wait3A_92 = tpu.memref_slice %arg4[%dma_wait3A_91] : memref<1000000xf32, #tpu.memory_space<hbm>> -> memref<1000000xf32, #tpu.memory_space<hbm>>
    tpu.wait_indirect_dma semaphore(%arg12 : memref<!tpu.dma_semaphore, #tpu.memory_space<semaphore_mem>>) src(%dma_wait3A_92 : memref<1000000xf32, #tpu.memory_space<hbm>>) dst(%dma_wait3A_87 : memref<128xf32, #tpu.memory_space<vmem>>)
    %dma_wait3A_93 = arith.constant 1 : i32
    %dma_wait3A_94 = arith.constant 128 : i32
    %dma_wait3A_95 = tpu.memref_slice %arg11[%dma_wait3A_94] : memref<512xf32, #tpu.memory_space<vmem>> -> memref<128xf32, #tpu.memory_space<vmem>>
    %dma_wait3A_96 = arith.constant 0 : i32
    %dma_wait3A_97 = tpu.memref_slice %arg9[%dma_wait3A_93, %dma_wait3A_96] : memref<4x128xi32, #tpu.memory_space<vmem>> -> memref<1x128xi32, #tpu.memory_space<vmem>>
    %dma_wait3A_98 = tpu.memref_squeeze %dma_wait3A_97 : memref<1x128xi32, #tpu.memory_space<vmem>> -> memref<128xi32, #tpu.memory_space<vmem>>
    %dma_wait3A_99 = arith.constant 0 : i32
    %dma_wait3A_100 = tpu.memref_slice %arg5[%dma_wait3A_99] : memref<1000000xf32, #tpu.memory_space<hbm>> -> memref<1000000xf32, #tpu.memory_space<hbm>>
    tpu.wait_indirect_dma semaphore(%arg13 : memref<!tpu.dma_semaphore, #tpu.memory_space<semaphore_mem>>) src(%dma_wait3A_100 : memref<1000000xf32, #tpu.memory_space<hbm>>) dst(%dma_wait3A_95 : memref<128xf32, #tpu.memory_space<vmem>>)
    %dma_wait3A_101 = arith.constant 2 : i32
    %dma_wait3A_102 = arith.constant 256 : i32
    %dma_wait3A_103 = tpu.memref_slice %arg10[%dma_wait3A_102] : memref<512xf32, #tpu.memory_space<vmem>> -> memref<128xf32, #tpu.memory_space<vmem>>
    %dma_wait3A_104 = arith.constant 0 : i32
    %dma_wait3A_105 = tpu.memref_slice %arg8[%dma_wait3A_101, %dma_wait3A_104] : memref<4x128xi32, #tpu.memory_space<vmem>> -> memref<1x128xi32, #tpu.memory_space<vmem>>
    %dma_wait3A_106 = tpu.memref_squeeze %dma_wait3A_105 : memref<1x128xi32, #tpu.memory_space<vmem>> -> memref<128xi32, #tpu.memory_space<vmem>>
    %dma_wait3A_107 = arith.constant 0 : i32
    %dma_wait3A_108 = tpu.memref_slice %arg4[%dma_wait3A_107] : memref<1000000xf32, #tpu.memory_space<hbm>> -> memref<1000000xf32, #tpu.memory_space<hbm>>
    tpu.wait_indirect_dma semaphore(%arg12 : memref<!tpu.dma_semaphore, #tpu.memory_space<semaphore_mem>>) src(%dma_wait3A_108 : memref<1000000xf32, #tpu.memory_space<hbm>>) dst(%dma_wait3A_103 : memref<128xf32, #tpu.memory_space<vmem>>)
    %dma_wait3A_109 = arith.constant 2 : i32
    %dma_wait3A_110 = arith.constant 256 : i32
    %dma_wait3A_111 = tpu.memref_slice %arg11[%dma_wait3A_110] : memref<512xf32, #tpu.memory_space<vmem>> -> memref<128xf32, #tpu.memory_space<vmem>>
    %dma_wait3A_112 = arith.constant 0 : i32
    %dma_wait3A_113 = tpu.memref_slice %arg9[%dma_wait3A_109, %dma_wait3A_112] : memref<4x128xi32, #tpu.memory_space<vmem>> -> memref<1x128xi32, #tpu.memory_space<vmem>>
    %dma_wait3A_114 = tpu.memref_squeeze %dma_wait3A_113 : memref<1x128xi32, #tpu.memory_space<vmem>> -> memref<128xi32, #tpu.memory_space<vmem>>
    %dma_wait3A_115 = arith.constant 0 : i32
    %dma_wait3A_116 = tpu.memref_slice %arg5[%dma_wait3A_115] : memref<1000000xf32, #tpu.memory_space<hbm>> -> memref<1000000xf32, #tpu.memory_space<hbm>>
    tpu.wait_indirect_dma semaphore(%arg13 : memref<!tpu.dma_semaphore, #tpu.memory_space<semaphore_mem>>) src(%dma_wait3A_116 : memref<1000000xf32, #tpu.memory_space<hbm>>) dst(%dma_wait3A_111 : memref<128xf32, #tpu.memory_space<vmem>>)
    %dma_wait3A_117 = arith.constant 3 : i32
    %dma_wait3A_118 = arith.constant 384 : i32
    %dma_wait3A_119 = tpu.memref_slice %arg10[%dma_wait3A_118] : memref<512xf32, #tpu.memory_space<vmem>> -> memref<128xf32, #tpu.memory_space<vmem>>
    %dma_wait3A_120 = arith.constant 0 : i32
    %dma_wait3A_121 = tpu.memref_slice %arg8[%dma_wait3A_117, %dma_wait3A_120] : memref<4x128xi32, #tpu.memory_space<vmem>> -> memref<1x128xi32, #tpu.memory_space<vmem>>
    %dma_wait3A_122 = tpu.memref_squeeze %dma_wait3A_121 : memref<1x128xi32, #tpu.memory_space<vmem>> -> memref<128xi32, #tpu.memory_space<vmem>>
    %dma_wait3A_123 = arith.constant 0 : i32
    %dma_wait3A_124 = tpu.memref_slice %arg4[%dma_wait3A_123] : memref<1000000xf32, #tpu.memory_space<hbm>> -> memref<1000000xf32, #tpu.memory_space<hbm>>
    tpu.wait_indirect_dma semaphore(%arg12 : memref<!tpu.dma_semaphore, #tpu.memory_space<semaphore_mem>>) src(%dma_wait3A_124 : memref<1000000xf32, #tpu.memory_space<hbm>>) dst(%dma_wait3A_119 : memref<128xf32, #tpu.memory_space<vmem>>)
    %dma_wait3A_125 = arith.constant 3 : i32
    %dma_wait3A_126 = arith.constant 384 : i32
    %dma_wait3A_127 = tpu.memref_slice %arg11[%dma_wait3A_126] : memref<512xf32, #tpu.memory_space<vmem>> -> memref<128xf32, #tpu.memory_space<vmem>>
    %dma_wait3A_128 = arith.constant 0 : i32
    %dma_wait3A_129 = tpu.memref_slice %arg9[%dma_wait3A_125, %dma_wait3A_128] : memref<4x128xi32, #tpu.memory_space<vmem>> -> memref<1x128xi32, #tpu.memory_space<vmem>>
    %dma_wait3A_130 = tpu.memref_squeeze %dma_wait3A_129 : memref<1x128xi32, #tpu.memory_space<vmem>> -> memref<128xi32, #tpu.memory_space<vmem>>
    %dma_wait3A_131 = arith.constant 0 : i32
    %dma_wait3A_132 = tpu.memref_slice %arg5[%dma_wait3A_131] : memref<1000000xf32, #tpu.memory_space<hbm>> -> memref<1000000xf32, #tpu.memory_space<hbm>>
    tpu.wait_indirect_dma semaphore(%arg13 : memref<!tpu.dma_semaphore, #tpu.memory_space<semaphore_mem>>) src(%dma_wait3A_132 : memref<1000000xf32, #tpu.memory_space<hbm>>) dst(%dma_wait3A_127 : memref<128xf32, #tpu.memory_space<vmem>>)
    "tpu.region"() ({
      %run_scoped3A = tpu.sem_alloc : memref<!tpu.dma_semaphore, #tpu.memory_space<semaphore_mem>>
      %dma_start3A_133 = tpu.memref_slice %arg6[%mul3A_2] : memref<16384xf32, #tpu.memory_space<hbm>> -> memref<512xf32, #tpu.memory_space<hbm>>
      %dma_start3A_134 = tpu.memref_slice %arg6[%mul3A_2] : memref<16384xf32, #tpu.memory_space<hbm>> -> memref<512xf32, #tpu.memory_space<hbm>>
      tpu.enqueue_dma source(%arg10 : memref<512xf32, #tpu.memory_space<vmem>>) target(%dma_start3A_134 : memref<512xf32, #tpu.memory_space<hbm>>) target_semaphore(%run_scoped3A : memref<!tpu.dma_semaphore, #tpu.memory_space<semaphore_mem>>)
      %dma_wait3A_135 = tpu.memref_slice %arg6[%mul3A_2] : memref<16384xf32, #tpu.memory_space<hbm>> -> memref<512xf32, #tpu.memory_space<hbm>>
      %dma_wait3A_136 = tpu.memref_slice %arg6[%mul3A_2] : memref<16384xf32, #tpu.memory_space<hbm>> -> memref<512xf32, #tpu.memory_space<hbm>>
      tpu.wait_dma2 semaphore(%run_scoped3A : memref<!tpu.dma_semaphore, #tpu.memory_space<semaphore_mem>>) src(%arg10 : memref<512xf32, #tpu.memory_space<vmem>>) dst(%dma_wait3A_136 : memref<512xf32, #tpu.memory_space<hbm>>)
      tpu.yield
    }) : () -> ()
    "tpu.region"() ({
      %run_scoped3A = tpu.sem_alloc : memref<!tpu.dma_semaphore, #tpu.memory_space<semaphore_mem>>
      %dma_start3A_133 = tpu.memref_slice %arg7[%mul3A_2] : memref<16384xf32, #tpu.memory_space<hbm>> -> memref<512xf32, #tpu.memory_space<hbm>>
      %dma_start3A_134 = tpu.memref_slice %arg7[%mul3A_2] : memref<16384xf32, #tpu.memory_space<hbm>> -> memref<512xf32, #tpu.memory_space<hbm>>
      tpu.enqueue_dma source(%arg11 : memref<512xf32, #tpu.memory_space<vmem>>) target(%dma_start3A_134 : memref<512xf32, #tpu.memory_space<hbm>>) target_semaphore(%run_scoped3A : memref<!tpu.dma_semaphore, #tpu.memory_space<semaphore_mem>>)
      %dma_wait3A_135 = tpu.memref_slice %arg7[%mul3A_2] : memref<16384xf32, #tpu.memory_space<hbm>> -> memref<512xf32, #tpu.memory_space<hbm>>
      %dma_wait3A_136 = tpu.memref_slice %arg7[%mul3A_2] : memref<16384xf32, #tpu.memory_space<hbm>> -> memref<512xf32, #tpu.memory_space<hbm>>
      tpu.wait_dma2 semaphore(%run_scoped3A : memref<!tpu.dma_semaphore, #tpu.memory_space<semaphore_mem>>) src(%arg11 : memref<512xf32, #tpu.memory_space<vmem>>) dst(%dma_wait3A_136 : memref<512xf32, #tpu.memory_space<hbm>>)
      tpu.yield
    }) : () -> ()
    return
  }
}

#map = affine_map<(d0, d1) -> (0)>
#map1 = affine_map<(d0, d1) -> (0, 0)>
module attributes {stable_mosaic.version = 14 : i64} {
  func.func @sc_gather_emb(%arg0: i32, %arg1: i32, %arg2: memref<16384xi32, #tpu.memory_space<hbm>>, %arg3: memref<16384xi32, #tpu.memory_space<hbm>>, %arg4: memref<1000000x32xf32, #tpu.memory_space<hbm>>, %arg5: memref<1000000x32xf32, #tpu.memory_space<hbm>>, %arg6: memref<16384x32xf32, #tpu.memory_space<hbm>>, %arg7: memref<16384x32xf32, #tpu.memory_space<hbm>>, %arg8: memref<512xi32, #tpu.memory_space<vmem>>, %arg9: memref<512xi32, #tpu.memory_space<vmem>>, %arg10: memref<256x32xf32, #tpu.memory_space<vmem>>, %arg11: memref<256x32xf32, #tpu.memory_space<vmem>>, %arg12: memref<!tpu.dma_semaphore, #tpu.memory_space<semaphore_mem>>, %arg13: memref<!tpu.dma_semaphore, #tpu.memory_space<semaphore_mem>>) attributes {dimension_semantics = [#tpu.dimension_semantics<core_parallel>, #tpu.dimension_semantics<subcore_parallel>], iteration_bounds = array<i64: 2, 16>, scalar_prefetch = 0 : i64, scratch_operands = 6 : i64, tpu.core_type = #tpu.core_type<sc_vector_subcore>, window_params = [{transform_indices = #map}, {transform_indices = #map}, {transform_indices = #map1}, {transform_indices = #map1}, {transform_indices = #map1}, {transform_indices = #map1}]} {
    %mul3A = arith.constant 2 : i32
    %mul3A_0 = arith.muli %arg1, %mul3A : i32
    %add3A = arith.addi %mul3A_0, %arg0 : i32
    %mul3A_1 = arith.constant 512 : i32
    %mul3A_2 = arith.muli %add3A, %mul3A_1 : i32
    "tpu.region"() ({
      %run_scoped3A = tpu.sem_alloc : memref<!tpu.dma_semaphore, #tpu.memory_space<semaphore_mem>>
      %dma_start3A = tpu.memref_slice %arg2[%mul3A_2] : memref<16384xi32, #tpu.memory_space<hbm>> -> memref<512xi32, #tpu.memory_space<hbm>>
      %dma_start3A_45 = tpu.memref_slice %arg2[%mul3A_2] : memref<16384xi32, #tpu.memory_space<hbm>> -> memref<512xi32, #tpu.memory_space<hbm>>
      tpu.enqueue_dma source(%dma_start3A_45 : memref<512xi32, #tpu.memory_space<hbm>>) target(%arg8 : memref<512xi32, #tpu.memory_space<vmem>>) target_semaphore(%run_scoped3A : memref<!tpu.dma_semaphore, #tpu.memory_space<semaphore_mem>>)
      %dma_wait3A_46 = tpu.memref_slice %arg2[%mul3A_2] : memref<16384xi32, #tpu.memory_space<hbm>> -> memref<512xi32, #tpu.memory_space<hbm>>
      %dma_wait3A_47 = tpu.memref_slice %arg2[%mul3A_2] : memref<16384xi32, #tpu.memory_space<hbm>> -> memref<512xi32, #tpu.memory_space<hbm>>
      tpu.wait_dma2 semaphore(%run_scoped3A : memref<!tpu.dma_semaphore, #tpu.memory_space<semaphore_mem>>) src(%dma_wait3A_47 : memref<512xi32, #tpu.memory_space<hbm>>) dst(%arg8 : memref<512xi32, #tpu.memory_space<vmem>>)
      tpu.yield
    }) : () -> ()
    "tpu.region"() ({
      %run_scoped3A = tpu.sem_alloc : memref<!tpu.dma_semaphore, #tpu.memory_space<semaphore_mem>>
      %dma_start3A = tpu.memref_slice %arg3[%mul3A_2] : memref<16384xi32, #tpu.memory_space<hbm>> -> memref<512xi32, #tpu.memory_space<hbm>>
      %dma_start3A_45 = tpu.memref_slice %arg3[%mul3A_2] : memref<16384xi32, #tpu.memory_space<hbm>> -> memref<512xi32, #tpu.memory_space<hbm>>
      tpu.enqueue_dma source(%dma_start3A_45 : memref<512xi32, #tpu.memory_space<hbm>>) target(%arg9 : memref<512xi32, #tpu.memory_space<vmem>>) target_semaphore(%run_scoped3A : memref<!tpu.dma_semaphore, #tpu.memory_space<semaphore_mem>>)
      %dma_wait3A_46 = tpu.memref_slice %arg3[%mul3A_2] : memref<16384xi32, #tpu.memory_space<hbm>> -> memref<512xi32, #tpu.memory_space<hbm>>
      %dma_wait3A_47 = tpu.memref_slice %arg3[%mul3A_2] : memref<16384xi32, #tpu.memory_space<hbm>> -> memref<512xi32, #tpu.memory_space<hbm>>
      tpu.wait_dma2 semaphore(%run_scoped3A : memref<!tpu.dma_semaphore, #tpu.memory_space<semaphore_mem>>) src(%dma_wait3A_47 : memref<512xi32, #tpu.memory_space<hbm>>) dst(%arg9 : memref<512xi32, #tpu.memory_space<vmem>>)
      tpu.yield
    }) : () -> ()
    %scan3A = arith.constant 0 : i32
    %scan3A_3 = arith.constant 0 : i32
    %scan3A_4 = arith.constant 16 : i32
    %scan3A_5 = arith.addi %scan3A_3, %scan3A_4 : i32
    %scan3A_6 = arith.constant 1 : i32
    scf.for %scan3A_45 = %scan3A_3 to %scan3A_5 step %scan3A_6  : i32 {
      %mul3A_46 = arith.constant 16 : i32
      %mul3A_47 = arith.muli %scan3A_45, %mul3A_46 : i32
      %add3A_48 = arith.constant 0 : i32
      %add3A_49 = arith.addi %add3A_48, %mul3A_47 : i32
      %multiple_of3A = tpu.assume_multiple %add3A_49, 16 : i32
      %mul3A_50 = arith.constant 16 : i32
      %mul3A_51 = arith.muli %scan3A_45, %mul3A_50 : i32
      %multiple_of3A_52 = tpu.assume_multiple %mul3A_51, 16 : i32
      %get3A = arith.index_cast %multiple_of3A : i32 to index
      %get3A_53 = tpu.vector_load %arg8[%get3A] {strides = array<i32>} : memref<512xi32, #tpu.memory_space<vmem>>, vector<16xi32>,
      %get3A_54 = vector.shape_cast %get3A_53 : vector<16xi32> to vector<16xi32>
      %get3A_55 = arith.index_cast %multiple_of3A : i32 to index
      %get3A_56 = tpu.vector_load %arg9[%get3A_55] {strides = array<i32>} : memref<512xi32, #tpu.memory_space<vmem>>, vector<16xi32>,
      %get3A_57 = vector.shape_cast %get3A_56 : vector<16xi32> to vector<16xi32>
      %slice3A = vector.extract_strided_slice %get3A_54 {offsets = [0], sizes = [1], strides = [1]} : vector<16xi32> to vector<1xi32>
      %squeeze3A = vector.extract %slice3A[0] : i32 from vector<1xi32>
      %add3A_58 = arith.constant 0 : i32
      %add3A_59 = arith.addi %multiple_of3A_52, %add3A_58 : i32
      %dma_start3A = arith.constant 0 : i32
      %dma_start3A_60 = tpu.memref_slice %arg10[%add3A_59, %dma_start3A] : memref<256x32xf32, #tpu.memory_space<vmem>> -> memref<1x32xf32, #tpu.memory_space<vmem>>
      %dma_start3A_61 = arith.constant 0 : i32
      %dma_start3A_62 = tpu.memref_slice %arg4[%squeeze3A, %dma_start3A_61] : memref<1000000x32xf32, #tpu.memory_space<hbm>> -> memref<1x32xf32, #tpu.memory_space<hbm>>
      %dma_start3A_63 = arith.constant 0 : i32
      %dma_start3A_64 = tpu.memref_slice %arg10[%add3A_59, %dma_start3A_63] : memref<256x32xf32, #tpu.memory_space<vmem>> -> memref<1x32xf32, #tpu.memory_space<vmem>>
      %dma_start3A_65 = arith.constant 0 : i32
      %dma_start3A_66 = tpu.memref_slice %arg4[%squeeze3A, %dma_start3A_65] : memref<1000000x32xf32, #tpu.memory_space<hbm>> -> memref<1x32xf32, #tpu.memory_space<hbm>>
      tpu.enqueue_dma source(%dma_start3A_66 : memref<1x32xf32, #tpu.memory_space<hbm>>) target(%dma_start3A_64 : memref<1x32xf32, #tpu.memory_space<vmem>>) target_semaphore(%arg12 : memref<!tpu.dma_semaphore, #tpu.memory_space<semaphore_mem>>)
      %slice3A_67 = vector.extract_strided_slice %get3A_57 {offsets = [0], sizes = [1], strides = [1]} : vector<16xi32> to vector<1xi32>
      %squeeze3A_68 = vector.extract %slice3A_67[0] : i32 from vector<1xi32>
      %add3A_69 = arith.constant 0 : i32
      %add3A_70 = arith.addi %multiple_of3A_52, %add3A_69 : i32
      %dma_start3A_71 = arith.constant 0 : i32
      %dma_start3A_72 = tpu.memref_slice %arg11[%add3A_70, %dma_start3A_71] : memref<256x32xf32, #tpu.memory_space<vmem>> -> memref<1x32xf32, #tpu.memory_space<vmem>>
      %dma_start3A_73 = arith.constant 0 : i32
      %dma_start3A_74 = tpu.memref_slice %arg5[%squeeze3A_68, %dma_start3A_73] : memref<1000000x32xf32, #tpu.memory_space<hbm>> -> memref<1x32xf32, #tpu.memory_space<hbm>>
      %dma_start3A_75 = arith.constant 0 : i32
      %dma_start3A_76 = tpu.memref_slice %arg11[%add3A_70, %dma_start3A_75] : memref<256x32xf32, #tpu.memory_space<vmem>> -> memref<1x32xf32, #tpu.memory_space<vmem>>
      %dma_start3A_77 = arith.constant 0 : i32
      %dma_start3A_78 = tpu.memref_slice %arg5[%squeeze3A_68, %dma_start3A_77] : memref<1000000x32xf32, #tpu.memory_space<hbm>> -> memref<1x32xf32, #tpu.memory_space<hbm>>
      tpu.enqueue_dma source(%dma_start3A_78 : memref<1x32xf32, #tpu.memory_space<hbm>>) target(%dma_start3A_76 : memref<1x32xf32, #tpu.memory_space<vmem>>) target_semaphore(%arg13 : memref<!tpu.dma_semaphore, #tpu.memory_space<semaphore_mem>>)
      %slice3A_79 = vector.extract_strided_slice %get3A_54 {offsets = [1], sizes = [1], strides = [1]} : vector<16xi32> to vector<1xi32>
      %squeeze3A_80 = vector.extract %slice3A_79[0] : i32 from vector<1xi32>
      %add3A_81 = arith.constant 1 : i32
      %add3A_82 = arith.addi %multiple_of3A_52, %add3A_81 : i32
      %dma_start3A_83 = arith.constant 0 : i32
      %dma_start3A_84 = tpu.memref_slice %arg10[%add3A_82, %dma_start3A_83] : memref<256x32xf32, #tpu.memory_space<vmem>> -> memref<1x32xf32, #tpu.memory_space<vmem>>
      %dma_start3A_85 = arith.constant 0 : i32
      %dma_start3A_86 = tpu.memref_slice %arg4[%squeeze3A_80, %dma_start3A_85] : memref<1000000x32xf32, #tpu.memory_space<hbm>> -> memref<1x32xf32, #tpu.memory_space<hbm>>
      %dma_start3A_87 = arith.constant 0 : i32
      %dma_start3A_88 = tpu.memref_slice %arg10[%add3A_82, %dma_start3A_87] : memref<256x32xf32, #tpu.memory_space<vmem>> -> memref<1x32xf32, #tpu.memory_space<vmem>>
      %dma_start3A_89 = arith.constant 0 : i32
      %dma_start3A_90 = tpu.memref_slice %arg4[%squeeze3A_80, %dma_start3A_89] : memref<1000000x32xf32, #tpu.memory_space<hbm>> -> memref<1x32xf32, #tpu.memory_space<hbm>>
      tpu.enqueue_dma source(%dma_start3A_90 : memref<1x32xf32, #tpu.memory_space<hbm>>) target(%dma_start3A_88 : memref<1x32xf32, #tpu.memory_space<vmem>>) target_semaphore(%arg12 : memref<!tpu.dma_semaphore, #tpu.memory_space<semaphore_mem>>)
      %slice3A_91 = vector.extract_strided_slice %get3A_57 {offsets = [1], sizes = [1], strides = [1]} : vector<16xi32> to vector<1xi32>
      %squeeze3A_92 = vector.extract %slice3A_91[0] : i32 from vector<1xi32>
      %add3A_93 = arith.constant 1 : i32
      %add3A_94 = arith.addi %multiple_of3A_52, %add3A_93 : i32
      %dma_start3A_95 = arith.constant 0 : i32
      %dma_start3A_96 = tpu.memref_slice %arg11[%add3A_94, %dma_start3A_95] : memref<256x32xf32, #tpu.memory_space<vmem>> -> memref<1x32xf32, #tpu.memory_space<vmem>>
      %dma_start3A_97 = arith.constant 0 : i32
      %dma_start3A_98 = tpu.memref_slice %arg5[%squeeze3A_92, %dma_start3A_97] : memref<1000000x32xf32, #tpu.memory_space<hbm>> -> memref<1x32xf32, #tpu.memory_space<hbm>>
      %dma_start3A_99 = arith.constant 0 : i32
      %dma_start3A_100 = tpu.memref_slice %arg11[%add3A_94, %dma_start3A_99] : memref<256x32xf32, #tpu.memory_space<vmem>> -> memref<1x32xf32, #tpu.memory_space<vmem>>
      %dma_start3A_101 = arith.constant 0 : i32
      %dma_start3A_102 = tpu.memref_slice %arg5[%squeeze3A_92, %dma_start3A_101] : memref<1000000x32xf32, #tpu.memory_space<hbm>> -> memref<1x32xf32, #tpu.memory_space<hbm>>
      tpu.enqueue_dma source(%dma_start3A_102 : memref<1x32xf32, #tpu.memory_space<hbm>>) target(%dma_start3A_100 : memref<1x32xf32, #tpu.memory_space<vmem>>) target_semaphore(%arg13 : memref<!tpu.dma_semaphore, #tpu.memory_space<semaphore_mem>>)
      %slice3A_103 = vector.extract_strided_slice %get3A_54 {offsets = [2], sizes = [1], strides = [1]} : vector<16xi32> to vector<1xi32>
      %squeeze3A_104 = vector.extract %slice3A_103[0] : i32 from vector<1xi32>
      %add3A_105 = arith.constant 2 : i32
      %add3A_106 = arith.addi %multiple_of3A_52, %add3A_105 : i32
      %dma_start3A_107 = arith.constant 0 : i32
      %dma_start3A_108 = tpu.memref_slice %arg10[%add3A_106, %dma_start3A_107] : memref<256x32xf32, #tpu.memory_space<vmem>> -> memref<1x32xf32, #tpu.memory_space<vmem>>
      %dma_start3A_109 = arith.constant 0 : i32
      %dma_start3A_110 = tpu.memref_slice %arg4[%squeeze3A_104, %dma_start3A_109] : memref<1000000x32xf32, #tpu.memory_space<hbm>> -> memref<1x32xf32, #tpu.memory_space<hbm>>
      %dma_start3A_111 = arith.constant 0 : i32
      %dma_start3A_112 = tpu.memref_slice %arg10[%add3A_106, %dma_start3A_111] : memref<256x32xf32, #tpu.memory_space<vmem>> -> memref<1x32xf32, #tpu.memory_space<vmem>>
      %dma_start3A_113 = arith.constant 0 : i32
      %dma_start3A_114 = tpu.memref_slice %arg4[%squeeze3A_104, %dma_start3A_113] : memref<1000000x32xf32, #tpu.memory_space<hbm>> -> memref<1x32xf32, #tpu.memory_space<hbm>>
      tpu.enqueue_dma source(%dma_start3A_114 : memref<1x32xf32, #tpu.memory_space<hbm>>) target(%dma_start3A_112 : memref<1x32xf32, #tpu.memory_space<vmem>>) target_semaphore(%arg12 : memref<!tpu.dma_semaphore, #tpu.memory_space<semaphore_mem>>)
      %slice3A_115 = vector.extract_strided_slice %get3A_57 {offsets = [2], sizes = [1], strides = [1]} : vector<16xi32> to vector<1xi32>
      %squeeze3A_116 = vector.extract %slice3A_115[0] : i32 from vector<1xi32>
      %add3A_117 = arith.constant 2 : i32
      %add3A_118 = arith.addi %multiple_of3A_52, %add3A_117 : i32
      %dma_start3A_119 = arith.constant 0 : i32
      %dma_start3A_120 = tpu.memref_slice %arg11[%add3A_118, %dma_start3A_119] : memref<256x32xf32, #tpu.memory_space<vmem>> -> memref<1x32xf32, #tpu.memory_space<vmem>>
      %dma_start3A_121 = arith.constant 0 : i32
      %dma_start3A_122 = tpu.memref_slice %arg5[%squeeze3A_116, %dma_start3A_121] : memref<1000000x32xf32, #tpu.memory_space<hbm>> -> memref<1x32xf32, #tpu.memory_space<hbm>>
      %dma_start3A_123 = arith.constant 0 : i32
      %dma_start3A_124 = tpu.memref_slice %arg11[%add3A_118, %dma_start3A_123] : memref<256x32xf32, #tpu.memory_space<vmem>> -> memref<1x32xf32, #tpu.memory_space<vmem>>
      %dma_start3A_125 = arith.constant 0 : i32
      %dma_start3A_126 = tpu.memref_slice %arg5[%squeeze3A_116, %dma_start3A_125] : memref<1000000x32xf32, #tpu.memory_space<hbm>> -> memref<1x32xf32, #tpu.memory_space<hbm>>
      tpu.enqueue_dma source(%dma_start3A_126 : memref<1x32xf32, #tpu.memory_space<hbm>>) target(%dma_start3A_124 : memref<1x32xf32, #tpu.memory_space<vmem>>) target_semaphore(%arg13 : memref<!tpu.dma_semaphore, #tpu.memory_space<semaphore_mem>>)
      %slice3A_127 = vector.extract_strided_slice %get3A_54 {offsets = [3], sizes = [1], strides = [1]} : vector<16xi32> to vector<1xi32>
      %squeeze3A_128 = vector.extract %slice3A_127[0] : i32 from vector<1xi32>
      %add3A_129 = arith.constant 3 : i32
      %add3A_130 = arith.addi %multiple_of3A_52, %add3A_129 : i32
      %dma_start3A_131 = arith.constant 0 : i32
      %dma_start3A_132 = tpu.memref_slice %arg10[%add3A_130, %dma_start3A_131] : memref<256x32xf32, #tpu.memory_space<vmem>> -> memref<1x32xf32, #tpu.memory_space<vmem>>
      %dma_start3A_133 = arith.constant 0 : i32
      %dma_start3A_134 = tpu.memref_slice %arg4[%squeeze3A_128, %dma_start3A_133] : memref<1000000x32xf32, #tpu.memory_space<hbm>> -> memref<1x32xf32, #tpu.memory_space<hbm>>
      %dma_start3A_135 = arith.constant 0 : i32
      %dma_start3A_136 = tpu.memref_slice %arg10[%add3A_130, %dma_start3A_135] : memref<256x32xf32, #tpu.memory_space<vmem>> -> memref<1x32xf32, #tpu.memory_space<vmem>>
      %dma_start3A_137 = arith.constant 0 : i32
      %dma_start3A_138 = tpu.memref_slice %arg4[%squeeze3A_128, %dma_start3A_137] : memref<1000000x32xf32, #tpu.memory_space<hbm>> -> memref<1x32xf32, #tpu.memory_space<hbm>>
      tpu.enqueue_dma source(%dma_start3A_138 : memref<1x32xf32, #tpu.memory_space<hbm>>) target(%dma_start3A_136 : memref<1x32xf32, #tpu.memory_space<vmem>>) target_semaphore(%arg12 : memref<!tpu.dma_semaphore, #tpu.memory_space<semaphore_mem>>)
      %slice3A_139 = vector.extract_strided_slice %get3A_57 {offsets = [3], sizes = [1], strides = [1]} : vector<16xi32> to vector<1xi32>
      %squeeze3A_140 = vector.extract %slice3A_139[0] : i32 from vector<1xi32>
      %add3A_141 = arith.constant 3 : i32
      %add3A_142 = arith.addi %multiple_of3A_52, %add3A_141 : i32
      %dma_start3A_143 = arith.constant 0 : i32
      %dma_start3A_144 = tpu.memref_slice %arg11[%add3A_142, %dma_start3A_143] : memref<256x32xf32, #tpu.memory_space<vmem>> -> memref<1x32xf32, #tpu.memory_space<vmem>>
      %dma_start3A_145 = arith.constant 0 : i32
      %dma_start3A_146 = tpu.memref_slice %arg5[%squeeze3A_140, %dma_start3A_145] : memref<1000000x32xf32, #tpu.memory_space<hbm>> -> memref<1x32xf32, #tpu.memory_space<hbm>>
      %dma_start3A_147 = arith.constant 0 : i32
      %dma_start3A_148 = tpu.memref_slice %arg11[%add3A_142, %dma_start3A_147] : memref<256x32xf32, #tpu.memory_space<vmem>> -> memref<1x32xf32, #tpu.memory_space<vmem>>
      %dma_start3A_149 = arith.constant 0 : i32
      %dma_start3A_150 = tpu.memref_slice %arg5[%squeeze3A_140, %dma_start3A_149] : memref<1000000x32xf32, #tpu.memory_space<hbm>> -> memref<1x32xf32, #tpu.memory_space<hbm>>
      tpu.enqueue_dma source(%dma_start3A_150 : memref<1x32xf32, #tpu.memory_space<hbm>>) target(%dma_start3A_148 : memref<1x32xf32, #tpu.memory_space<vmem>>) target_semaphore(%arg13 : memref<!tpu.dma_semaphore, #tpu.memory_space<semaphore_mem>>)
      %slice3A_151 = vector.extract_strided_slice %get3A_54 {offsets = [4], sizes = [1], strides = [1]} : vector<16xi32> to vector<1xi32>
      %squeeze3A_152 = vector.extract %slice3A_151[0] : i32 from vector<1xi32>
      %add3A_153 = arith.constant 4 : i32
      %add3A_154 = arith.addi %multiple_of3A_52, %add3A_153 : i32
      %dma_start3A_155 = arith.constant 0 : i32
      %dma_start3A_156 = tpu.memref_slice %arg10[%add3A_154, %dma_start3A_155] : memref<256x32xf32, #tpu.memory_space<vmem>> -> memref<1x32xf32, #tpu.memory_space<vmem>>
      %dma_start3A_157 = arith.constant 0 : i32
      %dma_start3A_158 = tpu.memref_slice %arg4[%squeeze3A_152, %dma_start3A_157] : memref<1000000x32xf32, #tpu.memory_space<hbm>> -> memref<1x32xf32, #tpu.memory_space<hbm>>
      %dma_start3A_159 = arith.constant 0 : i32
      %dma_start3A_160 = tpu.memref_slice %arg10[%add3A_154, %dma_start3A_159] : memref<256x32xf32, #tpu.memory_space<vmem>> -> memref<1x32xf32, #tpu.memory_space<vmem>>
      %dma_start3A_161 = arith.constant 0 : i32
      %dma_start3A_162 = tpu.memref_slice %arg4[%squeeze3A_152, %dma_start3A_161] : memref<1000000x32xf32, #tpu.memory_space<hbm>> -> memref<1x32xf32, #tpu.memory_space<hbm>>
      tpu.enqueue_dma source(%dma_start3A_162 : memref<1x32xf32, #tpu.memory_space<hbm>>) target(%dma_start3A_160 : memref<1x32xf32, #tpu.memory_space<vmem>>) target_semaphore(%arg12 : memref<!tpu.dma_semaphore, #tpu.memory_space<semaphore_mem>>)
      %slice3A_163 = vector.extract_strided_slice %get3A_57 {offsets = [4], sizes = [1], strides = [1]} : vector<16xi32> to vector<1xi32>
      %squeeze3A_164 = vector.extract %slice3A_163[0] : i32 from vector<1xi32>
      %add3A_165 = arith.constant 4 : i32
      %add3A_166 = arith.addi %multiple_of3A_52, %add3A_165 : i32
      %dma_start3A_167 = arith.constant 0 : i32
      %dma_start3A_168 = tpu.memref_slice %arg11[%add3A_166, %dma_start3A_167] : memref<256x32xf32, #tpu.memory_space<vmem>> -> memref<1x32xf32, #tpu.memory_space<vmem>>
      %dma_start3A_169 = arith.constant 0 : i32
      %dma_start3A_170 = tpu.memref_slice %arg5[%squeeze3A_164, %dma_start3A_169] : memref<1000000x32xf32, #tpu.memory_space<hbm>> -> memref<1x32xf32, #tpu.memory_space<hbm>>
      %dma_start3A_171 = arith.constant 0 : i32
      %dma_start3A_172 = tpu.memref_slice %arg11[%add3A_166, %dma_start3A_171] : memref<256x32xf32, #tpu.memory_space<vmem>> -> memref<1x32xf32, #tpu.memory_space<vmem>>
      %dma_start3A_173 = arith.constant 0 : i32
      %dma_start3A_174 = tpu.memref_slice %arg5[%squeeze3A_164, %dma_start3A_173] : memref<1000000x32xf32, #tpu.memory_space<hbm>> -> memref<1x32xf32, #tpu.memory_space<hbm>>
      tpu.enqueue_dma source(%dma_start3A_174 : memref<1x32xf32, #tpu.memory_space<hbm>>) target(%dma_start3A_172 : memref<1x32xf32, #tpu.memory_space<vmem>>) target_semaphore(%arg13 : memref<!tpu.dma_semaphore, #tpu.memory_space<semaphore_mem>>)
      %slice3A_175 = vector.extract_strided_slice %get3A_54 {offsets = [5], sizes = [1], strides = [1]} : vector<16xi32> to vector<1xi32>
      %squeeze3A_176 = vector.extract %slice3A_175[0] : i32 from vector<1xi32>
      %add3A_177 = arith.constant 5 : i32
      %add3A_178 = arith.addi %multiple_of3A_52, %add3A_177 : i32
      %dma_start3A_179 = arith.constant 0 : i32
      %dma_start3A_180 = tpu.memref_slice %arg10[%add3A_178, %dma_start3A_179] : memref<256x32xf32, #tpu.memory_space<vmem>> -> memref<1x32xf32, #tpu.memory_space<vmem>>
      %dma_start3A_181 = arith.constant 0 : i32
      %dma_start3A_182 = tpu.memref_slice %arg4[%squeeze3A_176, %dma_start3A_181] : memref<1000000x32xf32, #tpu.memory_space<hbm>> -> memref<1x32xf32, #tpu.memory_space<hbm>>
      %dma_start3A_183 = arith.constant 0 : i32
      %dma_start3A_184 = tpu.memref_slice %arg10[%add3A_178, %dma_start3A_183] : memref<256x32xf32, #tpu.memory_space<vmem>> -> memref<1x32xf32, #tpu.memory_space<vmem>>
      %dma_start3A_185 = arith.constant 0 : i32
      %dma_start3A_186 = tpu.memref_slice %arg4[%squeeze3A_176, %dma_start3A_185] : memref<1000000x32xf32, #tpu.memory_space<hbm>> -> memref<1x32xf32, #tpu.memory_space<hbm>>
      tpu.enqueue_dma source(%dma_start3A_186 : memref<1x32xf32, #tpu.memory_space<hbm>>) target(%dma_start3A_184 : memref<1x32xf32, #tpu.memory_space<vmem>>) target_semaphore(%arg12 : memref<!tpu.dma_semaphore, #tpu.memory_space<semaphore_mem>>)
      %slice3A_187 = vector.extract_strided_slice %get3A_57 {offsets = [5], sizes = [1], strides = [1]} : vector<16xi32> to vector<1xi32>
      %squeeze3A_188 = vector.extract %slice3A_187[0] : i32 from vector<1xi32>
      %add3A_189 = arith.constant 5 : i32
      %add3A_190 = arith.addi %multiple_of3A_52, %add3A_189 : i32
      %dma_start3A_191 = arith.constant 0 : i32
      %dma_start3A_192 = tpu.memref_slice %arg11[%add3A_190, %dma_start3A_191] : memref<256x32xf32, #tpu.memory_space<vmem>> -> memref<1x32xf32, #tpu.memory_space<vmem>>
      %dma_start3A_193 = arith.constant 0 : i32
      %dma_start3A_194 = tpu.memref_slice %arg5[%squeeze3A_188, %dma_start3A_193] : memref<1000000x32xf32, #tpu.memory_space<hbm>> -> memref<1x32xf32, #tpu.memory_space<hbm>>
      %dma_start3A_195 = arith.constant 0 : i32
      %dma_start3A_196 = tpu.memref_slice %arg11[%add3A_190, %dma_start3A_195] : memref<256x32xf32, #tpu.memory_space<vmem>> -> memref<1x32xf32, #tpu.memory_space<vmem>>
      %dma_start3A_197 = arith.constant 0 : i32
      %dma_start3A_198 = tpu.memref_slice %arg5[%squeeze3A_188, %dma_start3A_197] : memref<1000000x32xf32, #tpu.memory_space<hbm>> -> memref<1x32xf32, #tpu.memory_space<hbm>>
      tpu.enqueue_dma source(%dma_start3A_198 : memref<1x32xf32, #tpu.memory_space<hbm>>) target(%dma_start3A_196 : memref<1x32xf32, #tpu.memory_space<vmem>>) target_semaphore(%arg13 : memref<!tpu.dma_semaphore, #tpu.memory_space<semaphore_mem>>)
      %slice3A_199 = vector.extract_strided_slice %get3A_54 {offsets = [6], sizes = [1], strides = [1]} : vector<16xi32> to vector<1xi32>
      %squeeze3A_200 = vector.extract %slice3A_199[0] : i32 from vector<1xi32>
      %add3A_201 = arith.constant 6 : i32
      %add3A_202 = arith.addi %multiple_of3A_52, %add3A_201 : i32
      %dma_start3A_203 = arith.constant 0 : i32
      %dma_start3A_204 = tpu.memref_slice %arg10[%add3A_202, %dma_start3A_203] : memref<256x32xf32, #tpu.memory_space<vmem>> -> memref<1x32xf32, #tpu.memory_space<vmem>>
      %dma_start3A_205 = arith.constant 0 : i32
      %dma_start3A_206 = tpu.memref_slice %arg4[%squeeze3A_200, %dma_start3A_205] : memref<1000000x32xf32, #tpu.memory_space<hbm>> -> memref<1x32xf32, #tpu.memory_space<hbm>>
      %dma_start3A_207 = arith.constant 0 : i32
      %dma_start3A_208 = tpu.memref_slice %arg10[%add3A_202, %dma_start3A_207] : memref<256x32xf32, #tpu.memory_space<vmem>> -> memref<1x32xf32, #tpu.memory_space<vmem>>
      %dma_start3A_209 = arith.constant 0 : i32
      %dma_start3A_210 = tpu.memref_slice %arg4[%squeeze3A_200, %dma_start3A_209] : memref<1000000x32xf32, #tpu.memory_space<hbm>> -> memref<1x32xf32, #tpu.memory_space<hbm>>
      tpu.enqueue_dma source(%dma_start3A_210 : memref<1x32xf32, #tpu.memory_space<hbm>>) target(%dma_start3A_208 : memref<1x32xf32, #tpu.memory_space<vmem>>) target_semaphore(%arg12 : memref<!tpu.dma_semaphore, #tpu.memory_space<semaphore_mem>>)
      %slice3A_211 = vector.extract_strided_slice %get3A_57 {offsets = [6], sizes = [1], strides = [1]} : vector<16xi32> to vector<1xi32>
      %squeeze3A_212 = vector.extract %slice3A_211[0] : i32 from vector<1xi32>
      %add3A_213 = arith.constant 6 : i32
      %add3A_214 = arith.addi %multiple_of3A_52, %add3A_213 : i32
      %dma_start3A_215 = arith.constant 0 : i32
      %dma_start3A_216 = tpu.memref_slice %arg11[%add3A_214, %dma_start3A_215] : memref<256x32xf32, #tpu.memory_space<vmem>> -> memref<1x32xf32, #tpu.memory_space<vmem>>
      %dma_start3A_217 = arith.constant 0 : i32
      %dma_start3A_218 = tpu.memref_slice %arg5[%squeeze3A_212, %dma_start3A_217] : memref<1000000x32xf32, #tpu.memory_space<hbm>> -> memref<1x32xf32, #tpu.memory_space<hbm>>
      %dma_start3A_219 = arith.constant 0 : i32
      %dma_start3A_220 = tpu.memref_slice %arg11[%add3A_214, %dma_start3A_219] : memref<256x32xf32, #tpu.memory_space<vmem>> -> memref<1x32xf32, #tpu.memory_space<vmem>>
      %dma_start3A_221 = arith.constant 0 : i32
      %dma_start3A_222 = tpu.memref_slice %arg5[%squeeze3A_212, %dma_start3A_221] : memref<1000000x32xf32, #tpu.memory_space<hbm>> -> memref<1x32xf32, #tpu.memory_space<hbm>>
      tpu.enqueue_dma source(%dma_start3A_222 : memref<1x32xf32, #tpu.memory_space<hbm>>) target(%dma_start3A_220 : memref<1x32xf32, #tpu.memory_space<vmem>>) target_semaphore(%arg13 : memref<!tpu.dma_semaphore, #tpu.memory_space<semaphore_mem>>)
      %slice3A_223 = vector.extract_strided_slice %get3A_54 {offsets = [7], sizes = [1], strides = [1]} : vector<16xi32> to vector<1xi32>
      %squeeze3A_224 = vector.extract %slice3A_223[0] : i32 from vector<1xi32>
      %add3A_225 = arith.constant 7 : i32
      %add3A_226 = arith.addi %multiple_of3A_52, %add3A_225 : i32
      %dma_start3A_227 = arith.constant 0 : i32
      %dma_start3A_228 = tpu.memref_slice %arg10[%add3A_226, %dma_start3A_227] : memref<256x32xf32, #tpu.memory_space<vmem>> -> memref<1x32xf32, #tpu.memory_space<vmem>>
      %dma_start3A_229 = arith.constant 0 : i32
      %dma_start3A_230 = tpu.memref_slice %arg4[%squeeze3A_224, %dma_start3A_229] : memref<1000000x32xf32, #tpu.memory_space<hbm>> -> memref<1x32xf32, #tpu.memory_space<hbm>>
      %dma_start3A_231 = arith.constant 0 : i32
      %dma_start3A_232 = tpu.memref_slice %arg10[%add3A_226, %dma_start3A_231] : memref<256x32xf32, #tpu.memory_space<vmem>> -> memref<1x32xf32, #tpu.memory_space<vmem>>
      %dma_start3A_233 = arith.constant 0 : i32
      %dma_start3A_234 = tpu.memref_slice %arg4[%squeeze3A_224, %dma_start3A_233] : memref<1000000x32xf32, #tpu.memory_space<hbm>> -> memref<1x32xf32, #tpu.memory_space<hbm>>
      tpu.enqueue_dma source(%dma_start3A_234 : memref<1x32xf32, #tpu.memory_space<hbm>>) target(%dma_start3A_232 : memref<1x32xf32, #tpu.memory_space<vmem>>) target_semaphore(%arg12 : memref<!tpu.dma_semaphore, #tpu.memory_space<semaphore_mem>>)
      %slice3A_235 = vector.extract_strided_slice %get3A_57 {offsets = [7], sizes = [1], strides = [1]} : vector<16xi32> to vector<1xi32>
      %squeeze3A_236 = vector.extract %slice3A_235[0] : i32 from vector<1xi32>
      %add3A_237 = arith.constant 7 : i32
      %add3A_238 = arith.addi %multiple_of3A_52, %add3A_237 : i32
      %dma_start3A_239 = arith.constant 0 : i32
      %dma_start3A_240 = tpu.memref_slice %arg11[%add3A_238, %dma_start3A_239] : memref<256x32xf32, #tpu.memory_space<vmem>> -> memref<1x32xf32, #tpu.memory_space<vmem>>
      %dma_start3A_241 = arith.constant 0 : i32
      %dma_start3A_242 = tpu.memref_slice %arg5[%squeeze3A_236, %dma_start3A_241] : memref<1000000x32xf32, #tpu.memory_space<hbm>> -> memref<1x32xf32, #tpu.memory_space<hbm>>
      %dma_start3A_243 = arith.constant 0 : i32
      %dma_start3A_244 = tpu.memref_slice %arg11[%add3A_238, %dma_start3A_243] : memref<256x32xf32, #tpu.memory_space<vmem>> -> memref<1x32xf32, #tpu.memory_space<vmem>>
      %dma_start3A_245 = arith.constant 0 : i32
      %dma_start3A_246 = tpu.memref_slice %arg5[%squeeze3A_236, %dma_start3A_245] : memref<1000000x32xf32, #tpu.memory_space<hbm>> -> memref<1x32xf32, #tpu.memory_space<hbm>>
      tpu.enqueue_dma source(%dma_start3A_246 : memref<1x32xf32, #tpu.memory_space<hbm>>) target(%dma_start3A_244 : memref<1x32xf32, #tpu.memory_space<vmem>>) target_semaphore(%arg13 : memref<!tpu.dma_semaphore, #tpu.memory_space<semaphore_mem>>)
      %slice3A_247 = vector.extract_strided_slice %get3A_54 {offsets = [8], sizes = [1], strides = [1]} : vector<16xi32> to vector<1xi32>
      %squeeze3A_248 = vector.extract %slice3A_247[0] : i32 from vector<1xi32>
      %add3A_249 = arith.constant 8 : i32
      %add3A_250 = arith.addi %multiple_of3A_52, %add3A_249 : i32
      %dma_start3A_251 = arith.constant 0 : i32
      %dma_start3A_252 = tpu.memref_slice %arg10[%add3A_250, %dma_start3A_251] : memref<256x32xf32, #tpu.memory_space<vmem>> -> memref<1x32xf32, #tpu.memory_space<vmem>>
      %dma_start3A_253 = arith.constant 0 : i32
      %dma_start3A_254 = tpu.memref_slice %arg4[%squeeze3A_248, %dma_start3A_253] : memref<1000000x32xf32, #tpu.memory_space<hbm>> -> memref<1x32xf32, #tpu.memory_space<hbm>>
      %dma_start3A_255 = arith.constant 0 : i32
      %dma_start3A_256 = tpu.memref_slice %arg10[%add3A_250, %dma_start3A_255] : memref<256x32xf32, #tpu.memory_space<vmem>> -> memref<1x32xf32, #tpu.memory_space<vmem>>
      %dma_start3A_257 = arith.constant 0 : i32
      %dma_start3A_258 = tpu.memref_slice %arg4[%squeeze3A_248, %dma_start3A_257] : memref<1000000x32xf32, #tpu.memory_space<hbm>> -> memref<1x32xf32, #tpu.memory_space<hbm>>
      tpu.enqueue_dma source(%dma_start3A_258 : memref<1x32xf32, #tpu.memory_space<hbm>>) target(%dma_start3A_256 : memref<1x32xf32, #tpu.memory_space<vmem>>) target_semaphore(%arg12 : memref<!tpu.dma_semaphore, #tpu.memory_space<semaphore_mem>>)
      %slice3A_259 = vector.extract_strided_slice %get3A_57 {offsets = [8], sizes = [1], strides = [1]} : vector<16xi32> to vector<1xi32>
      %squeeze3A_260 = vector.extract %slice3A_259[0] : i32 from vector<1xi32>
      %add3A_261 = arith.constant 8 : i32
      %add3A_262 = arith.addi %multiple_of3A_52, %add3A_261 : i32
      %dma_start3A_263 = arith.constant 0 : i32
      %dma_start3A_264 = tpu.memref_slice %arg11[%add3A_262, %dma_start3A_263] : memref<256x32xf32, #tpu.memory_space<vmem>> -> memref<1x32xf32, #tpu.memory_space<vmem>>
      %dma_start3A_265 = arith.constant 0 : i32
      %dma_start3A_266 = tpu.memref_slice %arg5[%squeeze3A_260, %dma_start3A_265] : memref<1000000x32xf32, #tpu.memory_space<hbm>> -> memref<1x32xf32, #tpu.memory_space<hbm>>
      %dma_start3A_267 = arith.constant 0 : i32
      %dma_start3A_268 = tpu.memref_slice %arg11[%add3A_262, %dma_start3A_267] : memref<256x32xf32, #tpu.memory_space<vmem>> -> memref<1x32xf32, #tpu.memory_space<vmem>>
      %dma_start3A_269 = arith.constant 0 : i32
      %dma_start3A_270 = tpu.memref_slice %arg5[%squeeze3A_260, %dma_start3A_269] : memref<1000000x32xf32, #tpu.memory_space<hbm>> -> memref<1x32xf32, #tpu.memory_space<hbm>>
      tpu.enqueue_dma source(%dma_start3A_270 : memref<1x32xf32, #tpu.memory_space<hbm>>) target(%dma_start3A_268 : memref<1x32xf32, #tpu.memory_space<vmem>>) target_semaphore(%arg13 : memref<!tpu.dma_semaphore, #tpu.memory_space<semaphore_mem>>)
      %slice3A_271 = vector.extract_strided_slice %get3A_54 {offsets = [9], sizes = [1], strides = [1]} : vector<16xi32> to vector<1xi32>
      %squeeze3A_272 = vector.extract %slice3A_271[0] : i32 from vector<1xi32>
      %add3A_273 = arith.constant 9 : i32
      %add3A_274 = arith.addi %multiple_of3A_52, %add3A_273 : i32
      %dma_start3A_275 = arith.constant 0 : i32
      %dma_start3A_276 = tpu.memref_slice %arg10[%add3A_274, %dma_start3A_275] : memref<256x32xf32, #tpu.memory_space<vmem>> -> memref<1x32xf32, #tpu.memory_space<vmem>>
      %dma_start3A_277 = arith.constant 0 : i32
      %dma_start3A_278 = tpu.memref_slice %arg4[%squeeze3A_272, %dma_start3A_277] : memref<1000000x32xf32, #tpu.memory_space<hbm>> -> memref<1x32xf32, #tpu.memory_space<hbm>>
      %dma_start3A_279 = arith.constant 0 : i32
      %dma_start3A_280 = tpu.memref_slice %arg10[%add3A_274, %dma_start3A_279] : memref<256x32xf32, #tpu.memory_space<vmem>> -> memref<1x32xf32, #tpu.memory_space<vmem>>
      %dma_start3A_281 = arith.constant 0 : i32
      %dma_start3A_282 = tpu.memref_slice %arg4[%squeeze3A_272, %dma_start3A_281] : memref<1000000x32xf32, #tpu.memory_space<hbm>> -> memref<1x32xf32, #tpu.memory_space<hbm>>
      tpu.enqueue_dma source(%dma_start3A_282 : memref<1x32xf32, #tpu.memory_space<hbm>>) target(%dma_start3A_280 : memref<1x32xf32, #tpu.memory_space<vmem>>) target_semaphore(%arg12 : memref<!tpu.dma_semaphore, #tpu.memory_space<semaphore_mem>>)
      %slice3A_283 = vector.extract_strided_slice %get3A_57 {offsets = [9], sizes = [1], strides = [1]} : vector<16xi32> to vector<1xi32>
      %squeeze3A_284 = vector.extract %slice3A_283[0] : i32 from vector<1xi32>
      %add3A_285 = arith.constant 9 : i32
      %add3A_286 = arith.addi %multiple_of3A_52, %add3A_285 : i32
      %dma_start3A_287 = arith.constant 0 : i32
      %dma_start3A_288 = tpu.memref_slice %arg11[%add3A_286, %dma_start3A_287] : memref<256x32xf32, #tpu.memory_space<vmem>> -> memref<1x32xf32, #tpu.memory_space<vmem>>
      %dma_start3A_289 = arith.constant 0 : i32
      %dma_start3A_290 = tpu.memref_slice %arg5[%squeeze3A_284, %dma_start3A_289] : memref<1000000x32xf32, #tpu.memory_space<hbm>> -> memref<1x32xf32, #tpu.memory_space<hbm>>
      %dma_start3A_291 = arith.constant 0 : i32
      %dma_start3A_292 = tpu.memref_slice %arg11[%add3A_286, %dma_start3A_291] : memref<256x32xf32, #tpu.memory_space<vmem>> -> memref<1x32xf32, #tpu.memory_space<vmem>>
      %dma_start3A_293 = arith.constant 0 : i32
      %dma_start3A_294 = tpu.memref_slice %arg5[%squeeze3A_284, %dma_start3A_293] : memref<1000000x32xf32, #tpu.memory_space<hbm>> -> memref<1x32xf32, #tpu.memory_space<hbm>>
      tpu.enqueue_dma source(%dma_start3A_294 : memref<1x32xf32, #tpu.memory_space<hbm>>) target(%dma_start3A_292 : memref<1x32xf32, #tpu.memory_space<vmem>>) target_semaphore(%arg13 : memref<!tpu.dma_semaphore, #tpu.memory_space<semaphore_mem>>)
      %slice3A_295 = vector.extract_strided_slice %get3A_54 {offsets = [10], sizes = [1], strides = [1]} : vector<16xi32> to vector<1xi32>
      %squeeze3A_296 = vector.extract %slice3A_295[0] : i32 from vector<1xi32>
      %add3A_297 = arith.constant 10 : i32
      %add3A_298 = arith.addi %multiple_of3A_52, %add3A_297 : i32
      %dma_start3A_299 = arith.constant 0 : i32
      %dma_start3A_300 = tpu.memref_slice %arg10[%add3A_298, %dma_start3A_299] : memref<256x32xf32, #tpu.memory_space<vmem>> -> memref<1x32xf32, #tpu.memory_space<vmem>>
      %dma_start3A_301 = arith.constant 0 : i32
      %dma_start3A_302 = tpu.memref_slice %arg4[%squeeze3A_296, %dma_start3A_301] : memref<1000000x32xf32, #tpu.memory_space<hbm>> -> memref<1x32xf32, #tpu.memory_space<hbm>>
      %dma_start3A_303 = arith.constant 0 : i32
      %dma_start3A_304 = tpu.memref_slice %arg10[%add3A_298, %dma_start3A_303] : memref<256x32xf32, #tpu.memory_space<vmem>> -> memref<1x32xf32, #tpu.memory_space<vmem>>
      %dma_start3A_305 = arith.constant 0 : i32
      %dma_start3A_306 = tpu.memref_slice %arg4[%squeeze3A_296, %dma_start3A_305] : memref<1000000x32xf32, #tpu.memory_space<hbm>> -> memref<1x32xf32, #tpu.memory_space<hbm>>
      tpu.enqueue_dma source(%dma_start3A_306 : memref<1x32xf32, #tpu.memory_space<hbm>>) target(%dma_start3A_304 : memref<1x32xf32, #tpu.memory_space<vmem>>) target_semaphore(%arg12 : memref<!tpu.dma_semaphore, #tpu.memory_space<semaphore_mem>>)
      %slice3A_307 = vector.extract_strided_slice %get3A_57 {offsets = [10], sizes = [1], strides = [1]} : vector<16xi32> to vector<1xi32>
      %squeeze3A_308 = vector.extract %slice3A_307[0] : i32 from vector<1xi32>
      %add3A_309 = arith.constant 10 : i32
      %add3A_310 = arith.addi %multiple_of3A_52, %add3A_309 : i32
      %dma_start3A_311 = arith.constant 0 : i32
      %dma_start3A_312 = tpu.memref_slice %arg11[%add3A_310, %dma_start3A_311] : memref<256x32xf32, #tpu.memory_space<vmem>> -> memref<1x32xf32, #tpu.memory_space<vmem>>
      %dma_start3A_313 = arith.constant 0 : i32
      %dma_start3A_314 = tpu.memref_slice %arg5[%squeeze3A_308, %dma_start3A_313] : memref<1000000x32xf32, #tpu.memory_space<hbm>> -> memref<1x32xf32, #tpu.memory_space<hbm>>
      %dma_start3A_315 = arith.constant 0 : i32
      %dma_start3A_316 = tpu.memref_slice %arg11[%add3A_310, %dma_start3A_315] : memref<256x32xf32, #tpu.memory_space<vmem>> -> memref<1x32xf32, #tpu.memory_space<vmem>>
      %dma_start3A_317 = arith.constant 0 : i32
      %dma_start3A_318 = tpu.memref_slice %arg5[%squeeze3A_308, %dma_start3A_317] : memref<1000000x32xf32, #tpu.memory_space<hbm>> -> memref<1x32xf32, #tpu.memory_space<hbm>>
      tpu.enqueue_dma source(%dma_start3A_318 : memref<1x32xf32, #tpu.memory_space<hbm>>) target(%dma_start3A_316 : memref<1x32xf32, #tpu.memory_space<vmem>>) target_semaphore(%arg13 : memref<!tpu.dma_semaphore, #tpu.memory_space<semaphore_mem>>)
      %slice3A_319 = vector.extract_strided_slice %get3A_54 {offsets = [11], sizes = [1], strides = [1]} : vector<16xi32> to vector<1xi32>
      %squeeze3A_320 = vector.extract %slice3A_319[0] : i32 from vector<1xi32>
      %add3A_321 = arith.constant 11 : i32
      %add3A_322 = arith.addi %multiple_of3A_52, %add3A_321 : i32
      %dma_start3A_323 = arith.constant 0 : i32
      %dma_start3A_324 = tpu.memref_slice %arg10[%add3A_322, %dma_start3A_323] : memref<256x32xf32, #tpu.memory_space<vmem>> -> memref<1x32xf32, #tpu.memory_space<vmem>>
      %dma_start3A_325 = arith.constant 0 : i32
      %dma_start3A_326 = tpu.memref_slice %arg4[%squeeze3A_320, %dma_start3A_325] : memref<1000000x32xf32, #tpu.memory_space<hbm>> -> memref<1x32xf32, #tpu.memory_space<hbm>>
      %dma_start3A_327 = arith.constant 0 : i32
      %dma_start3A_328 = tpu.memref_slice %arg10[%add3A_322, %dma_start3A_327] : memref<256x32xf32, #tpu.memory_space<vmem>> -> memref<1x32xf32, #tpu.memory_space<vmem>>
      %dma_start3A_329 = arith.constant 0 : i32
      %dma_start3A_330 = tpu.memref_slice %arg4[%squeeze3A_320, %dma_start3A_329] : memref<1000000x32xf32, #tpu.memory_space<hbm>> -> memref<1x32xf32, #tpu.memory_space<hbm>>
      tpu.enqueue_dma source(%dma_start3A_330 : memref<1x32xf32, #tpu.memory_space<hbm>>) target(%dma_start3A_328 : memref<1x32xf32, #tpu.memory_space<vmem>>) target_semaphore(%arg12 : memref<!tpu.dma_semaphore, #tpu.memory_space<semaphore_mem>>)
      %slice3A_331 = vector.extract_strided_slice %get3A_57 {offsets = [11], sizes = [1], strides = [1]} : vector<16xi32> to vector<1xi32>
      %squeeze3A_332 = vector.extract %slice3A_331[0] : i32 from vector<1xi32>
      %add3A_333 = arith.constant 11 : i32
      %add3A_334 = arith.addi %multiple_of3A_52, %add3A_333 : i32
      %dma_start3A_335 = arith.constant 0 : i32
      %dma_start3A_336 = tpu.memref_slice %arg11[%add3A_334, %dma_start3A_335] : memref<256x32xf32, #tpu.memory_space<vmem>> -> memref<1x32xf32, #tpu.memory_space<vmem>>
      %dma_start3A_337 = arith.constant 0 : i32
      %dma_start3A_338 = tpu.memref_slice %arg5[%squeeze3A_332, %dma_start3A_337] : memref<1000000x32xf32, #tpu.memory_space<hbm>> -> memref<1x32xf32, #tpu.memory_space<hbm>>
      %dma_start3A_339 = arith.constant 0 : i32
      %dma_start3A_340 = tpu.memref_slice %arg11[%add3A_334, %dma_start3A_339] : memref<256x32xf32, #tpu.memory_space<vmem>> -> memref<1x32xf32, #tpu.memory_space<vmem>>
      %dma_start3A_341 = arith.constant 0 : i32
      %dma_start3A_342 = tpu.memref_slice %arg5[%squeeze3A_332, %dma_start3A_341] : memref<1000000x32xf32, #tpu.memory_space<hbm>> -> memref<1x32xf32, #tpu.memory_space<hbm>>
      tpu.enqueue_dma source(%dma_start3A_342 : memref<1x32xf32, #tpu.memory_space<hbm>>) target(%dma_start3A_340 : memref<1x32xf32, #tpu.memory_space<vmem>>) target_semaphore(%arg13 : memref<!tpu.dma_semaphore, #tpu.memory_space<semaphore_mem>>)
      %slice3A_343 = vector.extract_strided_slice %get3A_54 {offsets = [12], sizes = [1], strides = [1]} : vector<16xi32> to vector<1xi32>
      %squeeze3A_344 = vector.extract %slice3A_343[0] : i32 from vector<1xi32>
      %add3A_345 = arith.constant 12 : i32
      %add3A_346 = arith.addi %multiple_of3A_52, %add3A_345 : i32
      %dma_start3A_347 = arith.constant 0 : i32
      %dma_start3A_348 = tpu.memref_slice %arg10[%add3A_346, %dma_start3A_347] : memref<256x32xf32, #tpu.memory_space<vmem>> -> memref<1x32xf32, #tpu.memory_space<vmem>>
      %dma_start3A_349 = arith.constant 0 : i32
      %dma_start3A_350 = tpu.memref_slice %arg4[%squeeze3A_344, %dma_start3A_349] : memref<1000000x32xf32, #tpu.memory_space<hbm>> -> memref<1x32xf32, #tpu.memory_space<hbm>>
      %dma_start3A_351 = arith.constant 0 : i32
      %dma_start3A_352 = tpu.memref_slice %arg10[%add3A_346, %dma_start3A_351] : memref<256x32xf32, #tpu.memory_space<vmem>> -> memref<1x32xf32, #tpu.memory_space<vmem>>
      %dma_start3A_353 = arith.constant 0 : i32
      %dma_start3A_354 = tpu.memref_slice %arg4[%squeeze3A_344, %dma_start3A_353] : memref<1000000x32xf32, #tpu.memory_space<hbm>> -> memref<1x32xf32, #tpu.memory_space<hbm>>
      tpu.enqueue_dma source(%dma_start3A_354 : memref<1x32xf32, #tpu.memory_space<hbm>>) target(%dma_start3A_352 : memref<1x32xf32, #tpu.memory_space<vmem>>) target_semaphore(%arg12 : memref<!tpu.dma_semaphore, #tpu.memory_space<semaphore_mem>>)
      %slice3A_355 = vector.extract_strided_slice %get3A_57 {offsets = [12], sizes = [1], strides = [1]} : vector<16xi32> to vector<1xi32>
      %squeeze3A_356 = vector.extract %slice3A_355[0] : i32 from vector<1xi32>
      %add3A_357 = arith.constant 12 : i32
      %add3A_358 = arith.addi %multiple_of3A_52, %add3A_357 : i32
      %dma_start3A_359 = arith.constant 0 : i32
      %dma_start3A_360 = tpu.memref_slice %arg11[%add3A_358, %dma_start3A_359] : memref<256x32xf32, #tpu.memory_space<vmem>> -> memref<1x32xf32, #tpu.memory_space<vmem>>
      %dma_start3A_361 = arith.constant 0 : i32
      %dma_start3A_362 = tpu.memref_slice %arg5[%squeeze3A_356, %dma_start3A_361] : memref<1000000x32xf32, #tpu.memory_space<hbm>> -> memref<1x32xf32, #tpu.memory_space<hbm>>
      %dma_start3A_363 = arith.constant 0 : i32
      %dma_start3A_364 = tpu.memref_slice %arg11[%add3A_358, %dma_start3A_363] : memref<256x32xf32, #tpu.memory_space<vmem>> -> memref<1x32xf32, #tpu.memory_space<vmem>>
      %dma_start3A_365 = arith.constant 0 : i32
      %dma_start3A_366 = tpu.memref_slice %arg5[%squeeze3A_356, %dma_start3A_365] : memref<1000000x32xf32, #tpu.memory_space<hbm>> -> memref<1x32xf32, #tpu.memory_space<hbm>>
      tpu.enqueue_dma source(%dma_start3A_366 : memref<1x32xf32, #tpu.memory_space<hbm>>) target(%dma_start3A_364 : memref<1x32xf32, #tpu.memory_space<vmem>>) target_semaphore(%arg13 : memref<!tpu.dma_semaphore, #tpu.memory_space<semaphore_mem>>)
      %slice3A_367 = vector.extract_strided_slice %get3A_54 {offsets = [13], sizes = [1], strides = [1]} : vector<16xi32> to vector<1xi32>
      %squeeze3A_368 = vector.extract %slice3A_367[0] : i32 from vector<1xi32>
      %add3A_369 = arith.constant 13 : i32
      %add3A_370 = arith.addi %multiple_of3A_52, %add3A_369 : i32
      %dma_start3A_371 = arith.constant 0 : i32
      %dma_start3A_372 = tpu.memref_slice %arg10[%add3A_370, %dma_start3A_371] : memref<256x32xf32, #tpu.memory_space<vmem>> -> memref<1x32xf32, #tpu.memory_space<vmem>>
      %dma_start3A_373 = arith.constant 0 : i32
      %dma_start3A_374 = tpu.memref_slice %arg4[%squeeze3A_368, %dma_start3A_373] : memref<1000000x32xf32, #tpu.memory_space<hbm>> -> memref<1x32xf32, #tpu.memory_space<hbm>>
      %dma_start3A_375 = arith.constant 0 : i32
      %dma_start3A_376 = tpu.memref_slice %arg10[%add3A_370, %dma_start3A_375] : memref<256x32xf32, #tpu.memory_space<vmem>> -> memref<1x32xf32, #tpu.memory_space<vmem>>
      %dma_start3A_377 = arith.constant 0 : i32
      %dma_start3A_378 = tpu.memref_slice %arg4[%squeeze3A_368, %dma_start3A_377] : memref<1000000x32xf32, #tpu.memory_space<hbm>> -> memref<1x32xf32, #tpu.memory_space<hbm>>
      tpu.enqueue_dma source(%dma_start3A_378 : memref<1x32xf32, #tpu.memory_space<hbm>>) target(%dma_start3A_376 : memref<1x32xf32, #tpu.memory_space<vmem>>) target_semaphore(%arg12 : memref<!tpu.dma_semaphore, #tpu.memory_space<semaphore_mem>>)
      %slice3A_379 = vector.extract_strided_slice %get3A_57 {offsets = [13], sizes = [1], strides = [1]} : vector<16xi32> to vector<1xi32>
      %squeeze3A_380 = vector.extract %slice3A_379[0] : i32 from vector<1xi32>
      %add3A_381 = arith.constant 13 : i32
      %add3A_382 = arith.addi %multiple_of3A_52, %add3A_381 : i32
      %dma_start3A_383 = arith.constant 0 : i32
      %dma_start3A_384 = tpu.memref_slice %arg11[%add3A_382, %dma_start3A_383] : memref<256x32xf32, #tpu.memory_space<vmem>> -> memref<1x32xf32, #tpu.memory_space<vmem>>
      %dma_start3A_385 = arith.constant 0 : i32
      %dma_start3A_386 = tpu.memref_slice %arg5[%squeeze3A_380, %dma_start3A_385] : memref<1000000x32xf32, #tpu.memory_space<hbm>> -> memref<1x32xf32, #tpu.memory_space<hbm>>
      %dma_start3A_387 = arith.constant 0 : i32
      %dma_start3A_388 = tpu.memref_slice %arg11[%add3A_382, %dma_start3A_387] : memref<256x32xf32, #tpu.memory_space<vmem>> -> memref<1x32xf32, #tpu.memory_space<vmem>>
      %dma_start3A_389 = arith.constant 0 : i32
      %dma_start3A_390 = tpu.memref_slice %arg5[%squeeze3A_380, %dma_start3A_389] : memref<1000000x32xf32, #tpu.memory_space<hbm>> -> memref<1x32xf32, #tpu.memory_space<hbm>>
      tpu.enqueue_dma source(%dma_start3A_390 : memref<1x32xf32, #tpu.memory_space<hbm>>) target(%dma_start3A_388 : memref<1x32xf32, #tpu.memory_space<vmem>>) target_semaphore(%arg13 : memref<!tpu.dma_semaphore, #tpu.memory_space<semaphore_mem>>)
      %slice3A_391 = vector.extract_strided_slice %get3A_54 {offsets = [14], sizes = [1], strides = [1]} : vector<16xi32> to vector<1xi32>
      %squeeze3A_392 = vector.extract %slice3A_391[0] : i32 from vector<1xi32>
      %add3A_393 = arith.constant 14 : i32
      %add3A_394 = arith.addi %multiple_of3A_52, %add3A_393 : i32
      %dma_start3A_395 = arith.constant 0 : i32
      %dma_start3A_396 = tpu.memref_slice %arg10[%add3A_394, %dma_start3A_395] : memref<256x32xf32, #tpu.memory_space<vmem>> -> memref<1x32xf32, #tpu.memory_space<vmem>>
      %dma_start3A_397 = arith.constant 0 : i32
      %dma_start3A_398 = tpu.memref_slice %arg4[%squeeze3A_392, %dma_start3A_397] : memref<1000000x32xf32, #tpu.memory_space<hbm>> -> memref<1x32xf32, #tpu.memory_space<hbm>>
      %dma_start3A_399 = arith.constant 0 : i32
      %dma_start3A_400 = tpu.memref_slice %arg10[%add3A_394, %dma_start3A_399] : memref<256x32xf32, #tpu.memory_space<vmem>> -> memref<1x32xf32, #tpu.memory_space<vmem>>
      %dma_start3A_401 = arith.constant 0 : i32
      %dma_start3A_402 = tpu.memref_slice %arg4[%squeeze3A_392, %dma_start3A_401] : memref<1000000x32xf32, #tpu.memory_space<hbm>> -> memref<1x32xf32, #tpu.memory_space<hbm>>
      tpu.enqueue_dma source(%dma_start3A_402 : memref<1x32xf32, #tpu.memory_space<hbm>>) target(%dma_start3A_400 : memref<1x32xf32, #tpu.memory_space<vmem>>) target_semaphore(%arg12 : memref<!tpu.dma_semaphore, #tpu.memory_space<semaphore_mem>>)
      %slice3A_403 = vector.extract_strided_slice %get3A_57 {offsets = [14], sizes = [1], strides = [1]} : vector<16xi32> to vector<1xi32>
      %squeeze3A_404 = vector.extract %slice3A_403[0] : i32 from vector<1xi32>
      %add3A_405 = arith.constant 14 : i32
      %add3A_406 = arith.addi %multiple_of3A_52, %add3A_405 : i32
      %dma_start3A_407 = arith.constant 0 : i32
      %dma_start3A_408 = tpu.memref_slice %arg11[%add3A_406, %dma_start3A_407] : memref<256x32xf32, #tpu.memory_space<vmem>> -> memref<1x32xf32, #tpu.memory_space<vmem>>
      %dma_start3A_409 = arith.constant 0 : i32
      %dma_start3A_410 = tpu.memref_slice %arg5[%squeeze3A_404, %dma_start3A_409] : memref<1000000x32xf32, #tpu.memory_space<hbm>> -> memref<1x32xf32, #tpu.memory_space<hbm>>
      %dma_start3A_411 = arith.constant 0 : i32
      %dma_start3A_412 = tpu.memref_slice %arg11[%add3A_406, %dma_start3A_411] : memref<256x32xf32, #tpu.memory_space<vmem>> -> memref<1x32xf32, #tpu.memory_space<vmem>>
      %dma_start3A_413 = arith.constant 0 : i32
      %dma_start3A_414 = tpu.memref_slice %arg5[%squeeze3A_404, %dma_start3A_413] : memref<1000000x32xf32, #tpu.memory_space<hbm>> -> memref<1x32xf32, #tpu.memory_space<hbm>>
      tpu.enqueue_dma source(%dma_start3A_414 : memref<1x32xf32, #tpu.memory_space<hbm>>) target(%dma_start3A_412 : memref<1x32xf32, #tpu.memory_space<vmem>>) target_semaphore(%arg13 : memref<!tpu.dma_semaphore, #tpu.memory_space<semaphore_mem>>)
      %slice3A_415 = vector.extract_strided_slice %get3A_54 {offsets = [15], sizes = [1], strides = [1]} : vector<16xi32> to vector<1xi32>
      %squeeze3A_416 = vector.extract %slice3A_415[0] : i32 from vector<1xi32>
      %add3A_417 = arith.constant 15 : i32
      %add3A_418 = arith.addi %multiple_of3A_52, %add3A_417 : i32
      %dma_start3A_419 = arith.constant 0 : i32
      %dma_start3A_420 = tpu.memref_slice %arg10[%add3A_418, %dma_start3A_419] : memref<256x32xf32, #tpu.memory_space<vmem>> -> memref<1x32xf32, #tpu.memory_space<vmem>>
      %dma_start3A_421 = arith.constant 0 : i32
      %dma_start3A_422 = tpu.memref_slice %arg4[%squeeze3A_416, %dma_start3A_421] : memref<1000000x32xf32, #tpu.memory_space<hbm>> -> memref<1x32xf32, #tpu.memory_space<hbm>>
      %dma_start3A_423 = arith.constant 0 : i32
      %dma_start3A_424 = tpu.memref_slice %arg10[%add3A_418, %dma_start3A_423] : memref<256x32xf32, #tpu.memory_space<vmem>> -> memref<1x32xf32, #tpu.memory_space<vmem>>
      %dma_start3A_425 = arith.constant 0 : i32
      %dma_start3A_426 = tpu.memref_slice %arg4[%squeeze3A_416, %dma_start3A_425] : memref<1000000x32xf32, #tpu.memory_space<hbm>> -> memref<1x32xf32, #tpu.memory_space<hbm>>
      tpu.enqueue_dma source(%dma_start3A_426 : memref<1x32xf32, #tpu.memory_space<hbm>>) target(%dma_start3A_424 : memref<1x32xf32, #tpu.memory_space<vmem>>) target_semaphore(%arg12 : memref<!tpu.dma_semaphore, #tpu.memory_space<semaphore_mem>>)
      %slice3A_427 = vector.extract_strided_slice %get3A_57 {offsets = [15], sizes = [1], strides = [1]} : vector<16xi32> to vector<1xi32>
      %squeeze3A_428 = vector.extract %slice3A_427[0] : i32 from vector<1xi32>
      %add3A_429 = arith.constant 15 : i32
      %add3A_430 = arith.addi %multiple_of3A_52, %add3A_429 : i32
      %dma_start3A_431 = arith.constant 0 : i32
      %dma_start3A_432 = tpu.memref_slice %arg11[%add3A_430, %dma_start3A_431] : memref<256x32xf32, #tpu.memory_space<vmem>> -> memref<1x32xf32, #tpu.memory_space<vmem>>
      %dma_start3A_433 = arith.constant 0 : i32
      %dma_start3A_434 = tpu.memref_slice %arg5[%squeeze3A_428, %dma_start3A_433] : memref<1000000x32xf32, #tpu.memory_space<hbm>> -> memref<1x32xf32, #tpu.memory_space<hbm>>
      %dma_start3A_435 = arith.constant 0 : i32
      %dma_start3A_436 = tpu.memref_slice %arg11[%add3A_430, %dma_start3A_435] : memref<256x32xf32, #tpu.memory_space<vmem>> -> memref<1x32xf32, #tpu.memory_space<vmem>>
      %dma_start3A_437 = arith.constant 0 : i32
      %dma_start3A_438 = tpu.memref_slice %arg5[%squeeze3A_428, %dma_start3A_437] : memref<1000000x32xf32, #tpu.memory_space<hbm>> -> memref<1x32xf32, #tpu.memory_space<hbm>>
      tpu.enqueue_dma source(%dma_start3A_438 : memref<1x32xf32, #tpu.memory_space<hbm>>) target(%dma_start3A_436 : memref<1x32xf32, #tpu.memory_space<vmem>>) target_semaphore(%arg13 : memref<!tpu.dma_semaphore, #tpu.memory_space<semaphore_mem>>)
    }
    %scan3A_7 = arith.constant 16 : i32
    %dma_wait3A = arith.constant 0 : i32
    %dma_wait3A_8 = arith.constant 0 : i32
    %dma_wait3A_9 = tpu.memref_slice %arg4[%dma_wait3A, %dma_wait3A_8] : memref<1000000x32xf32, #tpu.memory_space<hbm>> -> memref<256x32xf32, #tpu.memory_space<hbm>>
    %dma_wait3A_10 = arith.constant 0 : i32
    %dma_wait3A_11 = arith.constant 0 : i32
    %dma_wait3A_12 = tpu.memref_slice %arg4[%dma_wait3A_10, %dma_wait3A_11] : memref<1000000x32xf32, #tpu.memory_space<hbm>> -> memref<256x32xf32, #tpu.memory_space<hbm>>
    tpu.wait_dma2 semaphore(%arg12 : memref<!tpu.dma_semaphore, #tpu.memory_space<semaphore_mem>>) src(%dma_wait3A_12 : memref<256x32xf32, #tpu.memory_space<hbm>>) dst(%arg10 : memref<256x32xf32, #tpu.memory_space<vmem>>)
    %dma_wait3A_13 = arith.constant 0 : i32
    %dma_wait3A_14 = arith.constant 0 : i32
    %dma_wait3A_15 = tpu.memref_slice %arg5[%dma_wait3A_13, %dma_wait3A_14] : memref<1000000x32xf32, #tpu.memory_space<hbm>> -> memref<256x32xf32, #tpu.memory_space<hbm>>
    %dma_wait3A_16 = arith.constant 0 : i32
    %dma_wait3A_17 = arith.constant 0 : i32
    %dma_wait3A_18 = tpu.memref_slice %arg5[%dma_wait3A_16, %dma_wait3A_17] : memref<1000000x32xf32, #tpu.memory_space<hbm>> -> memref<256x32xf32, #tpu.memory_space<hbm>>
    tpu.wait_dma2 semaphore(%arg13 : memref<!tpu.dma_semaphore, #tpu.memory_space<semaphore_mem>>) src(%dma_wait3A_18 : memref<256x32xf32, #tpu.memory_space<hbm>>) dst(%arg11 : memref<256x32xf32, #tpu.memory_space<vmem>>)
    %add3A_19 = arith.constant 0 : i32
    %add3A_20 = arith.addi %mul3A_2, %add3A_19 : i32
    "tpu.region"() ({
      %run_scoped3A = tpu.sem_alloc : memref<!tpu.dma_semaphore, #tpu.memory_space<semaphore_mem>>
      %dma_start3A = arith.constant 0 : i32
      %dma_start3A_45 = tpu.memref_slice %arg6[%add3A_20, %dma_start3A] : memref<16384x32xf32, #tpu.memory_space<hbm>> -> memref<256x32xf32, #tpu.memory_space<hbm>>
      %dma_start3A_46 = arith.constant 0 : i32
      %dma_start3A_47 = tpu.memref_slice %arg6[%add3A_20, %dma_start3A_46] : memref<16384x32xf32, #tpu.memory_space<hbm>> -> memref<256x32xf32, #tpu.memory_space<hbm>>
      tpu.enqueue_dma source(%arg10 : memref<256x32xf32, #tpu.memory_space<vmem>>) target(%dma_start3A_47 : memref<256x32xf32, #tpu.memory_space<hbm>>) target_semaphore(%run_scoped3A : memref<!tpu.dma_semaphore, #tpu.memory_space<semaphore_mem>>)
      %dma_wait3A_48 = arith.constant 0 : i32
      %dma_wait3A_49 = tpu.memref_slice %arg6[%add3A_20, %dma_wait3A_48] : memref<16384x32xf32, #tpu.memory_space<hbm>> -> memref<256x32xf32, #tpu.memory_space<hbm>>
      %dma_wait3A_50 = arith.constant 0 : i32
      %dma_wait3A_51 = tpu.memref_slice %arg6[%add3A_20, %dma_wait3A_50] : memref<16384x32xf32, #tpu.memory_space<hbm>> -> memref<256x32xf32, #tpu.memory_space<hbm>>
      tpu.wait_dma2 semaphore(%run_scoped3A : memref<!tpu.dma_semaphore, #tpu.memory_space<semaphore_mem>>) src(%arg10 : memref<256x32xf32, #tpu.memory_space<vmem>>) dst(%dma_wait3A_51 : memref<256x32xf32, #tpu.memory_space<hbm>>)
      tpu.yield
    }) : () -> ()
    %add3A_21 = arith.constant 0 : i32
    %add3A_22 = arith.addi %mul3A_2, %add3A_21 : i32
    "tpu.region"() ({
      %run_scoped3A = tpu.sem_alloc : memref<!tpu.dma_semaphore, #tpu.memory_space<semaphore_mem>>
      %dma_start3A = arith.constant 0 : i32
      %dma_start3A_45 = tpu.memref_slice %arg7[%add3A_22, %dma_start3A] : memref<16384x32xf32, #tpu.memory_space<hbm>> -> memref<256x32xf32, #tpu.memory_space<hbm>>
      %dma_start3A_46 = arith.constant 0 : i32
      %dma_start3A_47 = tpu.memref_slice %arg7[%add3A_22, %dma_start3A_46] : memref<16384x32xf32, #tpu.memory_space<hbm>> -> memref<256x32xf32, #tpu.memory_space<hbm>>
      tpu.enqueue_dma source(%arg11 : memref<256x32xf32, #tpu.memory_space<vmem>>) target(%dma_start3A_47 : memref<256x32xf32, #tpu.memory_space<hbm>>) target_semaphore(%run_scoped3A : memref<!tpu.dma_semaphore, #tpu.memory_space<semaphore_mem>>)
      %dma_wait3A_48 = arith.constant 0 : i32
      %dma_wait3A_49 = tpu.memref_slice %arg7[%add3A_22, %dma_wait3A_48] : memref<16384x32xf32, #tpu.memory_space<hbm>> -> memref<256x32xf32, #tpu.memory_space<hbm>>
      %dma_wait3A_50 = arith.constant 0 : i32
      %dma_wait3A_51 = tpu.memref_slice %arg7[%add3A_22, %dma_wait3A_50] : memref<16384x32xf32, #tpu.memory_space<hbm>> -> memref<256x32xf32, #tpu.memory_space<hbm>>
      tpu.wait_dma2 semaphore(%run_scoped3A : memref<!tpu.dma_semaphore, #tpu.memory_space<semaphore_mem>>) src(%arg11 : memref<256x32xf32, #tpu.memory_space<vmem>>) dst(%dma_wait3A_51 : memref<256x32xf32, #tpu.memory_space<hbm>>)
      tpu.yield
    }) : () -> ()
    %scan3A_23 = arith.constant 0 : i32
    %scan3A_24 = arith.constant 0 : i32
    %scan3A_25 = arith.constant 16 : i32
    %scan3A_26 = arith.addi %scan3A_24, %scan3A_25 : i32
    %scan3A_27 = arith.constant 1 : i32
    scf.for %scan3A_45 = %scan3A_24 to %scan3A_26 step %scan3A_27  : i32 {
      %mul3A_46 = arith.constant 16 : i32
      %mul3A_47 = arith.muli %scan3A_45, %mul3A_46 : i32
      %add3A_48 = arith.constant 256 : i32
      %add3A_49 = arith.addi %add3A_48, %mul3A_47 : i32
      %multiple_of3A = tpu.assume_multiple %add3A_49, 16 : i32
      %mul3A_50 = arith.constant 16 : i32
      %mul3A_51 = arith.muli %scan3A_45, %mul3A_50 : i32
      %multiple_of3A_52 = tpu.assume_multiple %mul3A_51, 16 : i32
      %get3A = arith.index_cast %multiple_of3A : i32 to index
      %get3A_53 = tpu.vector_load %arg8[%get3A] {strides = array<i32>} : memref<512xi32, #tpu.memory_space<vmem>>, vector<16xi32>,
      %get3A_54 = vector.shape_cast %get3A_53 : vector<16xi32> to vector<16xi32>
      %get3A_55 = arith.index_cast %multiple_of3A : i32 to index
      %get3A_56 = tpu.vector_load %arg9[%get3A_55] {strides = array<i32>} : memref<512xi32, #tpu.memory_space<vmem>>, vector<16xi32>,
      %get3A_57 = vector.shape_cast %get3A_56 : vector<16xi32> to vector<16xi32>
      %slice3A = vector.extract_strided_slice %get3A_54 {offsets = [0], sizes = [1], strides = [1]} : vector<16xi32> to vector<1xi32>
      %squeeze3A = vector.extract %slice3A[0] : i32 from vector<1xi32>
      %add3A_58 = arith.constant 0 : i32
      %add3A_59 = arith.addi %multiple_of3A_52, %add3A_58 : i32
      %dma_start3A = arith.constant 0 : i32
      %dma_start3A_60 = tpu.memref_slice %arg10[%add3A_59, %dma_start3A] : memref<256x32xf32, #tpu.memory_space<vmem>> -> memref<1x32xf32, #tpu.memory_space<vmem>>
      %dma_start3A_61 = arith.constant 0 : i32
      %dma_start3A_62 = tpu.memref_slice %arg4[%squeeze3A, %dma_start3A_61] : memref<1000000x32xf32, #tpu.memory_space<hbm>> -> memref<1x32xf32, #tpu.memory_space<hbm>>
      %dma_start3A_63 = arith.constant 0 : i32
      %dma_start3A_64 = tpu.memref_slice %arg10[%add3A_59, %dma_start3A_63] : memref<256x32xf32, #tpu.memory_space<vmem>> -> memref<1x32xf32, #tpu.memory_space<vmem>>
      %dma_start3A_65 = arith.constant 0 : i32
      %dma_start3A_66 = tpu.memref_slice %arg4[%squeeze3A, %dma_start3A_65] : memref<1000000x32xf32, #tpu.memory_space<hbm>> -> memref<1x32xf32, #tpu.memory_space<hbm>>
      tpu.enqueue_dma source(%dma_start3A_66 : memref<1x32xf32, #tpu.memory_space<hbm>>) target(%dma_start3A_64 : memref<1x32xf32, #tpu.memory_space<vmem>>) target_semaphore(%arg12 : memref<!tpu.dma_semaphore, #tpu.memory_space<semaphore_mem>>)
      %slice3A_67 = vector.extract_strided_slice %get3A_57 {offsets = [0], sizes = [1], strides = [1]} : vector<16xi32> to vector<1xi32>
      %squeeze3A_68 = vector.extract %slice3A_67[0] : i32 from vector<1xi32>
      %add3A_69 = arith.constant 0 : i32
      %add3A_70 = arith.addi %multiple_of3A_52, %add3A_69 : i32
      %dma_start3A_71 = arith.constant 0 : i32
      %dma_start3A_72 = tpu.memref_slice %arg11[%add3A_70, %dma_start3A_71] : memref<256x32xf32, #tpu.memory_space<vmem>> -> memref<1x32xf32, #tpu.memory_space<vmem>>
      %dma_start3A_73 = arith.constant 0 : i32
      %dma_start3A_74 = tpu.memref_slice %arg5[%squeeze3A_68, %dma_start3A_73] : memref<1000000x32xf32, #tpu.memory_space<hbm>> -> memref<1x32xf32, #tpu.memory_space<hbm>>
      %dma_start3A_75 = arith.constant 0 : i32
      %dma_start3A_76 = tpu.memref_slice %arg11[%add3A_70, %dma_start3A_75] : memref<256x32xf32, #tpu.memory_space<vmem>> -> memref<1x32xf32, #tpu.memory_space<vmem>>
      %dma_start3A_77 = arith.constant 0 : i32
      %dma_start3A_78 = tpu.memref_slice %arg5[%squeeze3A_68, %dma_start3A_77] : memref<1000000x32xf32, #tpu.memory_space<hbm>> -> memref<1x32xf32, #tpu.memory_space<hbm>>
      tpu.enqueue_dma source(%dma_start3A_78 : memref<1x32xf32, #tpu.memory_space<hbm>>) target(%dma_start3A_76 : memref<1x32xf32, #tpu.memory_space<vmem>>) target_semaphore(%arg13 : memref<!tpu.dma_semaphore, #tpu.memory_space<semaphore_mem>>)
      %slice3A_79 = vector.extract_strided_slice %get3A_54 {offsets = [1], sizes = [1], strides = [1]} : vector<16xi32> to vector<1xi32>
      %squeeze3A_80 = vector.extract %slice3A_79[0] : i32 from vector<1xi32>
      %add3A_81 = arith.constant 1 : i32
      %add3A_82 = arith.addi %multiple_of3A_52, %add3A_81 : i32
      %dma_start3A_83 = arith.constant 0 : i32
      %dma_start3A_84 = tpu.memref_slice %arg10[%add3A_82, %dma_start3A_83] : memref<256x32xf32, #tpu.memory_space<vmem>> -> memref<1x32xf32, #tpu.memory_space<vmem>>
      %dma_start3A_85 = arith.constant 0 : i32
      %dma_start3A_86 = tpu.memref_slice %arg4[%squeeze3A_80, %dma_start3A_85] : memref<1000000x32xf32, #tpu.memory_space<hbm>> -> memref<1x32xf32, #tpu.memory_space<hbm>>
      %dma_start3A_87 = arith.constant 0 : i32
      %dma_start3A_88 = tpu.memref_slice %arg10[%add3A_82, %dma_start3A_87] : memref<256x32xf32, #tpu.memory_space<vmem>> -> memref<1x32xf32, #tpu.memory_space<vmem>>
      %dma_start3A_89 = arith.constant 0 : i32
      %dma_start3A_90 = tpu.memref_slice %arg4[%squeeze3A_80, %dma_start3A_89] : memref<1000000x32xf32, #tpu.memory_space<hbm>> -> memref<1x32xf32, #tpu.memory_space<hbm>>
      tpu.enqueue_dma source(%dma_start3A_90 : memref<1x32xf32, #tpu.memory_space<hbm>>) target(%dma_start3A_88 : memref<1x32xf32, #tpu.memory_space<vmem>>) target_semaphore(%arg12 : memref<!tpu.dma_semaphore, #tpu.memory_space<semaphore_mem>>)
      %slice3A_91 = vector.extract_strided_slice %get3A_57 {offsets = [1], sizes = [1], strides = [1]} : vector<16xi32> to vector<1xi32>
      %squeeze3A_92 = vector.extract %slice3A_91[0] : i32 from vector<1xi32>
      %add3A_93 = arith.constant 1 : i32
      %add3A_94 = arith.addi %multiple_of3A_52, %add3A_93 : i32
      %dma_start3A_95 = arith.constant 0 : i32
      %dma_start3A_96 = tpu.memref_slice %arg11[%add3A_94, %dma_start3A_95] : memref<256x32xf32, #tpu.memory_space<vmem>> -> memref<1x32xf32, #tpu.memory_space<vmem>>
      %dma_start3A_97 = arith.constant 0 : i32
      %dma_start3A_98 = tpu.memref_slice %arg5[%squeeze3A_92, %dma_start3A_97] : memref<1000000x32xf32, #tpu.memory_space<hbm>> -> memref<1x32xf32, #tpu.memory_space<hbm>>
      %dma_start3A_99 = arith.constant 0 : i32
      %dma_start3A_100 = tpu.memref_slice %arg11[%add3A_94, %dma_start3A_99] : memref<256x32xf32, #tpu.memory_space<vmem>> -> memref<1x32xf32, #tpu.memory_space<vmem>>
      %dma_start3A_101 = arith.constant 0 : i32
      %dma_start3A_102 = tpu.memref_slice %arg5[%squeeze3A_92, %dma_start3A_101] : memref<1000000x32xf32, #tpu.memory_space<hbm>> -> memref<1x32xf32, #tpu.memory_space<hbm>>
      tpu.enqueue_dma source(%dma_start3A_102 : memref<1x32xf32, #tpu.memory_space<hbm>>) target(%dma_start3A_100 : memref<1x32xf32, #tpu.memory_space<vmem>>) target_semaphore(%arg13 : memref<!tpu.dma_semaphore, #tpu.memory_space<semaphore_mem>>)
      %slice3A_103 = vector.extract_strided_slice %get3A_54 {offsets = [2], sizes = [1], strides = [1]} : vector<16xi32> to vector<1xi32>
      %squeeze3A_104 = vector.extract %slice3A_103[0] : i32 from vector<1xi32>
      %add3A_105 = arith.constant 2 : i32
      %add3A_106 = arith.addi %multiple_of3A_52, %add3A_105 : i32
      %dma_start3A_107 = arith.constant 0 : i32
      %dma_start3A_108 = tpu.memref_slice %arg10[%add3A_106, %dma_start3A_107] : memref<256x32xf32, #tpu.memory_space<vmem>> -> memref<1x32xf32, #tpu.memory_space<vmem>>
      %dma_start3A_109 = arith.constant 0 : i32
      %dma_start3A_110 = tpu.memref_slice %arg4[%squeeze3A_104, %dma_start3A_109] : memref<1000000x32xf32, #tpu.memory_space<hbm>> -> memref<1x32xf32, #tpu.memory_space<hbm>>
      %dma_start3A_111 = arith.constant 0 : i32
      %dma_start3A_112 = tpu.memref_slice %arg10[%add3A_106, %dma_start3A_111] : memref<256x32xf32, #tpu.memory_space<vmem>> -> memref<1x32xf32, #tpu.memory_space<vmem>>
      %dma_start3A_113 = arith.constant 0 : i32
      %dma_start3A_114 = tpu.memref_slice %arg4[%squeeze3A_104, %dma_start3A_113] : memref<1000000x32xf32, #tpu.memory_space<hbm>> -> memref<1x32xf32, #tpu.memory_space<hbm>>
      tpu.enqueue_dma source(%dma_start3A_114 : memref<1x32xf32, #tpu.memory_space<hbm>>) target(%dma_start3A_112 : memref<1x32xf32, #tpu.memory_space<vmem>>) target_semaphore(%arg12 : memref<!tpu.dma_semaphore, #tpu.memory_space<semaphore_mem>>)
      %slice3A_115 = vector.extract_strided_slice %get3A_57 {offsets = [2], sizes = [1], strides = [1]} : vector<16xi32> to vector<1xi32>
      %squeeze3A_116 = vector.extract %slice3A_115[0] : i32 from vector<1xi32>
      %add3A_117 = arith.constant 2 : i32
      %add3A_118 = arith.addi %multiple_of3A_52, %add3A_117 : i32
      %dma_start3A_119 = arith.constant 0 : i32
      %dma_start3A_120 = tpu.memref_slice %arg11[%add3A_118, %dma_start3A_119] : memref<256x32xf32, #tpu.memory_space<vmem>> -> memref<1x32xf32, #tpu.memory_space<vmem>>
      %dma_start3A_121 = arith.constant 0 : i32
      %dma_start3A_122 = tpu.memref_slice %arg5[%squeeze3A_116, %dma_start3A_121] : memref<1000000x32xf32, #tpu.memory_space<hbm>> -> memref<1x32xf32, #tpu.memory_space<hbm>>
      %dma_start3A_123 = arith.constant 0 : i32
      %dma_start3A_124 = tpu.memref_slice %arg11[%add3A_118, %dma_start3A_123] : memref<256x32xf32, #tpu.memory_space<vmem>> -> memref<1x32xf32, #tpu.memory_space<vmem>>
      %dma_start3A_125 = arith.constant 0 : i32
      %dma_start3A_126 = tpu.memref_slice %arg5[%squeeze3A_116, %dma_start3A_125] : memref<1000000x32xf32, #tpu.memory_space<hbm>> -> memref<1x32xf32, #tpu.memory_space<hbm>>
      tpu.enqueue_dma source(%dma_start3A_126 : memref<1x32xf32, #tpu.memory_space<hbm>>) target(%dma_start3A_124 : memref<1x32xf32, #tpu.memory_space<vmem>>) target_semaphore(%arg13 : memref<!tpu.dma_semaphore, #tpu.memory_space<semaphore_mem>>)
      %slice3A_127 = vector.extract_strided_slice %get3A_54 {offsets = [3], sizes = [1], strides = [1]} : vector<16xi32> to vector<1xi32>
      %squeeze3A_128 = vector.extract %slice3A_127[0] : i32 from vector<1xi32>
      %add3A_129 = arith.constant 3 : i32
      %add3A_130 = arith.addi %multiple_of3A_52, %add3A_129 : i32
      %dma_start3A_131 = arith.constant 0 : i32
      %dma_start3A_132 = tpu.memref_slice %arg10[%add3A_130, %dma_start3A_131] : memref<256x32xf32, #tpu.memory_space<vmem>> -> memref<1x32xf32, #tpu.memory_space<vmem>>
      %dma_start3A_133 = arith.constant 0 : i32
      %dma_start3A_134 = tpu.memref_slice %arg4[%squeeze3A_128, %dma_start3A_133] : memref<1000000x32xf32, #tpu.memory_space<hbm>> -> memref<1x32xf32, #tpu.memory_space<hbm>>
      %dma_start3A_135 = arith.constant 0 : i32
      %dma_start3A_136 = tpu.memref_slice %arg10[%add3A_130, %dma_start3A_135] : memref<256x32xf32, #tpu.memory_space<vmem>> -> memref<1x32xf32, #tpu.memory_space<vmem>>
      %dma_start3A_137 = arith.constant 0 : i32
      %dma_start3A_138 = tpu.memref_slice %arg4[%squeeze3A_128, %dma_start3A_137] : memref<1000000x32xf32, #tpu.memory_space<hbm>> -> memref<1x32xf32, #tpu.memory_space<hbm>>
      tpu.enqueue_dma source(%dma_start3A_138 : memref<1x32xf32, #tpu.memory_space<hbm>>) target(%dma_start3A_136 : memref<1x32xf32, #tpu.memory_space<vmem>>) target_semaphore(%arg12 : memref<!tpu.dma_semaphore, #tpu.memory_space<semaphore_mem>>)
      %slice3A_139 = vector.extract_strided_slice %get3A_57 {offsets = [3], sizes = [1], strides = [1]} : vector<16xi32> to vector<1xi32>
      %squeeze3A_140 = vector.extract %slice3A_139[0] : i32 from vector<1xi32>
      %add3A_141 = arith.constant 3 : i32
      %add3A_142 = arith.addi %multiple_of3A_52, %add3A_141 : i32
      %dma_start3A_143 = arith.constant 0 : i32
      %dma_start3A_144 = tpu.memref_slice %arg11[%add3A_142, %dma_start3A_143] : memref<256x32xf32, #tpu.memory_space<vmem>> -> memref<1x32xf32, #tpu.memory_space<vmem>>
      %dma_start3A_145 = arith.constant 0 : i32
      %dma_start3A_146 = tpu.memref_slice %arg5[%squeeze3A_140, %dma_start3A_145] : memref<1000000x32xf32, #tpu.memory_space<hbm>> -> memref<1x32xf32, #tpu.memory_space<hbm>>
      %dma_start3A_147 = arith.constant 0 : i32
      %dma_start3A_148 = tpu.memref_slice %arg11[%add3A_142, %dma_start3A_147] : memref<256x32xf32, #tpu.memory_space<vmem>> -> memref<1x32xf32, #tpu.memory_space<vmem>>
      %dma_start3A_149 = arith.constant 0 : i32
      %dma_start3A_150 = tpu.memref_slice %arg5[%squeeze3A_140, %dma_start3A_149] : memref<1000000x32xf32, #tpu.memory_space<hbm>> -> memref<1x32xf32, #tpu.memory_space<hbm>>
      tpu.enqueue_dma source(%dma_start3A_150 : memref<1x32xf32, #tpu.memory_space<hbm>>) target(%dma_start3A_148 : memref<1x32xf32, #tpu.memory_space<vmem>>) target_semaphore(%arg13 : memref<!tpu.dma_semaphore, #tpu.memory_space<semaphore_mem>>)
      %slice3A_151 = vector.extract_strided_slice %get3A_54 {offsets = [4], sizes = [1], strides = [1]} : vector<16xi32> to vector<1xi32>
      %squeeze3A_152 = vector.extract %slice3A_151[0] : i32 from vector<1xi32>
      %add3A_153 = arith.constant 4 : i32
      %add3A_154 = arith.addi %multiple_of3A_52, %add3A_153 : i32
      %dma_start3A_155 = arith.constant 0 : i32
      %dma_start3A_156 = tpu.memref_slice %arg10[%add3A_154, %dma_start3A_155] : memref<256x32xf32, #tpu.memory_space<vmem>> -> memref<1x32xf32, #tpu.memory_space<vmem>>
      %dma_start3A_157 = arith.constant 0 : i32
      %dma_start3A_158 = tpu.memref_slice %arg4[%squeeze3A_152, %dma_start3A_157] : memref<1000000x32xf32, #tpu.memory_space<hbm>> -> memref<1x32xf32, #tpu.memory_space<hbm>>
      %dma_start3A_159 = arith.constant 0 : i32
      %dma_start3A_160 = tpu.memref_slice %arg10[%add3A_154, %dma_start3A_159] : memref<256x32xf32, #tpu.memory_space<vmem>> -> memref<1x32xf32, #tpu.memory_space<vmem>>
      %dma_start3A_161 = arith.constant 0 : i32
      %dma_start3A_162 = tpu.memref_slice %arg4[%squeeze3A_152, %dma_start3A_161] : memref<1000000x32xf32, #tpu.memory_space<hbm>> -> memref<1x32xf32, #tpu.memory_space<hbm>>
      tpu.enqueue_dma source(%dma_start3A_162 : memref<1x32xf32, #tpu.memory_space<hbm>>) target(%dma_start3A_160 : memref<1x32xf32, #tpu.memory_space<vmem>>) target_semaphore(%arg12 : memref<!tpu.dma_semaphore, #tpu.memory_space<semaphore_mem>>)
      %slice3A_163 = vector.extract_strided_slice %get3A_57 {offsets = [4], sizes = [1], strides = [1]} : vector<16xi32> to vector<1xi32>
      %squeeze3A_164 = vector.extract %slice3A_163[0] : i32 from vector<1xi32>
      %add3A_165 = arith.constant 4 : i32
      %add3A_166 = arith.addi %multiple_of3A_52, %add3A_165 : i32
      %dma_start3A_167 = arith.constant 0 : i32
      %dma_start3A_168 = tpu.memref_slice %arg11[%add3A_166, %dma_start3A_167] : memref<256x32xf32, #tpu.memory_space<vmem>> -> memref<1x32xf32, #tpu.memory_space<vmem>>
      %dma_start3A_169 = arith.constant 0 : i32
      %dma_start3A_170 = tpu.memref_slice %arg5[%squeeze3A_164, %dma_start3A_169] : memref<1000000x32xf32, #tpu.memory_space<hbm>> -> memref<1x32xf32, #tpu.memory_space<hbm>>
      %dma_start3A_171 = arith.constant 0 : i32
      %dma_start3A_172 = tpu.memref_slice %arg11[%add3A_166, %dma_start3A_171] : memref<256x32xf32, #tpu.memory_space<vmem>> -> memref<1x32xf32, #tpu.memory_space<vmem>>
      %dma_start3A_173 = arith.constant 0 : i32
      %dma_start3A_174 = tpu.memref_slice %arg5[%squeeze3A_164, %dma_start3A_173] : memref<1000000x32xf32, #tpu.memory_space<hbm>> -> memref<1x32xf32, #tpu.memory_space<hbm>>
      tpu.enqueue_dma source(%dma_start3A_174 : memref<1x32xf32, #tpu.memory_space<hbm>>) target(%dma_start3A_172 : memref<1x32xf32, #tpu.memory_space<vmem>>) target_semaphore(%arg13 : memref<!tpu.dma_semaphore, #tpu.memory_space<semaphore_mem>>)
      %slice3A_175 = vector.extract_strided_slice %get3A_54 {offsets = [5], sizes = [1], strides = [1]} : vector<16xi32> to vector<1xi32>
      %squeeze3A_176 = vector.extract %slice3A_175[0] : i32 from vector<1xi32>
      %add3A_177 = arith.constant 5 : i32
      %add3A_178 = arith.addi %multiple_of3A_52, %add3A_177 : i32
      %dma_start3A_179 = arith.constant 0 : i32
      %dma_start3A_180 = tpu.memref_slice %arg10[%add3A_178, %dma_start3A_179] : memref<256x32xf32, #tpu.memory_space<vmem>> -> memref<1x32xf32, #tpu.memory_space<vmem>>
      %dma_start3A_181 = arith.constant 0 : i32
      %dma_start3A_182 = tpu.memref_slice %arg4[%squeeze3A_176, %dma_start3A_181] : memref<1000000x32xf32, #tpu.memory_space<hbm>> -> memref<1x32xf32, #tpu.memory_space<hbm>>
      %dma_start3A_183 = arith.constant 0 : i32
      %dma_start3A_184 = tpu.memref_slice %arg10[%add3A_178, %dma_start3A_183] : memref<256x32xf32, #tpu.memory_space<vmem>> -> memref<1x32xf32, #tpu.memory_space<vmem>>
      %dma_start3A_185 = arith.constant 0 : i32
      %dma_start3A_186 = tpu.memref_slice %arg4[%squeeze3A_176, %dma_start3A_185] : memref<1000000x32xf32, #tpu.memory_space<hbm>> -> memref<1x32xf32, #tpu.memory_space<hbm>>
      tpu.enqueue_dma source(%dma_start3A_186 : memref<1x32xf32, #tpu.memory_space<hbm>>) target(%dma_start3A_184 : memref<1x32xf32, #tpu.memory_space<vmem>>) target_semaphore(%arg12 : memref<!tpu.dma_semaphore, #tpu.memory_space<semaphore_mem>>)
      %slice3A_187 = vector.extract_strided_slice %get3A_57 {offsets = [5], sizes = [1], strides = [1]} : vector<16xi32> to vector<1xi32>
      %squeeze3A_188 = vector.extract %slice3A_187[0] : i32 from vector<1xi32>
      %add3A_189 = arith.constant 5 : i32
      %add3A_190 = arith.addi %multiple_of3A_52, %add3A_189 : i32
      %dma_start3A_191 = arith.constant 0 : i32
      %dma_start3A_192 = tpu.memref_slice %arg11[%add3A_190, %dma_start3A_191] : memref<256x32xf32, #tpu.memory_space<vmem>> -> memref<1x32xf32, #tpu.memory_space<vmem>>
      %dma_start3A_193 = arith.constant 0 : i32
      %dma_start3A_194 = tpu.memref_slice %arg5[%squeeze3A_188, %dma_start3A_193] : memref<1000000x32xf32, #tpu.memory_space<hbm>> -> memref<1x32xf32, #tpu.memory_space<hbm>>
      %dma_start3A_195 = arith.constant 0 : i32
      %dma_start3A_196 = tpu.memref_slice %arg11[%add3A_190, %dma_start3A_195] : memref<256x32xf32, #tpu.memory_space<vmem>> -> memref<1x32xf32, #tpu.memory_space<vmem>>
      %dma_start3A_197 = arith.constant 0 : i32
      %dma_start3A_198 = tpu.memref_slice %arg5[%squeeze3A_188, %dma_start3A_197] : memref<1000000x32xf32, #tpu.memory_space<hbm>> -> memref<1x32xf32, #tpu.memory_space<hbm>>
      tpu.enqueue_dma source(%dma_start3A_198 : memref<1x32xf32, #tpu.memory_space<hbm>>) target(%dma_start3A_196 : memref<1x32xf32, #tpu.memory_space<vmem>>) target_semaphore(%arg13 : memref<!tpu.dma_semaphore, #tpu.memory_space<semaphore_mem>>)
      %slice3A_199 = vector.extract_strided_slice %get3A_54 {offsets = [6], sizes = [1], strides = [1]} : vector<16xi32> to vector<1xi32>
      %squeeze3A_200 = vector.extract %slice3A_199[0] : i32 from vector<1xi32>
      %add3A_201 = arith.constant 6 : i32
      %add3A_202 = arith.addi %multiple_of3A_52, %add3A_201 : i32
      %dma_start3A_203 = arith.constant 0 : i32
      %dma_start3A_204 = tpu.memref_slice %arg10[%add3A_202, %dma_start3A_203] : memref<256x32xf32, #tpu.memory_space<vmem>> -> memref<1x32xf32, #tpu.memory_space<vmem>>
      %dma_start3A_205 = arith.constant 0 : i32
      %dma_start3A_206 = tpu.memref_slice %arg4[%squeeze3A_200, %dma_start3A_205] : memref<1000000x32xf32, #tpu.memory_space<hbm>> -> memref<1x32xf32, #tpu.memory_space<hbm>>
      %dma_start3A_207 = arith.constant 0 : i32
      %dma_start3A_208 = tpu.memref_slice %arg10[%add3A_202, %dma_start3A_207] : memref<256x32xf32, #tpu.memory_space<vmem>> -> memref<1x32xf32, #tpu.memory_space<vmem>>
      %dma_start3A_209 = arith.constant 0 : i32
      %dma_start3A_210 = tpu.memref_slice %arg4[%squeeze3A_200, %dma_start3A_209] : memref<1000000x32xf32, #tpu.memory_space<hbm>> -> memref<1x32xf32, #tpu.memory_space<hbm>>
      tpu.enqueue_dma source(%dma_start3A_210 : memref<1x32xf32, #tpu.memory_space<hbm>>) target(%dma_start3A_208 : memref<1x32xf32, #tpu.memory_space<vmem>>) target_semaphore(%arg12 : memref<!tpu.dma_semaphore, #tpu.memory_space<semaphore_mem>>)
      %slice3A_211 = vector.extract_strided_slice %get3A_57 {offsets = [6], sizes = [1], strides = [1]} : vector<16xi32> to vector<1xi32>
      %squeeze3A_212 = vector.extract %slice3A_211[0] : i32 from vector<1xi32>
      %add3A_213 = arith.constant 6 : i32
      %add3A_214 = arith.addi %multiple_of3A_52, %add3A_213 : i32
      %dma_start3A_215 = arith.constant 0 : i32
      %dma_start3A_216 = tpu.memref_slice %arg11[%add3A_214, %dma_start3A_215] : memref<256x32xf32, #tpu.memory_space<vmem>> -> memref<1x32xf32, #tpu.memory_space<vmem>>
      %dma_start3A_217 = arith.constant 0 : i32
      %dma_start3A_218 = tpu.memref_slice %arg5[%squeeze3A_212, %dma_start3A_217] : memref<1000000x32xf32, #tpu.memory_space<hbm>> -> memref<1x32xf32, #tpu.memory_space<hbm>>
      %dma_start3A_219 = arith.constant 0 : i32
      %dma_start3A_220 = tpu.memref_slice %arg11[%add3A_214, %dma_start3A_219] : memref<256x32xf32, #tpu.memory_space<vmem>> -> memref<1x32xf32, #tpu.memory_space<vmem>>
      %dma_start3A_221 = arith.constant 0 : i32
      %dma_start3A_222 = tpu.memref_slice %arg5[%squeeze3A_212, %dma_start3A_221] : memref<1000000x32xf32, #tpu.memory_space<hbm>> -> memref<1x32xf32, #tpu.memory_space<hbm>>
      tpu.enqueue_dma source(%dma_start3A_222 : memref<1x32xf32, #tpu.memory_space<hbm>>) target(%dma_start3A_220 : memref<1x32xf32, #tpu.memory_space<vmem>>) target_semaphore(%arg13 : memref<!tpu.dma_semaphore, #tpu.memory_space<semaphore_mem>>)
      %slice3A_223 = vector.extract_strided_slice %get3A_54 {offsets = [7], sizes = [1], strides = [1]} : vector<16xi32> to vector<1xi32>
      %squeeze3A_224 = vector.extract %slice3A_223[0] : i32 from vector<1xi32>
      %add3A_225 = arith.constant 7 : i32
      %add3A_226 = arith.addi %multiple_of3A_52, %add3A_225 : i32
      %dma_start3A_227 = arith.constant 0 : i32
      %dma_start3A_228 = tpu.memref_slice %arg10[%add3A_226, %dma_start3A_227] : memref<256x32xf32, #tpu.memory_space<vmem>> -> memref<1x32xf32, #tpu.memory_space<vmem>>
      %dma_start3A_229 = arith.constant 0 : i32
      %dma_start3A_230 = tpu.memref_slice %arg4[%squeeze3A_224, %dma_start3A_229] : memref<1000000x32xf32, #tpu.memory_space<hbm>> -> memref<1x32xf32, #tpu.memory_space<hbm>>
      %dma_start3A_231 = arith.constant 0 : i32
      %dma_start3A_232 = tpu.memref_slice %arg10[%add3A_226, %dma_start3A_231] : memref<256x32xf32, #tpu.memory_space<vmem>> -> memref<1x32xf32, #tpu.memory_space<vmem>>
      %dma_start3A_233 = arith.constant 0 : i32
      %dma_start3A_234 = tpu.memref_slice %arg4[%squeeze3A_224, %dma_start3A_233] : memref<1000000x32xf32, #tpu.memory_space<hbm>> -> memref<1x32xf32, #tpu.memory_space<hbm>>
      tpu.enqueue_dma source(%dma_start3A_234 : memref<1x32xf32, #tpu.memory_space<hbm>>) target(%dma_start3A_232 : memref<1x32xf32, #tpu.memory_space<vmem>>) target_semaphore(%arg12 : memref<!tpu.dma_semaphore, #tpu.memory_space<semaphore_mem>>)
      %slice3A_235 = vector.extract_strided_slice %get3A_57 {offsets = [7], sizes = [1], strides = [1]} : vector<16xi32> to vector<1xi32>
      %squeeze3A_236 = vector.extract %slice3A_235[0] : i32 from vector<1xi32>
      %add3A_237 = arith.constant 7 : i32
      %add3A_238 = arith.addi %multiple_of3A_52, %add3A_237 : i32
      %dma_start3A_239 = arith.constant 0 : i32
      %dma_start3A_240 = tpu.memref_slice %arg11[%add3A_238, %dma_start3A_239] : memref<256x32xf32, #tpu.memory_space<vmem>> -> memref<1x32xf32, #tpu.memory_space<vmem>>
      %dma_start3A_241 = arith.constant 0 : i32
      %dma_start3A_242 = tpu.memref_slice %arg5[%squeeze3A_236, %dma_start3A_241] : memref<1000000x32xf32, #tpu.memory_space<hbm>> -> memref<1x32xf32, #tpu.memory_space<hbm>>
      %dma_start3A_243 = arith.constant 0 : i32
      %dma_start3A_244 = tpu.memref_slice %arg11[%add3A_238, %dma_start3A_243] : memref<256x32xf32, #tpu.memory_space<vmem>> -> memref<1x32xf32, #tpu.memory_space<vmem>>
      %dma_start3A_245 = arith.constant 0 : i32
      %dma_start3A_246 = tpu.memref_slice %arg5[%squeeze3A_236, %dma_start3A_245] : memref<1000000x32xf32, #tpu.memory_space<hbm>> -> memref<1x32xf32, #tpu.memory_space<hbm>>
      tpu.enqueue_dma source(%dma_start3A_246 : memref<1x32xf32, #tpu.memory_space<hbm>>) target(%dma_start3A_244 : memref<1x32xf32, #tpu.memory_space<vmem>>) target_semaphore(%arg13 : memref<!tpu.dma_semaphore, #tpu.memory_space<semaphore_mem>>)
      %slice3A_247 = vector.extract_strided_slice %get3A_54 {offsets = [8], sizes = [1], strides = [1]} : vector<16xi32> to vector<1xi32>
      %squeeze3A_248 = vector.extract %slice3A_247[0] : i32 from vector<1xi32>
      %add3A_249 = arith.constant 8 : i32
      %add3A_250 = arith.addi %multiple_of3A_52, %add3A_249 : i32
      %dma_start3A_251 = arith.constant 0 : i32
      %dma_start3A_252 = tpu.memref_slice %arg10[%add3A_250, %dma_start3A_251] : memref<256x32xf32, #tpu.memory_space<vmem>> -> memref<1x32xf32, #tpu.memory_space<vmem>>
      %dma_start3A_253 = arith.constant 0 : i32
      %dma_start3A_254 = tpu.memref_slice %arg4[%squeeze3A_248, %dma_start3A_253] : memref<1000000x32xf32, #tpu.memory_space<hbm>> -> memref<1x32xf32, #tpu.memory_space<hbm>>
      %dma_start3A_255 = arith.constant 0 : i32
      %dma_start3A_256 = tpu.memref_slice %arg10[%add3A_250, %dma_start3A_255] : memref<256x32xf32, #tpu.memory_space<vmem>> -> memref<1x32xf32, #tpu.memory_space<vmem>>
      %dma_start3A_257 = arith.constant 0 : i32
      %dma_start3A_258 = tpu.memref_slice %arg4[%squeeze3A_248, %dma_start3A_257] : memref<1000000x32xf32, #tpu.memory_space<hbm>> -> memref<1x32xf32, #tpu.memory_space<hbm>>
      tpu.enqueue_dma source(%dma_start3A_258 : memref<1x32xf32, #tpu.memory_space<hbm>>) target(%dma_start3A_256 : memref<1x32xf32, #tpu.memory_space<vmem>>) target_semaphore(%arg12 : memref<!tpu.dma_semaphore, #tpu.memory_space<semaphore_mem>>)
      %slice3A_259 = vector.extract_strided_slice %get3A_57 {offsets = [8], sizes = [1], strides = [1]} : vector<16xi32> to vector<1xi32>
      %squeeze3A_260 = vector.extract %slice3A_259[0] : i32 from vector<1xi32>
      %add3A_261 = arith.constant 8 : i32
      %add3A_262 = arith.addi %multiple_of3A_52, %add3A_261 : i32
      %dma_start3A_263 = arith.constant 0 : i32
      %dma_start3A_264 = tpu.memref_slice %arg11[%add3A_262, %dma_start3A_263] : memref<256x32xf32, #tpu.memory_space<vmem>> -> memref<1x32xf32, #tpu.memory_space<vmem>>
      %dma_start3A_265 = arith.constant 0 : i32
      %dma_start3A_266 = tpu.memref_slice %arg5[%squeeze3A_260, %dma_start3A_265] : memref<1000000x32xf32, #tpu.memory_space<hbm>> -> memref<1x32xf32, #tpu.memory_space<hbm>>
      %dma_start3A_267 = arith.constant 0 : i32
      %dma_start3A_268 = tpu.memref_slice %arg11[%add3A_262, %dma_start3A_267] : memref<256x32xf32, #tpu.memory_space<vmem>> -> memref<1x32xf32, #tpu.memory_space<vmem>>
      %dma_start3A_269 = arith.constant 0 : i32
      %dma_start3A_270 = tpu.memref_slice %arg5[%squeeze3A_260, %dma_start3A_269] : memref<1000000x32xf32, #tpu.memory_space<hbm>> -> memref<1x32xf32, #tpu.memory_space<hbm>>
      tpu.enqueue_dma source(%dma_start3A_270 : memref<1x32xf32, #tpu.memory_space<hbm>>) target(%dma_start3A_268 : memref<1x32xf32, #tpu.memory_space<vmem>>) target_semaphore(%arg13 : memref<!tpu.dma_semaphore, #tpu.memory_space<semaphore_mem>>)
      %slice3A_271 = vector.extract_strided_slice %get3A_54 {offsets = [9], sizes = [1], strides = [1]} : vector<16xi32> to vector<1xi32>
      %squeeze3A_272 = vector.extract %slice3A_271[0] : i32 from vector<1xi32>
      %add3A_273 = arith.constant 9 : i32
      %add3A_274 = arith.addi %multiple_of3A_52, %add3A_273 : i32
      %dma_start3A_275 = arith.constant 0 : i32
      %dma_start3A_276 = tpu.memref_slice %arg10[%add3A_274, %dma_start3A_275] : memref<256x32xf32, #tpu.memory_space<vmem>> -> memref<1x32xf32, #tpu.memory_space<vmem>>
      %dma_start3A_277 = arith.constant 0 : i32
      %dma_start3A_278 = tpu.memref_slice %arg4[%squeeze3A_272, %dma_start3A_277] : memref<1000000x32xf32, #tpu.memory_space<hbm>> -> memref<1x32xf32, #tpu.memory_space<hbm>>
      %dma_start3A_279 = arith.constant 0 : i32
      %dma_start3A_280 = tpu.memref_slice %arg10[%add3A_274, %dma_start3A_279] : memref<256x32xf32, #tpu.memory_space<vmem>> -> memref<1x32xf32, #tpu.memory_space<vmem>>
      %dma_start3A_281 = arith.constant 0 : i32
      %dma_start3A_282 = tpu.memref_slice %arg4[%squeeze3A_272, %dma_start3A_281] : memref<1000000x32xf32, #tpu.memory_space<hbm>> -> memref<1x32xf32, #tpu.memory_space<hbm>>
      tpu.enqueue_dma source(%dma_start3A_282 : memref<1x32xf32, #tpu.memory_space<hbm>>) target(%dma_start3A_280 : memref<1x32xf32, #tpu.memory_space<vmem>>) target_semaphore(%arg12 : memref<!tpu.dma_semaphore, #tpu.memory_space<semaphore_mem>>)
      %slice3A_283 = vector.extract_strided_slice %get3A_57 {offsets = [9], sizes = [1], strides = [1]} : vector<16xi32> to vector<1xi32>
      %squeeze3A_284 = vector.extract %slice3A_283[0] : i32 from vector<1xi32>
      %add3A_285 = arith.constant 9 : i32
      %add3A_286 = arith.addi %multiple_of3A_52, %add3A_285 : i32
      %dma_start3A_287 = arith.constant 0 : i32
      %dma_start3A_288 = tpu.memref_slice %arg11[%add3A_286, %dma_start3A_287] : memref<256x32xf32, #tpu.memory_space<vmem>> -> memref<1x32xf32, #tpu.memory_space<vmem>>
      %dma_start3A_289 = arith.constant 0 : i32
      %dma_start3A_290 = tpu.memref_slice %arg5[%squeeze3A_284, %dma_start3A_289] : memref<1000000x32xf32, #tpu.memory_space<hbm>> -> memref<1x32xf32, #tpu.memory_space<hbm>>
      %dma_start3A_291 = arith.constant 0 : i32
      %dma_start3A_292 = tpu.memref_slice %arg11[%add3A_286, %dma_start3A_291] : memref<256x32xf32, #tpu.memory_space<vmem>> -> memref<1x32xf32, #tpu.memory_space<vmem>>
      %dma_start3A_293 = arith.constant 0 : i32
      %dma_start3A_294 = tpu.memref_slice %arg5[%squeeze3A_284, %dma_start3A_293] : memref<1000000x32xf32, #tpu.memory_space<hbm>> -> memref<1x32xf32, #tpu.memory_space<hbm>>
      tpu.enqueue_dma source(%dma_start3A_294 : memref<1x32xf32, #tpu.memory_space<hbm>>) target(%dma_start3A_292 : memref<1x32xf32, #tpu.memory_space<vmem>>) target_semaphore(%arg13 : memref<!tpu.dma_semaphore, #tpu.memory_space<semaphore_mem>>)
      %slice3A_295 = vector.extract_strided_slice %get3A_54 {offsets = [10], sizes = [1], strides = [1]} : vector<16xi32> to vector<1xi32>
      %squeeze3A_296 = vector.extract %slice3A_295[0] : i32 from vector<1xi32>
      %add3A_297 = arith.constant 10 : i32
      %add3A_298 = arith.addi %multiple_of3A_52, %add3A_297 : i32
      %dma_start3A_299 = arith.constant 0 : i32
      %dma_start3A_300 = tpu.memref_slice %arg10[%add3A_298, %dma_start3A_299] : memref<256x32xf32, #tpu.memory_space<vmem>> -> memref<1x32xf32, #tpu.memory_space<vmem>>
      %dma_start3A_301 = arith.constant 0 : i32
      %dma_start3A_302 = tpu.memref_slice %arg4[%squeeze3A_296, %dma_start3A_301] : memref<1000000x32xf32, #tpu.memory_space<hbm>> -> memref<1x32xf32, #tpu.memory_space<hbm>>
      %dma_start3A_303 = arith.constant 0 : i32
      %dma_start3A_304 = tpu.memref_slice %arg10[%add3A_298, %dma_start3A_303] : memref<256x32xf32, #tpu.memory_space<vmem>> -> memref<1x32xf32, #tpu.memory_space<vmem>>
      %dma_start3A_305 = arith.constant 0 : i32
      %dma_start3A_306 = tpu.memref_slice %arg4[%squeeze3A_296, %dma_start3A_305] : memref<1000000x32xf32, #tpu.memory_space<hbm>> -> memref<1x32xf32, #tpu.memory_space<hbm>>
      tpu.enqueue_dma source(%dma_start3A_306 : memref<1x32xf32, #tpu.memory_space<hbm>>) target(%dma_start3A_304 : memref<1x32xf32, #tpu.memory_space<vmem>>) target_semaphore(%arg12 : memref<!tpu.dma_semaphore, #tpu.memory_space<semaphore_mem>>)
      %slice3A_307 = vector.extract_strided_slice %get3A_57 {offsets = [10], sizes = [1], strides = [1]} : vector<16xi32> to vector<1xi32>
      %squeeze3A_308 = vector.extract %slice3A_307[0] : i32 from vector<1xi32>
      %add3A_309 = arith.constant 10 : i32
      %add3A_310 = arith.addi %multiple_of3A_52, %add3A_309 : i32
      %dma_start3A_311 = arith.constant 0 : i32
      %dma_start3A_312 = tpu.memref_slice %arg11[%add3A_310, %dma_start3A_311] : memref<256x32xf32, #tpu.memory_space<vmem>> -> memref<1x32xf32, #tpu.memory_space<vmem>>
      %dma_start3A_313 = arith.constant 0 : i32
      %dma_start3A_314 = tpu.memref_slice %arg5[%squeeze3A_308, %dma_start3A_313] : memref<1000000x32xf32, #tpu.memory_space<hbm>> -> memref<1x32xf32, #tpu.memory_space<hbm>>
      %dma_start3A_315 = arith.constant 0 : i32
      %dma_start3A_316 = tpu.memref_slice %arg11[%add3A_310, %dma_start3A_315] : memref<256x32xf32, #tpu.memory_space<vmem>> -> memref<1x32xf32, #tpu.memory_space<vmem>>
      %dma_start3A_317 = arith.constant 0 : i32
      %dma_start3A_318 = tpu.memref_slice %arg5[%squeeze3A_308, %dma_start3A_317] : memref<1000000x32xf32, #tpu.memory_space<hbm>> -> memref<1x32xf32, #tpu.memory_space<hbm>>
      tpu.enqueue_dma source(%dma_start3A_318 : memref<1x32xf32, #tpu.memory_space<hbm>>) target(%dma_start3A_316 : memref<1x32xf32, #tpu.memory_space<vmem>>) target_semaphore(%arg13 : memref<!tpu.dma_semaphore, #tpu.memory_space<semaphore_mem>>)
      %slice3A_319 = vector.extract_strided_slice %get3A_54 {offsets = [11], sizes = [1], strides = [1]} : vector<16xi32> to vector<1xi32>
      %squeeze3A_320 = vector.extract %slice3A_319[0] : i32 from vector<1xi32>
      %add3A_321 = arith.constant 11 : i32
      %add3A_322 = arith.addi %multiple_of3A_52, %add3A_321 : i32
      %dma_start3A_323 = arith.constant 0 : i32
      %dma_start3A_324 = tpu.memref_slice %arg10[%add3A_322, %dma_start3A_323] : memref<256x32xf32, #tpu.memory_space<vmem>> -> memref<1x32xf32, #tpu.memory_space<vmem>>
      %dma_start3A_325 = arith.constant 0 : i32
      %dma_start3A_326 = tpu.memref_slice %arg4[%squeeze3A_320, %dma_start3A_325] : memref<1000000x32xf32, #tpu.memory_space<hbm>> -> memref<1x32xf32, #tpu.memory_space<hbm>>
      %dma_start3A_327 = arith.constant 0 : i32
      %dma_start3A_328 = tpu.memref_slice %arg10[%add3A_322, %dma_start3A_327] : memref<256x32xf32, #tpu.memory_space<vmem>> -> memref<1x32xf32, #tpu.memory_space<vmem>>
      %dma_start3A_329 = arith.constant 0 : i32
      %dma_start3A_330 = tpu.memref_slice %arg4[%squeeze3A_320, %dma_start3A_329] : memref<1000000x32xf32, #tpu.memory_space<hbm>> -> memref<1x32xf32, #tpu.memory_space<hbm>>
      tpu.enqueue_dma source(%dma_start3A_330 : memref<1x32xf32, #tpu.memory_space<hbm>>) target(%dma_start3A_328 : memref<1x32xf32, #tpu.memory_space<vmem>>) target_semaphore(%arg12 : memref<!tpu.dma_semaphore, #tpu.memory_space<semaphore_mem>>)
      %slice3A_331 = vector.extract_strided_slice %get3A_57 {offsets = [11], sizes = [1], strides = [1]} : vector<16xi32> to vector<1xi32>
      %squeeze3A_332 = vector.extract %slice3A_331[0] : i32 from vector<1xi32>
      %add3A_333 = arith.constant 11 : i32
      %add3A_334 = arith.addi %multiple_of3A_52, %add3A_333 : i32
      %dma_start3A_335 = arith.constant 0 : i32
      %dma_start3A_336 = tpu.memref_slice %arg11[%add3A_334, %dma_start3A_335] : memref<256x32xf32, #tpu.memory_space<vmem>> -> memref<1x32xf32, #tpu.memory_space<vmem>>
      %dma_start3A_337 = arith.constant 0 : i32
      %dma_start3A_338 = tpu.memref_slice %arg5[%squeeze3A_332, %dma_start3A_337] : memref<1000000x32xf32, #tpu.memory_space<hbm>> -> memref<1x32xf32, #tpu.memory_space<hbm>>
      %dma_start3A_339 = arith.constant 0 : i32
      %dma_start3A_340 = tpu.memref_slice %arg11[%add3A_334, %dma_start3A_339] : memref<256x32xf32, #tpu.memory_space<vmem>> -> memref<1x32xf32, #tpu.memory_space<vmem>>
      %dma_start3A_341 = arith.constant 0 : i32
      %dma_start3A_342 = tpu.memref_slice %arg5[%squeeze3A_332, %dma_start3A_341] : memref<1000000x32xf32, #tpu.memory_space<hbm>> -> memref<1x32xf32, #tpu.memory_space<hbm>>
      tpu.enqueue_dma source(%dma_start3A_342 : memref<1x32xf32, #tpu.memory_space<hbm>>) target(%dma_start3A_340 : memref<1x32xf32, #tpu.memory_space<vmem>>) target_semaphore(%arg13 : memref<!tpu.dma_semaphore, #tpu.memory_space<semaphore_mem>>)
      %slice3A_343 = vector.extract_strided_slice %get3A_54 {offsets = [12], sizes = [1], strides = [1]} : vector<16xi32> to vector<1xi32>
      %squeeze3A_344 = vector.extract %slice3A_343[0] : i32 from vector<1xi32>
      %add3A_345 = arith.constant 12 : i32
      %add3A_346 = arith.addi %multiple_of3A_52, %add3A_345 : i32
      %dma_start3A_347 = arith.constant 0 : i32
      %dma_start3A_348 = tpu.memref_slice %arg10[%add3A_346, %dma_start3A_347] : memref<256x32xf32, #tpu.memory_space<vmem>> -> memref<1x32xf32, #tpu.memory_space<vmem>>
      %dma_start3A_349 = arith.constant 0 : i32
      %dma_start3A_350 = tpu.memref_slice %arg4[%squeeze3A_344, %dma_start3A_349] : memref<1000000x32xf32, #tpu.memory_space<hbm>> -> memref<1x32xf32, #tpu.memory_space<hbm>>
      %dma_start3A_351 = arith.constant 0 : i32
      %dma_start3A_352 = tpu.memref_slice %arg10[%add3A_346, %dma_start3A_351] : memref<256x32xf32, #tpu.memory_space<vmem>> -> memref<1x32xf32, #tpu.memory_space<vmem>>
      %dma_start3A_353 = arith.constant 0 : i32
      %dma_start3A_354 = tpu.memref_slice %arg4[%squeeze3A_344, %dma_start3A_353] : memref<1000000x32xf32, #tpu.memory_space<hbm>> -> memref<1x32xf32, #tpu.memory_space<hbm>>
      tpu.enqueue_dma source(%dma_start3A_354 : memref<1x32xf32, #tpu.memory_space<hbm>>) target(%dma_start3A_352 : memref<1x32xf32, #tpu.memory_space<vmem>>) target_semaphore(%arg12 : memref<!tpu.dma_semaphore, #tpu.memory_space<semaphore_mem>>)
      %slice3A_355 = vector.extract_strided_slice %get3A_57 {offsets = [12], sizes = [1], strides = [1]} : vector<16xi32> to vector<1xi32>
      %squeeze3A_356 = vector.extract %slice3A_355[0] : i32 from vector<1xi32>
      %add3A_357 = arith.constant 12 : i32
      %add3A_358 = arith.addi %multiple_of3A_52, %add3A_357 : i32
      %dma_start3A_359 = arith.constant 0 : i32
      %dma_start3A_360 = tpu.memref_slice %arg11[%add3A_358, %dma_start3A_359] : memref<256x32xf32, #tpu.memory_space<vmem>> -> memref<1x32xf32, #tpu.memory_space<vmem>>
      %dma_start3A_361 = arith.constant 0 : i32
      %dma_start3A_362 = tpu.memref_slice %arg5[%squeeze3A_356, %dma_start3A_361] : memref<1000000x32xf32, #tpu.memory_space<hbm>> -> memref<1x32xf32, #tpu.memory_space<hbm>>
      %dma_start3A_363 = arith.constant 0 : i32
      %dma_start3A_364 = tpu.memref_slice %arg11[%add3A_358, %dma_start3A_363] : memref<256x32xf32, #tpu.memory_space<vmem>> -> memref<1x32xf32, #tpu.memory_space<vmem>>
      %dma_start3A_365 = arith.constant 0 : i32
      %dma_start3A_366 = tpu.memref_slice %arg5[%squeeze3A_356, %dma_start3A_365] : memref<1000000x32xf32, #tpu.memory_space<hbm>> -> memref<1x32xf32, #tpu.memory_space<hbm>>
      tpu.enqueue_dma source(%dma_start3A_366 : memref<1x32xf32, #tpu.memory_space<hbm>>) target(%dma_start3A_364 : memref<1x32xf32, #tpu.memory_space<vmem>>) target_semaphore(%arg13 : memref<!tpu.dma_semaphore, #tpu.memory_space<semaphore_mem>>)
      %slice3A_367 = vector.extract_strided_slice %get3A_54 {offsets = [13], sizes = [1], strides = [1]} : vector<16xi32> to vector<1xi32>
      %squeeze3A_368 = vector.extract %slice3A_367[0] : i32 from vector<1xi32>
      %add3A_369 = arith.constant 13 : i32
      %add3A_370 = arith.addi %multiple_of3A_52, %add3A_369 : i32
      %dma_start3A_371 = arith.constant 0 : i32
      %dma_start3A_372 = tpu.memref_slice %arg10[%add3A_370, %dma_start3A_371] : memref<256x32xf32, #tpu.memory_space<vmem>> -> memref<1x32xf32, #tpu.memory_space<vmem>>
      %dma_start3A_373 = arith.constant 0 : i32
      %dma_start3A_374 = tpu.memref_slice %arg4[%squeeze3A_368, %dma_start3A_373] : memref<1000000x32xf32, #tpu.memory_space<hbm>> -> memref<1x32xf32, #tpu.memory_space<hbm>>
      %dma_start3A_375 = arith.constant 0 : i32
      %dma_start3A_376 = tpu.memref_slice %arg10[%add3A_370, %dma_start3A_375] : memref<256x32xf32, #tpu.memory_space<vmem>> -> memref<1x32xf32, #tpu.memory_space<vmem>>
      %dma_start3A_377 = arith.constant 0 : i32
      %dma_start3A_378 = tpu.memref_slice %arg4[%squeeze3A_368, %dma_start3A_377] : memref<1000000x32xf32, #tpu.memory_space<hbm>> -> memref<1x32xf32, #tpu.memory_space<hbm>>
      tpu.enqueue_dma source(%dma_start3A_378 : memref<1x32xf32, #tpu.memory_space<hbm>>) target(%dma_start3A_376 : memref<1x32xf32, #tpu.memory_space<vmem>>) target_semaphore(%arg12 : memref<!tpu.dma_semaphore, #tpu.memory_space<semaphore_mem>>)
      %slice3A_379 = vector.extract_strided_slice %get3A_57 {offsets = [13], sizes = [1], strides = [1]} : vector<16xi32> to vector<1xi32>
      %squeeze3A_380 = vector.extract %slice3A_379[0] : i32 from vector<1xi32>
      %add3A_381 = arith.constant 13 : i32
      %add3A_382 = arith.addi %multiple_of3A_52, %add3A_381 : i32
      %dma_start3A_383 = arith.constant 0 : i32
      %dma_start3A_384 = tpu.memref_slice %arg11[%add3A_382, %dma_start3A_383] : memref<256x32xf32, #tpu.memory_space<vmem>> -> memref<1x32xf32, #tpu.memory_space<vmem>>
      %dma_start3A_385 = arith.constant 0 : i32
      %dma_start3A_386 = tpu.memref_slice %arg5[%squeeze3A_380, %dma_start3A_385] : memref<1000000x32xf32, #tpu.memory_space<hbm>> -> memref<1x32xf32, #tpu.memory_space<hbm>>
      %dma_start3A_387 = arith.constant 0 : i32
      %dma_start3A_388 = tpu.memref_slice %arg11[%add3A_382, %dma_start3A_387] : memref<256x32xf32, #tpu.memory_space<vmem>> -> memref<1x32xf32, #tpu.memory_space<vmem>>
      %dma_start3A_389 = arith.constant 0 : i32
      %dma_start3A_390 = tpu.memref_slice %arg5[%squeeze3A_380, %dma_start3A_389] : memref<1000000x32xf32, #tpu.memory_space<hbm>> -> memref<1x32xf32, #tpu.memory_space<hbm>>
      tpu.enqueue_dma source(%dma_start3A_390 : memref<1x32xf32, #tpu.memory_space<hbm>>) target(%dma_start3A_388 : memref<1x32xf32, #tpu.memory_space<vmem>>) target_semaphore(%arg13 : memref<!tpu.dma_semaphore, #tpu.memory_space<semaphore_mem>>)
      %slice3A_391 = vector.extract_strided_slice %get3A_54 {offsets = [14], sizes = [1], strides = [1]} : vector<16xi32> to vector<1xi32>
      %squeeze3A_392 = vector.extract %slice3A_391[0] : i32 from vector<1xi32>
      %add3A_393 = arith.constant 14 : i32
      %add3A_394 = arith.addi %multiple_of3A_52, %add3A_393 : i32
      %dma_start3A_395 = arith.constant 0 : i32
      %dma_start3A_396 = tpu.memref_slice %arg10[%add3A_394, %dma_start3A_395] : memref<256x32xf32, #tpu.memory_space<vmem>> -> memref<1x32xf32, #tpu.memory_space<vmem>>
      %dma_start3A_397 = arith.constant 0 : i32
      %dma_start3A_398 = tpu.memref_slice %arg4[%squeeze3A_392, %dma_start3A_397] : memref<1000000x32xf32, #tpu.memory_space<hbm>> -> memref<1x32xf32, #tpu.memory_space<hbm>>
      %dma_start3A_399 = arith.constant 0 : i32
      %dma_start3A_400 = tpu.memref_slice %arg10[%add3A_394, %dma_start3A_399] : memref<256x32xf32, #tpu.memory_space<vmem>> -> memref<1x32xf32, #tpu.memory_space<vmem>>
      %dma_start3A_401 = arith.constant 0 : i32
      %dma_start3A_402 = tpu.memref_slice %arg4[%squeeze3A_392, %dma_start3A_401] : memref<1000000x32xf32, #tpu.memory_space<hbm>> -> memref<1x32xf32, #tpu.memory_space<hbm>>
      tpu.enqueue_dma source(%dma_start3A_402 : memref<1x32xf32, #tpu.memory_space<hbm>>) target(%dma_start3A_400 : memref<1x32xf32, #tpu.memory_space<vmem>>) target_semaphore(%arg12 : memref<!tpu.dma_semaphore, #tpu.memory_space<semaphore_mem>>)
      %slice3A_403 = vector.extract_strided_slice %get3A_57 {offsets = [14], sizes = [1], strides = [1]} : vector<16xi32> to vector<1xi32>
      %squeeze3A_404 = vector.extract %slice3A_403[0] : i32 from vector<1xi32>
      %add3A_405 = arith.constant 14 : i32
      %add3A_406 = arith.addi %multiple_of3A_52, %add3A_405 : i32
      %dma_start3A_407 = arith.constant 0 : i32
      %dma_start3A_408 = tpu.memref_slice %arg11[%add3A_406, %dma_start3A_407] : memref<256x32xf32, #tpu.memory_space<vmem>> -> memref<1x32xf32, #tpu.memory_space<vmem>>
      %dma_start3A_409 = arith.constant 0 : i32
      %dma_start3A_410 = tpu.memref_slice %arg5[%squeeze3A_404, %dma_start3A_409] : memref<1000000x32xf32, #tpu.memory_space<hbm>> -> memref<1x32xf32, #tpu.memory_space<hbm>>
      %dma_start3A_411 = arith.constant 0 : i32
      %dma_start3A_412 = tpu.memref_slice %arg11[%add3A_406, %dma_start3A_411] : memref<256x32xf32, #tpu.memory_space<vmem>> -> memref<1x32xf32, #tpu.memory_space<vmem>>
      %dma_start3A_413 = arith.constant 0 : i32
      %dma_start3A_414 = tpu.memref_slice %arg5[%squeeze3A_404, %dma_start3A_413] : memref<1000000x32xf32, #tpu.memory_space<hbm>> -> memref<1x32xf32, #tpu.memory_space<hbm>>
      tpu.enqueue_dma source(%dma_start3A_414 : memref<1x32xf32, #tpu.memory_space<hbm>>) target(%dma_start3A_412 : memref<1x32xf32, #tpu.memory_space<vmem>>) target_semaphore(%arg13 : memref<!tpu.dma_semaphore, #tpu.memory_space<semaphore_mem>>)
      %slice3A_415 = vector.extract_strided_slice %get3A_54 {offsets = [15], sizes = [1], strides = [1]} : vector<16xi32> to vector<1xi32>
      %squeeze3A_416 = vector.extract %slice3A_415[0] : i32 from vector<1xi32>
      %add3A_417 = arith.constant 15 : i32
      %add3A_418 = arith.addi %multiple_of3A_52, %add3A_417 : i32
      %dma_start3A_419 = arith.constant 0 : i32
      %dma_start3A_420 = tpu.memref_slice %arg10[%add3A_418, %dma_start3A_419] : memref<256x32xf32, #tpu.memory_space<vmem>> -> memref<1x32xf32, #tpu.memory_space<vmem>>
      %dma_start3A_421 = arith.constant 0 : i32
      %dma_start3A_422 = tpu.memref_slice %arg4[%squeeze3A_416, %dma_start3A_421] : memref<1000000x32xf32, #tpu.memory_space<hbm>> -> memref<1x32xf32, #tpu.memory_space<hbm>>
      %dma_start3A_423 = arith.constant 0 : i32
      %dma_start3A_424 = tpu.memref_slice %arg10[%add3A_418, %dma_start3A_423] : memref<256x32xf32, #tpu.memory_space<vmem>> -> memref<1x32xf32, #tpu.memory_space<vmem>>
      %dma_start3A_425 = arith.constant 0 : i32
      %dma_start3A_426 = tpu.memref_slice %arg4[%squeeze3A_416, %dma_start3A_425] : memref<1000000x32xf32, #tpu.memory_space<hbm>> -> memref<1x32xf32, #tpu.memory_space<hbm>>
      tpu.enqueue_dma source(%dma_start3A_426 : memref<1x32xf32, #tpu.memory_space<hbm>>) target(%dma_start3A_424 : memref<1x32xf32, #tpu.memory_space<vmem>>) target_semaphore(%arg12 : memref<!tpu.dma_semaphore, #tpu.memory_space<semaphore_mem>>)
      %slice3A_427 = vector.extract_strided_slice %get3A_57 {offsets = [15], sizes = [1], strides = [1]} : vector<16xi32> to vector<1xi32>
      %squeeze3A_428 = vector.extract %slice3A_427[0] : i32 from vector<1xi32>
      %add3A_429 = arith.constant 15 : i32
      %add3A_430 = arith.addi %multiple_of3A_52, %add3A_429 : i32
      %dma_start3A_431 = arith.constant 0 : i32
      %dma_start3A_432 = tpu.memref_slice %arg11[%add3A_430, %dma_start3A_431] : memref<256x32xf32, #tpu.memory_space<vmem>> -> memref<1x32xf32, #tpu.memory_space<vmem>>
      %dma_start3A_433 = arith.constant 0 : i32
      %dma_start3A_434 = tpu.memref_slice %arg5[%squeeze3A_428, %dma_start3A_433] : memref<1000000x32xf32, #tpu.memory_space<hbm>> -> memref<1x32xf32, #tpu.memory_space<hbm>>
      %dma_start3A_435 = arith.constant 0 : i32
      %dma_start3A_436 = tpu.memref_slice %arg11[%add3A_430, %dma_start3A_435] : memref<256x32xf32, #tpu.memory_space<vmem>> -> memref<1x32xf32, #tpu.memory_space<vmem>>
      %dma_start3A_437 = arith.constant 0 : i32
      %dma_start3A_438 = tpu.memref_slice %arg5[%squeeze3A_428, %dma_start3A_437] : memref<1000000x32xf32, #tpu.memory_space<hbm>> -> memref<1x32xf32, #tpu.memory_space<hbm>>
      tpu.enqueue_dma source(%dma_start3A_438 : memref<1x32xf32, #tpu.memory_space<hbm>>) target(%dma_start3A_436 : memref<1x32xf32, #tpu.memory_space<vmem>>) target_semaphore(%arg13 : memref<!tpu.dma_semaphore, #tpu.memory_space<semaphore_mem>>)
    }
    %scan3A_28 = arith.constant 16 : i32
    %dma_wait3A_29 = arith.constant 0 : i32
    %dma_wait3A_30 = arith.constant 0 : i32
    %dma_wait3A_31 = tpu.memref_slice %arg4[%dma_wait3A_29, %dma_wait3A_30] : memref<1000000x32xf32, #tpu.memory_space<hbm>> -> memref<256x32xf32, #tpu.memory_space<hbm>>
    %dma_wait3A_32 = arith.constant 0 : i32
    %dma_wait3A_33 = arith.constant 0 : i32
    %dma_wait3A_34 = tpu.memref_slice %arg4[%dma_wait3A_32, %dma_wait3A_33] : memref<1000000x32xf32, #tpu.memory_space<hbm>> -> memref<256x32xf32, #tpu.memory_space<hbm>>
    tpu.wait_dma2 semaphore(%arg12 : memref<!tpu.dma_semaphore, #tpu.memory_space<semaphore_mem>>) src(%dma_wait3A_34 : memref<256x32xf32, #tpu.memory_space<hbm>>) dst(%arg10 : memref<256x32xf32, #tpu.memory_space<vmem>>)
    %dma_wait3A_35 = arith.constant 0 : i32
    %dma_wait3A_36 = arith.constant 0 : i32
    %dma_wait3A_37 = tpu.memref_slice %arg5[%dma_wait3A_35, %dma_wait3A_36] : memref<1000000x32xf32, #tpu.memory_space<hbm>> -> memref<256x32xf32, #tpu.memory_space<hbm>>
    %dma_wait3A_38 = arith.constant 0 : i32
    %dma_wait3A_39 = arith.constant 0 : i32
    %dma_wait3A_40 = tpu.memref_slice %arg5[%dma_wait3A_38, %dma_wait3A_39] : memref<1000000x32xf32, #tpu.memory_space<hbm>> -> memref<256x32xf32, #tpu.memory_space<hbm>>
    tpu.wait_dma2 semaphore(%arg13 : memref<!tpu.dma_semaphore, #tpu.memory_space<semaphore_mem>>) src(%dma_wait3A_40 : memref<256x32xf32, #tpu.memory_space<hbm>>) dst(%arg11 : memref<256x32xf32, #tpu.memory_space<vmem>>)
    %add3A_41 = arith.constant 256 : i32
    %add3A_42 = arith.addi %mul3A_2, %add3A_41 : i32
    "tpu.region"() ({
      %run_scoped3A = tpu.sem_alloc : memref<!tpu.dma_semaphore, #tpu.memory_space<semaphore_mem>>
      %dma_start3A = arith.constant 0 : i32
      %dma_start3A_45 = tpu.memref_slice %arg6[%add3A_42, %dma_start3A] : memref<16384x32xf32, #tpu.memory_space<hbm>> -> memref<256x32xf32, #tpu.memory_space<hbm>>
      %dma_start3A_46 = arith.constant 0 : i32
      %dma_start3A_47 = tpu.memref_slice %arg6[%add3A_42, %dma_start3A_46] : memref<16384x32xf32, #tpu.memory_space<hbm>> -> memref<256x32xf32, #tpu.memory_space<hbm>>
      tpu.enqueue_dma source(%arg10 : memref<256x32xf32, #tpu.memory_space<vmem>>) target(%dma_start3A_47 : memref<256x32xf32, #tpu.memory_space<hbm>>) target_semaphore(%run_scoped3A : memref<!tpu.dma_semaphore, #tpu.memory_space<semaphore_mem>>)
      %dma_wait3A_48 = arith.constant 0 : i32
      %dma_wait3A_49 = tpu.memref_slice %arg6[%add3A_42, %dma_wait3A_48] : memref<16384x32xf32, #tpu.memory_space<hbm>> -> memref<256x32xf32, #tpu.memory_space<hbm>>
      %dma_wait3A_50 = arith.constant 0 : i32
      %dma_wait3A_51 = tpu.memref_slice %arg6[%add3A_42, %dma_wait3A_50] : memref<16384x32xf32, #tpu.memory_space<hbm>> -> memref<256x32xf32, #tpu.memory_space<hbm>>
      tpu.wait_dma2 semaphore(%run_scoped3A : memref<!tpu.dma_semaphore, #tpu.memory_space<semaphore_mem>>) src(%arg10 : memref<256x32xf32, #tpu.memory_space<vmem>>) dst(%dma_wait3A_51 : memref<256x32xf32, #tpu.memory_space<hbm>>)
      tpu.yield
    }) : () -> ()
    %add3A_43 = arith.constant 256 : i32
    %add3A_44 = arith.addi %mul3A_2, %add3A_43 : i32
    "tpu.region"() ({
      %run_scoped3A = tpu.sem_alloc : memref<!tpu.dma_semaphore, #tpu.memory_space<semaphore_mem>>
      %dma_start3A = arith.constant 0 : i32
      %dma_start3A_45 = tpu.memref_slice %arg7[%add3A_44, %dma_start3A] : memref<16384x32xf32, #tpu.memory_space<hbm>> -> memref<256x32xf32, #tpu.memory_space<hbm>>
      %dma_start3A_46 = arith.constant 0 : i32
      %dma_start3A_47 = tpu.memref_slice %arg7[%add3A_44, %dma_start3A_46] : memref<16384x32xf32, #tpu.memory_space<hbm>> -> memref<256x32xf32, #tpu.memory_space<hbm>>
      tpu.enqueue_dma source(%arg11 : memref<256x32xf32, #tpu.memory_space<vmem>>) target(%dma_start3A_47 : memref<256x32xf32, #tpu.memory_space<hbm>>) target_semaphore(%run_scoped3A : memref<!tpu.dma_semaphore, #tpu.memory_space<semaphore_mem>>)
      %dma_wait3A_48 = arith.constant 0 : i32
      %dma_wait3A_49 = tpu.memref_slice %arg7[%add3A_44, %dma_wait3A_48] : memref<16384x32xf32, #tpu.memory_space<hbm>> -> memref<256x32xf32, #tpu.memory_space<hbm>>
      %dma_wait3A_50 = arith.constant 0 : i32
      %dma_wait3A_51 = tpu.memref_slice %arg7[%add3A_44, %dma_wait3A_50] : memref<16384x32xf32, #tpu.memory_space<hbm>> -> memref<256x32xf32, #tpu.memory_space<hbm>>
      tpu.wait_dma2 semaphore(%run_scoped3A : memref<!tpu.dma_semaphore, #tpu.memory_space<semaphore_mem>>) src(%arg11 : memref<256x32xf32, #tpu.memory_space<vmem>>) dst(%dma_wait3A_51 : memref<256x32xf32, #tpu.memory_space<hbm>>)
      tpu.yield
    }) : () -> ()
    return
  }
}

module attributes {stable_mosaic.version = 14 : i64} {
  func.func @_tc_body(%arg0: i32, %arg1: memref<2048x32xf32, #tpu.memory_space<vmem>>, %arg2: memref<2048x32xf32, #tpu.memory_space<vmem>>, %arg3: memref<2048x1xf32, #tpu.memory_space<vmem>>, %arg4: memref<2048x1xf32, #tpu.memory_space<vmem>>, %arg5: memref<32x1xf32, #tpu.memory_space<vmem>>, %arg6: memref<1xf32, #tpu.memory_space<smem>>, %arg7: memref<2048x1xf32, #tpu.memory_space<vmem>>) attributes {dimension_semantics = [#tpu.dimension_semantics<arbitrary>], iteration_bounds = array<i64: 8>, scalar_prefetch = 0 : i64, scratch_operands = 0 : i64, tpu.core_type = #tpu.core_type<tc>, window_params = [{transform_indices = @transform_0, window_bounds = array<i64: 2048, 32>}, {transform_indices = @transform_1, window_bounds = array<i64: 2048, 32>}, {transform_indices = @transform_2, window_bounds = array<i64: 2048, 1>}, {transform_indices = @transform_3, window_bounds = array<i64: 2048, 1>}, {pipeline_mode = #tpu.pipeline_mode<synchronous>, transform_indices = @transform_4, window_bounds = array<i64: 32, 1>}, {transform_indices = @transform_5, window_bounds = array<i64: 1>}, {transform_indices = @transform_6, window_bounds = array<i64: 2048, 1>}]} {
    %get3A = arith.constant 0 : index
    %get3A_0 = arith.constant 0 : index
    %get3A_1 = vector.load %arg1[%get3A, %get3A_0] : memref<2048x32xf32, #tpu.memory_space<vmem>>, vector<2048x32xf32>
    %add3A = arith.constant 1.000000e+00 : f32
    %add3A_2 = vector.broadcast %add3A : f32 to vector<2048x32xf32>
    %add3A_3 = arith.addf %get3A_1, %add3A_2 : vector<2048x32xf32>
    %jit3A = arith.constant 5.000000e-02 : f32
    %jit3A_4 = arith.constant 1.000000e+09 : f32
    %max3A = vector.broadcast %jit3A : f32 to vector<2048x32xf32>
    %max3A_5 = arith.maximumf %max3A, %add3A_3 : vector<2048x32xf32>
    %min3A = vector.broadcast %jit3A_4 : f32 to vector<2048x32xf32>
    %min3A_6 = arith.minimumf %min3A, %max3A_5 : vector<2048x32xf32>
    %get3A_7 = arith.constant 0 : index
    %get3A_8 = arith.constant 0 : index
    %get3A_9 = vector.load %arg2[%get3A_7, %get3A_8] : memref<2048x32xf32, #tpu.memory_space<vmem>>, vector<2048x32xf32>
    %add3A_10 = arith.constant 1.000000e+00 : f32
    %add3A_11 = vector.broadcast %add3A_10 : f32 to vector<2048x32xf32>
    %add3A_12 = arith.addf %get3A_9, %add3A_11 : vector<2048x32xf32>
    %jit3A_13 = arith.constant 5.000000e-02 : f32
    %jit3A_14 = arith.constant 1.000000e+09 : f32
    %max3A_15 = vector.broadcast %jit3A_13 : f32 to vector<2048x32xf32>
    %max3A_16 = arith.maximumf %max3A_15, %add3A_12 : vector<2048x32xf32>
    %min3A_17 = vector.broadcast %jit3A_14 : f32 to vector<2048x32xf32>
    %min3A_18 = arith.minimumf %min3A_17, %max3A_16 : vector<2048x32xf32>
    %roll3A = arith.constant 16 : i32
    %roll3A_19 = tpu.dynamic_rotate %min3A_6 by %roll3A dim 1 : vector<2048x32xf32>, i32 -> vector<2048x32xf32>
    %roll3A_20 = arith.constant 16 : i32
    %roll3A_21 = tpu.dynamic_rotate %min3A_18 by %roll3A_20 dim 1 : vector<2048x32xf32>, i32 -> vector<2048x32xf32>
    %add3A_22 = arith.addf %roll3A_19, %roll3A_21 : vector<2048x32xf32>
    %mul3A = arith.constant 5.000000e-01 : f32
    %mul3A_23 = vector.broadcast %mul3A : f32 to vector<2048x32xf32>
    %mul3A_24 = arith.mulf %mul3A_23, %add3A_22 : vector<2048x32xf32>
    %add3A_25 = arith.addf %min3A_6, %roll3A_19 : vector<2048x32xf32>
    %add3A_26 = arith.addf %min3A_18, %roll3A_21 : vector<2048x32xf32>
    %add3A_27 = arith.addf %add3A_25, %add3A_26 : vector<2048x32xf32>
    %mul3A_28 = arith.constant 5.000000e-01 : f32
    %mul3A_29 = vector.broadcast %mul3A_28 : f32 to vector<2048x32xf32>
    %mul3A_30 = arith.mulf %mul3A_29, %add3A_27 : vector<2048x32xf32>
    %sub3A = arith.constant 1.000000e+00 : f32
    %sub3A_31 = vector.broadcast %sub3A : f32 to vector<2048x32xf32>
    %sub3A_32 = arith.subf %mul3A_24, %sub3A_31 : vector<2048x32xf32>
    %mul3A_33 = arith.constant 1.81818187 : f32
    %mul3A_34 = vector.broadcast %mul3A_33 : f32 to vector<2048x32xf32>
    %mul3A_35 = arith.mulf %sub3A_32, %mul3A_34 : vector<2048x32xf32>
    %broadcast_in_dim3A = arith.constant 1.79258015E-4 : f32
    %broadcast_in_dim3A_36 = vector.broadcast %broadcast_in_dim3A : f32 to vector<2048x32xf32>
    %mul3A_37 = arith.mulf %broadcast_in_dim3A_36, %mul3A_35 : vector<2048x32xf32>
    %add3A_38 = arith.constant -3.26290581E-4 : f32
    %add3A_39 = vector.broadcast %add3A_38 : f32 to vector<2048x32xf32>
    %add3A_40 = arith.addf %mul3A_37, %add3A_39 : vector<2048x32xf32>
    %mul3A_41 = arith.mulf %add3A_40, %mul3A_35 : vector<2048x32xf32>
    %add3A_42 = arith.constant 6.11862561E-5 : f32
    %add3A_43 = vector.broadcast %add3A_42 : f32 to vector<2048x32xf32>
    %add3A_44 = arith.addf %mul3A_41, %add3A_43 : vector<2048x32xf32>
    %mul3A_45 = arith.mulf %add3A_44, %mul3A_35 : vector<2048x32xf32>
    %add3A_46 = arith.constant -2.13649633E-4 : f32
    %add3A_47 = vector.broadcast %add3A_46 : f32 to vector<2048x32xf32>
    %add3A_48 = arith.addf %mul3A_45, %add3A_47 : vector<2048x32xf32>
    %mul3A_49 = arith.mulf %add3A_48, %mul3A_35 : vector<2048x32xf32>
    %add3A_50 = arith.constant 0.00119538105 : f32
    %add3A_51 = vector.broadcast %add3A_50 : f32 to vector<2048x32xf32>
    %add3A_52 = arith.addf %mul3A_49, %add3A_51 : vector<2048x32xf32>
    %mul3A_53 = arith.mulf %add3A_52, %mul3A_35 : vector<2048x32xf32>
    %add3A_54 = arith.constant -0.00238960446 : f32
    %add3A_55 = vector.broadcast %add3A_54 : f32 to vector<2048x32xf32>
    %add3A_56 = arith.addf %mul3A_53, %add3A_55 : vector<2048x32xf32>
    %mul3A_57 = arith.mulf %add3A_56, %mul3A_35 : vector<2048x32xf32>
    %add3A_58 = arith.constant 0.00463982299 : f32
    %add3A_59 = vector.broadcast %add3A_58 : f32 to vector<2048x32xf32>
    %add3A_60 = arith.addf %mul3A_57, %add3A_59 : vector<2048x32xf32>
    %mul3A_61 = arith.mulf %add3A_60, %mul3A_35 : vector<2048x32xf32>
    %add3A_62 = arith.constant -0.0103767877 : f32
    %add3A_63 = vector.broadcast %add3A_62 : f32 to vector<2048x32xf32>
    %add3A_64 = arith.addf %mul3A_61, %add3A_63 : vector<2048x32xf32>
    %mul3A_65 = arith.mulf %add3A_64, %mul3A_35 : vector<2048x32xf32>
    %add3A_66 = arith.constant 0.0247691404 : f32
    %add3A_67 = vector.broadcast %add3A_66 : f32 to vector<2048x32xf32>
    %add3A_68 = arith.addf %mul3A_65, %add3A_67 : vector<2048x32xf32>
    %mul3A_69 = arith.mulf %add3A_68, %mul3A_35 : vector<2048x32xf32>
    %add3A_70 = arith.constant -0.0666719377 : f32
    %add3A_71 = vector.broadcast %add3A_70 : f32 to vector<2048x32xf32>
    %add3A_72 = arith.addf %mul3A_69, %add3A_71 : vector<2048x32xf32>
    %mul3A_73 = arith.mulf %add3A_72, %mul3A_35 : vector<2048x32xf32>
    %add3A_74 = arith.constant 0.248795673 : f32
    %add3A_75 = vector.broadcast %add3A_74 : f32 to vector<2048x32xf32>
    %add3A_76 = arith.addf %mul3A_73, %add3A_75 : vector<2048x32xf32>
    %mul3A_77 = arith.mulf %add3A_76, %mul3A_35 : vector<2048x32xf32>
    %add3A_78 = arith.constant -0.317468315 : f32
    %add3A_79 = vector.broadcast %add3A_78 : f32 to vector<2048x32xf32>
    %add3A_80 = arith.addf %mul3A_77, %add3A_79 : vector<2048x32xf32>
    %mul3A_81 = arith.mulf %add3A_80, %mul3A_35 : vector<2048x32xf32>
    %add3A_82 = arith.constant 6.24769347E-9 : f32
    %add3A_83 = vector.broadcast %add3A_82 : f32 to vector<2048x32xf32>
    %add3A_84 = arith.addf %mul3A_81, %add3A_83 : vector<2048x32xf32>
    %mul3A_85 = arith.constant 2.000000e+00 : f32
    %mul3A_86 = vector.broadcast %mul3A_85 : f32 to vector<2048x32xf32>
    %mul3A_87 = arith.mulf %mul3A_86, %add3A_84 : vector<2048x32xf32>
    %sub3A_88 = arith.constant 1.000000e+00 : f32
    %sub3A_89 = vector.broadcast %sub3A_88 : f32 to vector<2048x32xf32>
    %sub3A_90 = arith.subf %min3A_6, %sub3A_89 : vector<2048x32xf32>
    %mul3A_91 = arith.constant 1.81818187 : f32
    %mul3A_92 = vector.broadcast %mul3A_91 : f32 to vector<2048x32xf32>
    %mul3A_93 = arith.mulf %sub3A_90, %mul3A_92 : vector<2048x32xf32>
    %broadcast_in_dim3A_94 = arith.constant 1.79258015E-4 : f32
    %broadcast_in_dim3A_95 = vector.broadcast %broadcast_in_dim3A_94 : f32 to vector<2048x32xf32>
    %mul3A_96 = arith.mulf %broadcast_in_dim3A_95, %mul3A_93 : vector<2048x32xf32>
    %add3A_97 = arith.constant -3.26290581E-4 : f32
    %add3A_98 = vector.broadcast %add3A_97 : f32 to vector<2048x32xf32>
    %add3A_99 = arith.addf %mul3A_96, %add3A_98 : vector<2048x32xf32>
    %mul3A_100 = arith.mulf %add3A_99, %mul3A_93 : vector<2048x32xf32>
    %add3A_101 = arith.constant 6.11862561E-5 : f32
    %add3A_102 = vector.broadcast %add3A_101 : f32 to vector<2048x32xf32>
    %add3A_103 = arith.addf %mul3A_100, %add3A_102 : vector<2048x32xf32>
    %mul3A_104 = arith.mulf %add3A_103, %mul3A_93 : vector<2048x32xf32>
    %add3A_105 = arith.constant -2.13649633E-4 : f32
    %add3A_106 = vector.broadcast %add3A_105 : f32 to vector<2048x32xf32>
    %add3A_107 = arith.addf %mul3A_104, %add3A_106 : vector<2048x32xf32>
    %mul3A_108 = arith.mulf %add3A_107, %mul3A_93 : vector<2048x32xf32>
    %add3A_109 = arith.constant 0.00119538105 : f32
    %add3A_110 = vector.broadcast %add3A_109 : f32 to vector<2048x32xf32>
    %add3A_111 = arith.addf %mul3A_108, %add3A_110 : vector<2048x32xf32>
    %mul3A_112 = arith.mulf %add3A_111, %mul3A_93 : vector<2048x32xf32>
    %add3A_113 = arith.constant -0.00238960446 : f32
    %add3A_114 = vector.broadcast %add3A_113 : f32 to vector<2048x32xf32>
    %add3A_115 = arith.addf %mul3A_112, %add3A_114 : vector<2048x32xf32>
    %mul3A_116 = arith.mulf %add3A_115, %mul3A_93 : vector<2048x32xf32>
    %add3A_117 = arith.constant 0.00463982299 : f32
    %add3A_118 = vector.broadcast %add3A_117 : f32 to vector<2048x32xf32>
    %add3A_119 = arith.addf %mul3A_116, %add3A_118 : vector<2048x32xf32>
    %mul3A_120 = arith.mulf %add3A_119, %mul3A_93 : vector<2048x32xf32>
    %add3A_121 = arith.constant -0.0103767877 : f32
    %add3A_122 = vector.broadcast %add3A_121 : f32 to vector<2048x32xf32>
    %add3A_123 = arith.addf %mul3A_120, %add3A_122 : vector<2048x32xf32>
    %mul3A_124 = arith.mulf %add3A_123, %mul3A_93 : vector<2048x32xf32>
    %add3A_125 = arith.constant 0.0247691404 : f32
    %add3A_126 = vector.broadcast %add3A_125 : f32 to vector<2048x32xf32>
    %add3A_127 = arith.addf %mul3A_124, %add3A_126 : vector<2048x32xf32>
    %mul3A_128 = arith.mulf %add3A_127, %mul3A_93 : vector<2048x32xf32>
    %add3A_129 = arith.constant -0.0666719377 : f32
    %add3A_130 = vector.broadcast %add3A_129 : f32 to vector<2048x32xf32>
    %add3A_131 = arith.addf %mul3A_128, %add3A_130 : vector<2048x32xf32>
    %mul3A_132 = arith.mulf %add3A_131, %mul3A_93 : vector<2048x32xf32>
    %add3A_133 = arith.constant 0.248795673 : f32
    %add3A_134 = vector.broadcast %add3A_133 : f32 to vector<2048x32xf32>
    %add3A_135 = arith.addf %mul3A_132, %add3A_134 : vector<2048x32xf32>
    %mul3A_136 = arith.mulf %add3A_135, %mul3A_93 : vector<2048x32xf32>
    %add3A_137 = arith.constant -0.317468315 : f32
    %add3A_138 = vector.broadcast %add3A_137 : f32 to vector<2048x32xf32>
    %add3A_139 = arith.addf %mul3A_136, %add3A_138 : vector<2048x32xf32>
    %mul3A_140 = arith.mulf %add3A_139, %mul3A_93 : vector<2048x32xf32>
    %add3A_141 = arith.constant 6.24769347E-9 : f32
    %add3A_142 = vector.broadcast %add3A_141 : f32 to vector<2048x32xf32>
    %add3A_143 = arith.addf %mul3A_140, %add3A_142 : vector<2048x32xf32>
    %sub3A_144 = arith.subf %mul3A_87, %add3A_143 : vector<2048x32xf32>
    %sub3A_145 = arith.constant 1.000000e+00 : f32
    %sub3A_146 = vector.broadcast %sub3A_145 : f32 to vector<2048x32xf32>
    %sub3A_147 = arith.subf %min3A_18, %sub3A_146 : vector<2048x32xf32>
    %mul3A_148 = arith.constant 1.81818187 : f32
    %mul3A_149 = vector.broadcast %mul3A_148 : f32 to vector<2048x32xf32>
    %mul3A_150 = arith.mulf %sub3A_147, %mul3A_149 : vector<2048x32xf32>
    %broadcast_in_dim3A_151 = arith.constant 1.79258015E-4 : f32
    %broadcast_in_dim3A_152 = vector.broadcast %broadcast_in_dim3A_151 : f32 to vector<2048x32xf32>
    %mul3A_153 = arith.mulf %broadcast_in_dim3A_152, %mul3A_150 : vector<2048x32xf32>
    %add3A_154 = arith.constant -3.26290581E-4 : f32
    %add3A_155 = vector.broadcast %add3A_154 : f32 to vector<2048x32xf32>
    %add3A_156 = arith.addf %mul3A_153, %add3A_155 : vector<2048x32xf32>
    %mul3A_157 = arith.mulf %add3A_156, %mul3A_150 : vector<2048x32xf32>
    %add3A_158 = arith.constant 6.11862561E-5 : f32
    %add3A_159 = vector.broadcast %add3A_158 : f32 to vector<2048x32xf32>
    %add3A_160 = arith.addf %mul3A_157, %add3A_159 : vector<2048x32xf32>
    %mul3A_161 = arith.mulf %add3A_160, %mul3A_150 : vector<2048x32xf32>
    %add3A_162 = arith.constant -2.13649633E-4 : f32
    %add3A_163 = vector.broadcast %add3A_162 : f32 to vector<2048x32xf32>
    %add3A_164 = arith.addf %mul3A_161, %add3A_163 : vector<2048x32xf32>
    %mul3A_165 = arith.mulf %add3A_164, %mul3A_150 : vector<2048x32xf32>
    %add3A_166 = arith.constant 0.00119538105 : f32
    %add3A_167 = vector.broadcast %add3A_166 : f32 to vector<2048x32xf32>
    %add3A_168 = arith.addf %mul3A_165, %add3A_167 : vector<2048x32xf32>
    %mul3A_169 = arith.mulf %add3A_168, %mul3A_150 : vector<2048x32xf32>
    %add3A_170 = arith.constant -0.00238960446 : f32
    %add3A_171 = vector.broadcast %add3A_170 : f32 to vector<2048x32xf32>
    %add3A_172 = arith.addf %mul3A_169, %add3A_171 : vector<2048x32xf32>
    %mul3A_173 = arith.mulf %add3A_172, %mul3A_150 : vector<2048x32xf32>
    %add3A_174 = arith.constant 0.00463982299 : f32
    %add3A_175 = vector.broadcast %add3A_174 : f32 to vector<2048x32xf32>
    %add3A_176 = arith.addf %mul3A_173, %add3A_175 : vector<2048x32xf32>
    %mul3A_177 = arith.mulf %add3A_176, %mul3A_150 : vector<2048x32xf32>
    %add3A_178 = arith.constant -0.0103767877 : f32
    %add3A_179 = vector.broadcast %add3A_178 : f32 to vector<2048x32xf32>
    %add3A_180 = arith.addf %mul3A_177, %add3A_179 : vector<2048x32xf32>
    %mul3A_181 = arith.mulf %add3A_180, %mul3A_150 : vector<2048x32xf32>
    %add3A_182 = arith.constant 0.0247691404 : f32
    %add3A_183 = vector.broadcast %add3A_182 : f32 to vector<2048x32xf32>
    %add3A_184 = arith.addf %mul3A_181, %add3A_183 : vector<2048x32xf32>
    %mul3A_185 = arith.mulf %add3A_184, %mul3A_150 : vector<2048x32xf32>
    %add3A_186 = arith.constant -0.0666719377 : f32
    %add3A_187 = vector.broadcast %add3A_186 : f32 to vector<2048x32xf32>
    %add3A_188 = arith.addf %mul3A_185, %add3A_187 : vector<2048x32xf32>
    %mul3A_189 = arith.mulf %add3A_188, %mul3A_150 : vector<2048x32xf32>
    %add3A_190 = arith.constant 0.248795673 : f32
    %add3A_191 = vector.broadcast %add3A_190 : f32 to vector<2048x32xf32>
    %add3A_192 = arith.addf %mul3A_189, %add3A_191 : vector<2048x32xf32>
    %mul3A_193 = arith.mulf %add3A_192, %mul3A_150 : vector<2048x32xf32>
    %add3A_194 = arith.constant -0.317468315 : f32
    %add3A_195 = vector.broadcast %add3A_194 : f32 to vector<2048x32xf32>
    %add3A_196 = arith.addf %mul3A_193, %add3A_195 : vector<2048x32xf32>
    %mul3A_197 = arith.mulf %add3A_196, %mul3A_150 : vector<2048x32xf32>
    %add3A_198 = arith.constant 6.24769347E-9 : f32
    %add3A_199 = vector.broadcast %add3A_198 : f32 to vector<2048x32xf32>
    %add3A_200 = arith.addf %mul3A_197, %add3A_199 : vector<2048x32xf32>
    %sub3A_201 = arith.subf %sub3A_144, %add3A_200 : vector<2048x32xf32>
    %sub3A_202 = arith.subf %min3A_6, %mul3A_24 : vector<2048x32xf32>
    %sub3A_203 = arith.constant 1.000000e+00 : f32
    %sub3A_204 = vector.broadcast %sub3A_203 : f32 to vector<2048x32xf32>
    %sub3A_205 = arith.subf %min3A_6, %sub3A_204 : vector<2048x32xf32>
    %mul3A_206 = arith.constant 1.81818187 : f32
    %mul3A_207 = vector.broadcast %mul3A_206 : f32 to vector<2048x32xf32>
    %mul3A_208 = arith.mulf %sub3A_205, %mul3A_207 : vector<2048x32xf32>
    %broadcast_in_dim3A_209 = arith.constant -0.00257549365 : f32
    %broadcast_in_dim3A_210 = vector.broadcast %broadcast_in_dim3A_209 : f32 to vector<2048x32xf32>
    %mul3A_211 = arith.mulf %broadcast_in_dim3A_210, %mul3A_208 : vector<2048x32xf32>
    %add3A_212 = arith.constant 0.00429701246 : f32
    %add3A_213 = vector.broadcast %add3A_212 : f32 to vector<2048x32xf32>
    %add3A_214 = arith.addf %mul3A_211, %add3A_213 : vector<2048x32xf32>
    %mul3A_215 = arith.mulf %add3A_214, %mul3A_208 : vector<2048x32xf32>
    %add3A_216 = arith.constant 5.56796382E-4 : f32
    %add3A_217 = vector.broadcast %add3A_216 : f32 to vector<2048x32xf32>
    %add3A_218 = arith.addf %mul3A_215, %add3A_217 : vector<2048x32xf32>
    %mul3A_219 = arith.mulf %add3A_218, %mul3A_208 : vector<2048x32xf32>
    %add3A_220 = arith.constant 1.47655664E-4 : f32
    %add3A_221 = vector.broadcast %add3A_220 : f32 to vector<2048x32xf32>
    %add3A_222 = arith.addf %mul3A_219, %add3A_221 : vector<2048x32xf32>
    %mul3A_223 = arith.mulf %add3A_222, %mul3A_208 : vector<2048x32xf32>
    %add3A_224 = arith.constant -0.0107396608 : f32
    %add3A_225 = vector.broadcast %add3A_224 : f32 to vector<2048x32xf32>
    %add3A_226 = arith.addf %mul3A_223, %add3A_225 : vector<2048x32xf32>
    %mul3A_227 = arith.mulf %add3A_226, %mul3A_208 : vector<2048x32xf32>
    %add3A_228 = arith.constant 1.825570e-02 : f32
    %add3A_229 = vector.broadcast %add3A_228 : f32 to vector<2048x32xf32>
    %add3A_230 = arith.addf %mul3A_227, %add3A_229 : vector<2048x32xf32>
    %mul3A_231 = arith.mulf %add3A_230, %mul3A_208 : vector<2048x32xf32>
    %add3A_232 = arith.constant -0.0270328112 : f32
    %add3A_233 = vector.broadcast %add3A_232 : f32 to vector<2048x32xf32>
    %add3A_234 = arith.addf %mul3A_231, %add3A_233 : vector<2048x32xf32>
    %mul3A_235 = arith.mulf %add3A_234, %mul3A_208 : vector<2048x32xf32>
    %add3A_236 = arith.constant 0.0502785668 : f32
    %add3A_237 = vector.broadcast %add3A_236 : f32 to vector<2048x32xf32>
    %add3A_238 = arith.addf %mul3A_235, %add3A_237 : vector<2048x32xf32>
    %mul3A_239 = arith.mulf %add3A_238, %mul3A_208 : vector<2048x32xf32>
    %add3A_240 = arith.constant -0.0950386673 : f32
    %add3A_241 = vector.broadcast %add3A_240 : f32 to vector<2048x32xf32>
    %add3A_242 = arith.addf %mul3A_239, %add3A_241 : vector<2048x32xf32>
    %mul3A_243 = arith.mulf %add3A_242, %mul3A_208 : vector<2048x32xf32>
    %add3A_244 = arith.constant 0.180191964 : f32
    %add3A_245 = vector.broadcast %add3A_244 : f32 to vector<2048x32xf32>
    %add3A_246 = arith.addf %mul3A_243, %add3A_245 : vector<2048x32xf32>
    %mul3A_247 = arith.mulf %add3A_246, %mul3A_208 : vector<2048x32xf32>
    %add3A_248 = arith.constant -0.363612324 : f32
    %add3A_249 = vector.broadcast %add3A_248 : f32 to vector<2048x32xf32>
    %add3A_250 = arith.addf %mul3A_247, %add3A_249 : vector<2048x32xf32>
    %mul3A_251 = arith.mulf %add3A_250, %mul3A_208 : vector<2048x32xf32>
    %add3A_252 = arith.constant 0.904709279 : f32
    %add3A_253 = vector.broadcast %add3A_252 : f32 to vector<2048x32xf32>
    %add3A_254 = arith.addf %mul3A_251, %add3A_253 : vector<2048x32xf32>
    %mul3A_255 = arith.mulf %add3A_254, %mul3A_208 : vector<2048x32xf32>
    %add3A_256 = arith.constant -0.577215791 : f32
    %add3A_257 = vector.broadcast %add3A_256 : f32 to vector<2048x32xf32>
    %add3A_258 = arith.addf %mul3A_255, %add3A_257 : vector<2048x32xf32>
    %mul3A_259 = arith.mulf %sub3A_202, %add3A_258 : vector<2048x32xf32>
    %add3A_260 = arith.addf %sub3A_201, %mul3A_259 : vector<2048x32xf32>
    %sub3A_261 = arith.subf %min3A_18, %mul3A_24 : vector<2048x32xf32>
    %sub3A_262 = arith.constant 1.000000e+00 : f32
    %sub3A_263 = vector.broadcast %sub3A_262 : f32 to vector<2048x32xf32>
    %sub3A_264 = arith.subf %min3A_18, %sub3A_263 : vector<2048x32xf32>
    %mul3A_265 = arith.constant 1.81818187 : f32
    %mul3A_266 = vector.broadcast %mul3A_265 : f32 to vector<2048x32xf32>
    %mul3A_267 = arith.mulf %sub3A_264, %mul3A_266 : vector<2048x32xf32>
    %broadcast_in_dim3A_268 = arith.constant -0.00257549365 : f32
    %broadcast_in_dim3A_269 = vector.broadcast %broadcast_in_dim3A_268 : f32 to vector<2048x32xf32>
    %mul3A_270 = arith.mulf %broadcast_in_dim3A_269, %mul3A_267 : vector<2048x32xf32>
    %add3A_271 = arith.constant 0.00429701246 : f32
    %add3A_272 = vector.broadcast %add3A_271 : f32 to vector<2048x32xf32>
    %add3A_273 = arith.addf %mul3A_270, %add3A_272 : vector<2048x32xf32>
    %mul3A_274 = arith.mulf %add3A_273, %mul3A_267 : vector<2048x32xf32>
    %add3A_275 = arith.constant 5.56796382E-4 : f32
    %add3A_276 = vector.broadcast %add3A_275 : f32 to vector<2048x32xf32>
    %add3A_277 = arith.addf %mul3A_274, %add3A_276 : vector<2048x32xf32>
    %mul3A_278 = arith.mulf %add3A_277, %mul3A_267 : vector<2048x32xf32>
    %add3A_279 = arith.constant 1.47655664E-4 : f32
    %add3A_280 = vector.broadcast %add3A_279 : f32 to vector<2048x32xf32>
    %add3A_281 = arith.addf %mul3A_278, %add3A_280 : vector<2048x32xf32>
    %mul3A_282 = arith.mulf %add3A_281, %mul3A_267 : vector<2048x32xf32>
    %add3A_283 = arith.constant -0.0107396608 : f32
    %add3A_284 = vector.broadcast %add3A_283 : f32 to vector<2048x32xf32>
    %add3A_285 = arith.addf %mul3A_282, %add3A_284 : vector<2048x32xf32>
    %mul3A_286 = arith.mulf %add3A_285, %mul3A_267 : vector<2048x32xf32>
    %add3A_287 = arith.constant 1.825570e-02 : f32
    %add3A_288 = vector.broadcast %add3A_287 : f32 to vector<2048x32xf32>
    %add3A_289 = arith.addf %mul3A_286, %add3A_288 : vector<2048x32xf32>
    %mul3A_290 = arith.mulf %add3A_289, %mul3A_267 : vector<2048x32xf32>
    %add3A_291 = arith.constant -0.0270328112 : f32
    %add3A_292 = vector.broadcast %add3A_291 : f32 to vector<2048x32xf32>
    %add3A_293 = arith.addf %mul3A_290, %add3A_292 : vector<2048x32xf32>
    %mul3A_294 = arith.mulf %add3A_293, %mul3A_267 : vector<2048x32xf32>
    %add3A_295 = arith.constant 0.0502785668 : f32
    %add3A_296 = vector.broadcast %add3A_295 : f32 to vector<2048x32xf32>
    %add3A_297 = arith.addf %mul3A_294, %add3A_296 : vector<2048x32xf32>
    %mul3A_298 = arith.mulf %add3A_297, %mul3A_267 : vector<2048x32xf32>
    %add3A_299 = arith.constant -0.0950386673 : f32
    %add3A_300 = vector.broadcast %add3A_299 : f32 to vector<2048x32xf32>
    %add3A_301 = arith.addf %mul3A_298, %add3A_300 : vector<2048x32xf32>
    %mul3A_302 = arith.mulf %add3A_301, %mul3A_267 : vector<2048x32xf32>
    %add3A_303 = arith.constant 0.180191964 : f32
    %add3A_304 = vector.broadcast %add3A_303 : f32 to vector<2048x32xf32>
    %add3A_305 = arith.addf %mul3A_302, %add3A_304 : vector<2048x32xf32>
    %mul3A_306 = arith.mulf %add3A_305, %mul3A_267 : vector<2048x32xf32>
    %add3A_307 = arith.constant -0.363612324 : f32
    %add3A_308 = vector.broadcast %add3A_307 : f32 to vector<2048x32xf32>
    %add3A_309 = arith.addf %mul3A_306, %add3A_308 : vector<2048x32xf32>
    %mul3A_310 = arith.mulf %add3A_309, %mul3A_267 : vector<2048x32xf32>
    %add3A_311 = arith.constant 0.904709279 : f32
    %add3A_312 = vector.broadcast %add3A_311 : f32 to vector<2048x32xf32>
    %add3A_313 = arith.addf %mul3A_310, %add3A_312 : vector<2048x32xf32>
    %mul3A_314 = arith.mulf %add3A_313, %mul3A_267 : vector<2048x32xf32>
    %add3A_315 = arith.constant -0.577215791 : f32
    %add3A_316 = vector.broadcast %add3A_315 : f32 to vector<2048x32xf32>
    %add3A_317 = arith.addf %mul3A_314, %add3A_316 : vector<2048x32xf32>
    %mul3A_318 = arith.mulf %sub3A_261, %add3A_317 : vector<2048x32xf32>
    %add3A_319 = arith.addf %add3A_260, %mul3A_318 : vector<2048x32xf32>
    %sub3A_320 = arith.constant 2.000000e+00 : f32
    %sub3A_321 = vector.broadcast %sub3A_320 : f32 to vector<2048x32xf32>
    %sub3A_322 = arith.subf %add3A_25, %sub3A_321 : vector<2048x32xf32>
    %mul3A_323 = arith.constant 0.952380955 : f32
    %mul3A_324 = vector.broadcast %mul3A_323 : f32 to vector<2048x32xf32>
    %mul3A_325 = arith.mulf %sub3A_322, %mul3A_324 : vector<2048x32xf32>
    %broadcast_in_dim3A_326 = arith.constant 9.28798835E-5 : f32
    %broadcast_in_dim3A_327 = vector.broadcast %broadcast_in_dim3A_326 : f32 to vector<2048x32xf32>
    %mul3A_328 = arith.mulf %broadcast_in_dim3A_327, %mul3A_325 : vector<2048x32xf32>
    %add3A_329 = arith.constant -1.79108698E-4 : f32
    %add3A_330 = vector.broadcast %add3A_329 : f32 to vector<2048x32xf32>
    %add3A_331 = arith.addf %mul3A_328, %add3A_330 : vector<2048x32xf32>
    %mul3A_332 = arith.mulf %add3A_331, %mul3A_325 : vector<2048x32xf32>
    %add3A_333 = arith.constant 7.01894314E-5 : f32
    %add3A_334 = vector.broadcast %add3A_333 : f32 to vector<2048x32xf32>
    %add3A_335 = arith.addf %mul3A_332, %add3A_334 : vector<2048x32xf32>
    %mul3A_336 = arith.mulf %add3A_335, %mul3A_325 : vector<2048x32xf32>
    %add3A_337 = arith.constant -1.95480272E-4 : f32
    %add3A_338 = vector.broadcast %add3A_337 : f32 to vector<2048x32xf32>
    %add3A_339 = arith.addf %mul3A_336, %add3A_338 : vector<2048x32xf32>
    %mul3A_340 = arith.mulf %add3A_339, %mul3A_325 : vector<2048x32xf32>
    %add3A_341 = arith.constant 8.2134956E-4 : f32
    %add3A_342 = vector.broadcast %add3A_341 : f32 to vector<2048x32xf32>
    %add3A_343 = arith.addf %mul3A_340, %add3A_342 : vector<2048x32xf32>
    %mul3A_344 = arith.mulf %add3A_343, %mul3A_325 : vector<2048x32xf32>
    %add3A_345 = arith.constant -0.00177652191 : f32
    %add3A_346 = vector.broadcast %add3A_345 : f32 to vector<2048x32xf32>
    %add3A_347 = arith.addf %mul3A_344, %add3A_346 : vector<2048x32xf32>
    %mul3A_348 = arith.mulf %add3A_347, %mul3A_325 : vector<2048x32xf32>
    %add3A_349 = arith.constant 0.00384832802 : f32
    %add3A_350 = vector.broadcast %add3A_349 : f32 to vector<2048x32xf32>
    %add3A_351 = arith.addf %mul3A_348, %add3A_350 : vector<2048x32xf32>
    %mul3A_352 = arith.mulf %add3A_351, %mul3A_325 : vector<2048x32xf32>
    %add3A_353 = arith.constant -0.00939592253 : f32
    %add3A_354 = vector.broadcast %add3A_353 : f32 to vector<2048x32xf32>
    %add3A_355 = arith.addf %mul3A_352, %add3A_354 : vector<2048x32xf32>
    %mul3A_356 = arith.mulf %add3A_355, %mul3A_325 : vector<2048x32xf32>
    %add3A_357 = arith.constant 0.0250204615 : f32
    %add3A_358 = vector.broadcast %add3A_357 : f32 to vector<2048x32xf32>
    %add3A_359 = arith.addf %mul3A_356, %add3A_358 : vector<2048x32xf32>
    %mul3A_360 = arith.mulf %add3A_359, %mul3A_325 : vector<2048x32xf32>
    %add3A_361 = arith.constant -0.0779726058 : f32
    %add3A_362 = vector.broadcast %add3A_361 : f32 to vector<2048x32xf32>
    %add3A_363 = arith.addf %mul3A_360, %add3A_362 : vector<2048x32xf32>
    %mul3A_364 = arith.mulf %add3A_363, %mul3A_325 : vector<2048x32xf32>
    %add3A_365 = arith.constant 0.355519623 : f32
    %add3A_366 = vector.broadcast %add3A_365 : f32 to vector<2048x32xf32>
    %add3A_367 = arith.addf %mul3A_364, %add3A_366 : vector<2048x32xf32>
    %mul3A_368 = arith.mulf %add3A_367, %mul3A_325 : vector<2048x32xf32>
    %add3A_369 = arith.constant 0.443923682 : f32
    %add3A_370 = vector.broadcast %add3A_369 : f32 to vector<2048x32xf32>
    %add3A_371 = arith.addf %mul3A_368, %add3A_370 : vector<2048x32xf32>
    %mul3A_372 = arith.mulf %add3A_371, %mul3A_325 : vector<2048x32xf32>
    %add3A_373 = arith.constant 2.91360913E-9 : f32
    %add3A_374 = vector.broadcast %add3A_373 : f32 to vector<2048x32xf32>
    %add3A_375 = arith.addf %mul3A_372, %add3A_374 : vector<2048x32xf32>
    %sub3A_376 = arith.constant 2.000000e+00 : f32
    %sub3A_377 = vector.broadcast %sub3A_376 : f32 to vector<2048x32xf32>
    %sub3A_378 = arith.subf %add3A_26, %sub3A_377 : vector<2048x32xf32>
    %mul3A_379 = arith.constant 0.952380955 : f32
    %mul3A_380 = vector.broadcast %mul3A_379 : f32 to vector<2048x32xf32>
    %mul3A_381 = arith.mulf %sub3A_378, %mul3A_380 : vector<2048x32xf32>
    %broadcast_in_dim3A_382 = arith.constant 9.28798835E-5 : f32
    %broadcast_in_dim3A_383 = vector.broadcast %broadcast_in_dim3A_382 : f32 to vector<2048x32xf32>
    %mul3A_384 = arith.mulf %broadcast_in_dim3A_383, %mul3A_381 : vector<2048x32xf32>
    %add3A_385 = arith.constant -1.79108698E-4 : f32
    %add3A_386 = vector.broadcast %add3A_385 : f32 to vector<2048x32xf32>
    %add3A_387 = arith.addf %mul3A_384, %add3A_386 : vector<2048x32xf32>
    %mul3A_388 = arith.mulf %add3A_387, %mul3A_381 : vector<2048x32xf32>
    %add3A_389 = arith.constant 7.01894314E-5 : f32
    %add3A_390 = vector.broadcast %add3A_389 : f32 to vector<2048x32xf32>
    %add3A_391 = arith.addf %mul3A_388, %add3A_390 : vector<2048x32xf32>
    %mul3A_392 = arith.mulf %add3A_391, %mul3A_381 : vector<2048x32xf32>
    %add3A_393 = arith.constant -1.95480272E-4 : f32
    %add3A_394 = vector.broadcast %add3A_393 : f32 to vector<2048x32xf32>
    %add3A_395 = arith.addf %mul3A_392, %add3A_394 : vector<2048x32xf32>
    %mul3A_396 = arith.mulf %add3A_395, %mul3A_381 : vector<2048x32xf32>
    %add3A_397 = arith.constant 8.2134956E-4 : f32
    %add3A_398 = vector.broadcast %add3A_397 : f32 to vector<2048x32xf32>
    %add3A_399 = arith.addf %mul3A_396, %add3A_398 : vector<2048x32xf32>
    %mul3A_400 = arith.mulf %add3A_399, %mul3A_381 : vector<2048x32xf32>
    %add3A_401 = arith.constant -0.00177652191 : f32
    %add3A_402 = vector.broadcast %add3A_401 : f32 to vector<2048x32xf32>
    %add3A_403 = arith.addf %mul3A_400, %add3A_402 : vector<2048x32xf32>
    %mul3A_404 = arith.mulf %add3A_403, %mul3A_381 : vector<2048x32xf32>
    %add3A_405 = arith.constant 0.00384832802 : f32
    %add3A_406 = vector.broadcast %add3A_405 : f32 to vector<2048x32xf32>
    %add3A_407 = arith.addf %mul3A_404, %add3A_406 : vector<2048x32xf32>
    %mul3A_408 = arith.mulf %add3A_407, %mul3A_381 : vector<2048x32xf32>
    %add3A_409 = arith.constant -0.00939592253 : f32
    %add3A_410 = vector.broadcast %add3A_409 : f32 to vector<2048x32xf32>
    %add3A_411 = arith.addf %mul3A_408, %add3A_410 : vector<2048x32xf32>
    %mul3A_412 = arith.mulf %add3A_411, %mul3A_381 : vector<2048x32xf32>
    %add3A_413 = arith.constant 0.0250204615 : f32
    %add3A_414 = vector.broadcast %add3A_413 : f32 to vector<2048x32xf32>
    %add3A_415 = arith.addf %mul3A_412, %add3A_414 : vector<2048x32xf32>
    %mul3A_416 = arith.mulf %add3A_415, %mul3A_381 : vector<2048x32xf32>
    %add3A_417 = arith.constant -0.0779726058 : f32
    %add3A_418 = vector.broadcast %add3A_417 : f32 to vector<2048x32xf32>
    %add3A_419 = arith.addf %mul3A_416, %add3A_418 : vector<2048x32xf32>
    %mul3A_420 = arith.mulf %add3A_419, %mul3A_381 : vector<2048x32xf32>
    %add3A_421 = arith.constant 0.355519623 : f32
    %add3A_422 = vector.broadcast %add3A_421 : f32 to vector<2048x32xf32>
    %add3A_423 = arith.addf %mul3A_420, %add3A_422 : vector<2048x32xf32>
    %mul3A_424 = arith.mulf %add3A_423, %mul3A_381 : vector<2048x32xf32>
    %add3A_425 = arith.constant 0.443923682 : f32
    %add3A_426 = vector.broadcast %add3A_425 : f32 to vector<2048x32xf32>
    %add3A_427 = arith.addf %mul3A_424, %add3A_426 : vector<2048x32xf32>
    %mul3A_428 = arith.mulf %add3A_427, %mul3A_381 : vector<2048x32xf32>
    %add3A_429 = arith.constant 2.91360913E-9 : f32
    %add3A_430 = vector.broadcast %add3A_429 : f32 to vector<2048x32xf32>
    %add3A_431 = arith.addf %mul3A_428, %add3A_430 : vector<2048x32xf32>
    %add3A_432 = arith.addf %add3A_375, %add3A_431 : vector<2048x32xf32>
    %sub3A_433 = arith.constant 2.000000e+00 : f32
    %sub3A_434 = vector.broadcast %sub3A_433 : f32 to vector<2048x32xf32>
    %sub3A_435 = arith.subf %mul3A_30, %sub3A_434 : vector<2048x32xf32>
    %mul3A_436 = arith.constant 0.952380955 : f32
    %mul3A_437 = vector.broadcast %mul3A_436 : f32 to vector<2048x32xf32>
    %mul3A_438 = arith.mulf %sub3A_435, %mul3A_437 : vector<2048x32xf32>
    %broadcast_in_dim3A_439 = arith.constant 9.28798835E-5 : f32
    %broadcast_in_dim3A_440 = vector.broadcast %broadcast_in_dim3A_439 : f32 to vector<2048x32xf32>
    %mul3A_441 = arith.mulf %broadcast_in_dim3A_440, %mul3A_438 : vector<2048x32xf32>
    %add3A_442 = arith.constant -1.79108698E-4 : f32
    %add3A_443 = vector.broadcast %add3A_442 : f32 to vector<2048x32xf32>
    %add3A_444 = arith.addf %mul3A_441, %add3A_443 : vector<2048x32xf32>
    %mul3A_445 = arith.mulf %add3A_444, %mul3A_438 : vector<2048x32xf32>
    %add3A_446 = arith.constant 7.01894314E-5 : f32
    %add3A_447 = vector.broadcast %add3A_446 : f32 to vector<2048x32xf32>
    %add3A_448 = arith.addf %mul3A_445, %add3A_447 : vector<2048x32xf32>
    %mul3A_449 = arith.mulf %add3A_448, %mul3A_438 : vector<2048x32xf32>
    %add3A_450 = arith.constant -1.95480272E-4 : f32
    %add3A_451 = vector.broadcast %add3A_450 : f32 to vector<2048x32xf32>
    %add3A_452 = arith.addf %mul3A_449, %add3A_451 : vector<2048x32xf32>
    %mul3A_453 = arith.mulf %add3A_452, %mul3A_438 : vector<2048x32xf32>
    %add3A_454 = arith.constant 8.2134956E-4 : f32
    %add3A_455 = vector.broadcast %add3A_454 : f32 to vector<2048x32xf32>
    %add3A_456 = arith.addf %mul3A_453, %add3A_455 : vector<2048x32xf32>
    %mul3A_457 = arith.mulf %add3A_456, %mul3A_438 : vector<2048x32xf32>
    %add3A_458 = arith.constant -0.00177652191 : f32
    %add3A_459 = vector.broadcast %add3A_458 : f32 to vector<2048x32xf32>
    %add3A_460 = arith.addf %mul3A_457, %add3A_459 : vector<2048x32xf32>
    %mul3A_461 = arith.mulf %add3A_460, %mul3A_438 : vector<2048x32xf32>
    %add3A_462 = arith.constant 0.00384832802 : f32
    %add3A_463 = vector.broadcast %add3A_462 : f32 to vector<2048x32xf32>
    %add3A_464 = arith.addf %mul3A_461, %add3A_463 : vector<2048x32xf32>
    %mul3A_465 = arith.mulf %add3A_464, %mul3A_438 : vector<2048x32xf32>
    %add3A_466 = arith.constant -0.00939592253 : f32
    %add3A_467 = vector.broadcast %add3A_466 : f32 to vector<2048x32xf32>
    %add3A_468 = arith.addf %mul3A_465, %add3A_467 : vector<2048x32xf32>
    %mul3A_469 = arith.mulf %add3A_468, %mul3A_438 : vector<2048x32xf32>
    %add3A_470 = arith.constant 0.0250204615 : f32
    %add3A_471 = vector.broadcast %add3A_470 : f32 to vector<2048x32xf32>
    %add3A_472 = arith.addf %mul3A_469, %add3A_471 : vector<2048x32xf32>
    %mul3A_473 = arith.mulf %add3A_472, %mul3A_438 : vector<2048x32xf32>
    %add3A_474 = arith.constant -0.0779726058 : f32
    %add3A_475 = vector.broadcast %add3A_474 : f32 to vector<2048x32xf32>
    %add3A_476 = arith.addf %mul3A_473, %add3A_475 : vector<2048x32xf32>
    %mul3A_477 = arith.mulf %add3A_476, %mul3A_438 : vector<2048x32xf32>
    %add3A_478 = arith.constant 0.355519623 : f32
    %add3A_479 = vector.broadcast %add3A_478 : f32 to vector<2048x32xf32>
    %add3A_480 = arith.addf %mul3A_477, %add3A_479 : vector<2048x32xf32>
    %mul3A_481 = arith.mulf %add3A_480, %mul3A_438 : vector<2048x32xf32>
    %add3A_482 = arith.constant 0.443923682 : f32
    %add3A_483 = vector.broadcast %add3A_482 : f32 to vector<2048x32xf32>
    %add3A_484 = arith.addf %mul3A_481, %add3A_483 : vector<2048x32xf32>
    %mul3A_485 = arith.mulf %add3A_484, %mul3A_438 : vector<2048x32xf32>
    %add3A_486 = arith.constant 2.91360913E-9 : f32
    %add3A_487 = vector.broadcast %add3A_486 : f32 to vector<2048x32xf32>
    %add3A_488 = arith.addf %mul3A_485, %add3A_487 : vector<2048x32xf32>
    %mul3A_489 = arith.constant 2.000000e+00 : f32
    %mul3A_490 = vector.broadcast %mul3A_489 : f32 to vector<2048x32xf32>
    %mul3A_491 = arith.mulf %mul3A_490, %add3A_488 : vector<2048x32xf32>
    %sub3A_492 = arith.subf %add3A_432, %mul3A_491 : vector<2048x32xf32>
    %sub3A_493 = arith.subf %mul3A_30, %add3A_25 : vector<2048x32xf32>
    %sub3A_494 = arith.constant 2.000000e+00 : f32
    %sub3A_495 = vector.broadcast %sub3A_494 : f32 to vector<2048x32xf32>
    %sub3A_496 = arith.subf %add3A_25, %sub3A_495 : vector<2048x32xf32>
    %mul3A_497 = arith.constant 0.952380955 : f32
    %mul3A_498 = vector.broadcast %mul3A_497 : f32 to vector<2048x32xf32>
    %mul3A_499 = arith.mulf %sub3A_496, %mul3A_498 : vector<2048x32xf32>
    %broadcast_in_dim3A_500 = arith.constant -6.53575466E-4 : f32
    %broadcast_in_dim3A_501 = vector.broadcast %broadcast_in_dim3A_500 : f32 to vector<2048x32xf32>
    %mul3A_502 = arith.mulf %broadcast_in_dim3A_501, %mul3A_499 : vector<2048x32xf32>
    %add3A_503 = arith.constant 0.00115407258 : f32
    %add3A_504 = vector.broadcast %add3A_503 : f32 to vector<2048x32xf32>
    %add3A_505 = arith.addf %mul3A_502, %add3A_504 : vector<2048x32xf32>
    %mul3A_506 = arith.mulf %add3A_505, %mul3A_499 : vector<2048x32xf32>
    %add3A_507 = arith.constant -7.90443955E-5 : f32
    %add3A_508 = vector.broadcast %add3A_507 : f32 to vector<2048x32xf32>
    %add3A_509 = arith.addf %mul3A_506, %add3A_508 : vector<2048x32xf32>
    %mul3A_510 = arith.mulf %add3A_509, %mul3A_499 : vector<2048x32xf32>
    %add3A_511 = arith.constant 4.37000504E-4 : f32
    %add3A_512 = vector.broadcast %add3A_511 : f32 to vector<2048x32xf32>
    %add3A_513 = arith.addf %mul3A_510, %add3A_512 : vector<2048x32xf32>
    %mul3A_514 = arith.mulf %add3A_513, %mul3A_499 : vector<2048x32xf32>
    %add3A_515 = arith.constant -0.00351372617 : f32
    %add3A_516 = vector.broadcast %add3A_515 : f32 to vector<2048x32xf32>
    %add3A_517 = arith.addf %mul3A_514, %add3A_516 : vector<2048x32xf32>
    %mul3A_518 = arith.mulf %add3A_517, %mul3A_499 : vector<2048x32xf32>
    %add3A_519 = arith.constant 0.00646622478 : f32
    %add3A_520 = vector.broadcast %add3A_519 : f32 to vector<2048x32xf32>
    %add3A_521 = arith.addf %mul3A_518, %add3A_520 : vector<2048x32xf32>
    %mul3A_522 = arith.mulf %add3A_521, %mul3A_499 : vector<2048x32xf32>
    %add3A_523 = arith.constant -0.0109856622 : f32
    %add3A_524 = vector.broadcast %add3A_523 : f32 to vector<2048x32xf32>
    %add3A_525 = arith.addf %mul3A_522, %add3A_524 : vector<2048x32xf32>
    %mul3A_526 = arith.mulf %add3A_525, %mul3A_499 : vector<2048x32xf32>
    %add3A_527 = arith.constant 0.0219094325 : f32
    %add3A_528 = vector.broadcast %add3A_527 : f32 to vector<2048x32xf32>
    %add3A_529 = arith.addf %mul3A_526, %add3A_528 : vector<2048x32xf32>
    %mul3A_530 = arith.mulf %add3A_529, %mul3A_499 : vector<2048x32xf32>
    %add3A_531 = arith.constant -4.492120e-02 : f32
    %add3A_532 = vector.broadcast %add3A_531 : f32 to vector<2048x32xf32>
    %add3A_533 = arith.addf %mul3A_530, %add3A_532 : vector<2048x32xf32>
    %mul3A_534 = arith.mulf %add3A_533, %mul3A_499 : vector<2048x32xf32>
    %add3A_535 = arith.constant 9.532870e-02 : f32
    %add3A_536 = vector.broadcast %add3A_535 : f32 to vector<2048x32xf32>
    %add3A_537 = arith.addf %mul3A_534, %add3A_536 : vector<2048x32xf32>
    %mul3A_538 = arith.mulf %add3A_537, %mul3A_499 : vector<2048x32xf32>
    %add3A_539 = arith.constant -0.222765461 : f32
    %add3A_540 = vector.broadcast %add3A_539 : f32 to vector<2048x32xf32>
    %add3A_541 = arith.addf %mul3A_538, %add3A_540 : vector<2048x32xf32>
    %mul3A_542 = arith.mulf %add3A_541, %mul3A_499 : vector<2048x32xf32>
    %add3A_543 = arith.constant 0.677179694 : f32
    %add3A_544 = vector.broadcast %add3A_543 : f32 to vector<2048x32xf32>
    %add3A_545 = arith.addf %mul3A_542, %add3A_544 : vector<2048x32xf32>
    %mul3A_546 = arith.mulf %add3A_545, %mul3A_499 : vector<2048x32xf32>
    %add3A_547 = arith.constant 0.422784299 : f32
    %add3A_548 = vector.broadcast %add3A_547 : f32 to vector<2048x32xf32>
    %add3A_549 = arith.addf %mul3A_546, %add3A_548 : vector<2048x32xf32>
    %mul3A_550 = arith.mulf %sub3A_493, %add3A_549 : vector<2048x32xf32>
    %add3A_551 = arith.addf %sub3A_492, %mul3A_550 : vector<2048x32xf32>
    %sub3A_552 = arith.subf %mul3A_30, %add3A_26 : vector<2048x32xf32>
    %sub3A_553 = arith.constant 2.000000e+00 : f32
    %sub3A_554 = vector.broadcast %sub3A_553 : f32 to vector<2048x32xf32>
    %sub3A_555 = arith.subf %add3A_26, %sub3A_554 : vector<2048x32xf32>
    %mul3A_556 = arith.constant 0.952380955 : f32
    %mul3A_557 = vector.broadcast %mul3A_556 : f32 to vector<2048x32xf32>
    %mul3A_558 = arith.mulf %sub3A_555, %mul3A_557 : vector<2048x32xf32>
    %broadcast_in_dim3A_559 = arith.constant -6.53575466E-4 : f32
    %broadcast_in_dim3A_560 = vector.broadcast %broadcast_in_dim3A_559 : f32 to vector<2048x32xf32>
    %mul3A_561 = arith.mulf %broadcast_in_dim3A_560, %mul3A_558 : vector<2048x32xf32>
    %add3A_562 = arith.constant 0.00115407258 : f32
    %add3A_563 = vector.broadcast %add3A_562 : f32 to vector<2048x32xf32>
    %add3A_564 = arith.addf %mul3A_561, %add3A_563 : vector<2048x32xf32>
    %mul3A_565 = arith.mulf %add3A_564, %mul3A_558 : vector<2048x32xf32>
    %add3A_566 = arith.constant -7.90443955E-5 : f32
    %add3A_567 = vector.broadcast %add3A_566 : f32 to vector<2048x32xf32>
    %add3A_568 = arith.addf %mul3A_565, %add3A_567 : vector<2048x32xf32>
    %mul3A_569 = arith.mulf %add3A_568, %mul3A_558 : vector<2048x32xf32>
    %add3A_570 = arith.constant 4.37000504E-4 : f32
    %add3A_571 = vector.broadcast %add3A_570 : f32 to vector<2048x32xf32>
    %add3A_572 = arith.addf %mul3A_569, %add3A_571 : vector<2048x32xf32>
    %mul3A_573 = arith.mulf %add3A_572, %mul3A_558 : vector<2048x32xf32>
    %add3A_574 = arith.constant -0.00351372617 : f32
    %add3A_575 = vector.broadcast %add3A_574 : f32 to vector<2048x32xf32>
    %add3A_576 = arith.addf %mul3A_573, %add3A_575 : vector<2048x32xf32>
    %mul3A_577 = arith.mulf %add3A_576, %mul3A_558 : vector<2048x32xf32>
    %add3A_578 = arith.constant 0.00646622478 : f32
    %add3A_579 = vector.broadcast %add3A_578 : f32 to vector<2048x32xf32>
    %add3A_580 = arith.addf %mul3A_577, %add3A_579 : vector<2048x32xf32>
    %mul3A_581 = arith.mulf %add3A_580, %mul3A_558 : vector<2048x32xf32>
    %add3A_582 = arith.constant -0.0109856622 : f32
    %add3A_583 = vector.broadcast %add3A_582 : f32 to vector<2048x32xf32>
    %add3A_584 = arith.addf %mul3A_581, %add3A_583 : vector<2048x32xf32>
    %mul3A_585 = arith.mulf %add3A_584, %mul3A_558 : vector<2048x32xf32>
    %add3A_586 = arith.constant 0.0219094325 : f32
    %add3A_587 = vector.broadcast %add3A_586 : f32 to vector<2048x32xf32>
    %add3A_588 = arith.addf %mul3A_585, %add3A_587 : vector<2048x32xf32>
    %mul3A_589 = arith.mulf %add3A_588, %mul3A_558 : vector<2048x32xf32>
    %add3A_590 = arith.constant -4.492120e-02 : f32
    %add3A_591 = vector.broadcast %add3A_590 : f32 to vector<2048x32xf32>
    %add3A_592 = arith.addf %mul3A_589, %add3A_591 : vector<2048x32xf32>
    %mul3A_593 = arith.mulf %add3A_592, %mul3A_558 : vector<2048x32xf32>
    %add3A_594 = arith.constant 9.532870e-02 : f32
    %add3A_595 = vector.broadcast %add3A_594 : f32 to vector<2048x32xf32>
    %add3A_596 = arith.addf %mul3A_593, %add3A_595 : vector<2048x32xf32>
    %mul3A_597 = arith.mulf %add3A_596, %mul3A_558 : vector<2048x32xf32>
    %add3A_598 = arith.constant -0.222765461 : f32
    %add3A_599 = vector.broadcast %add3A_598 : f32 to vector<2048x32xf32>
    %add3A_600 = arith.addf %mul3A_597, %add3A_599 : vector<2048x32xf32>
    %mul3A_601 = arith.mulf %add3A_600, %mul3A_558 : vector<2048x32xf32>
    %add3A_602 = arith.constant 0.677179694 : f32
    %add3A_603 = vector.broadcast %add3A_602 : f32 to vector<2048x32xf32>
    %add3A_604 = arith.addf %mul3A_601, %add3A_603 : vector<2048x32xf32>
    %mul3A_605 = arith.mulf %add3A_604, %mul3A_558 : vector<2048x32xf32>
    %add3A_606 = arith.constant 0.422784299 : f32
    %add3A_607 = vector.broadcast %add3A_606 : f32 to vector<2048x32xf32>
    %add3A_608 = arith.addf %mul3A_605, %add3A_607 : vector<2048x32xf32>
    %mul3A_609 = arith.mulf %sub3A_552, %add3A_608 : vector<2048x32xf32>
    %add3A_610 = arith.addf %add3A_551, %mul3A_609 : vector<2048x32xf32>
    %mul3A_611 = arith.constant 5.000000e-01 : f32
    %mul3A_612 = vector.broadcast %mul3A_611 : f32 to vector<2048x32xf32>
    %mul3A_613 = arith.mulf %mul3A_612, %add3A_610 : vector<2048x32xf32>
    %add3A_614 = arith.addf %add3A_319, %mul3A_613 : vector<2048x32xf32>
    %get3A_615 = arith.constant 0 : index
    %get3A_616 = arith.constant 0 : index
    %get3A_617 = vector.load %arg5[%get3A_615, %get3A_616] : memref<32x1xf32, #tpu.memory_space<vmem>>, vector<32x1xf32>
    %dot_general3A = arith.constant dense<0.000000e+00> : vector<2048x1xf32>
    %dot_general3A_618 = tpu.matmul %add3A_614, %get3A_617, %dot_general3A {dimension_numbers = #tpu.dot_dimension_numbers<[1], [0], [0], [1], [0, 0, 1, 1], [], []>, transpose_lhs_hint = false} : vector<2048x32xf32>, vector<32x1xf32>, vector<2048x1xf32> -> vector<2048x1xf32>
    %get3A_619 = arith.constant 0 : index
    %get3A_620 = arith.constant 0 : index
    %get3A_621 = vector.load %arg3[%get3A_619, %get3A_620] : memref<2048x1xf32, #tpu.memory_space<vmem>>, vector<2048x1xf32>
    %get3A_622 = arith.constant 0 : index
    %get3A_623 = arith.constant 0 : index
    %get3A_624 = vector.load %arg4[%get3A_622, %get3A_623] : memref<2048x1xf32, #tpu.memory_space<vmem>>, vector<2048x1xf32>
    %add3A_625 = arith.addf %get3A_621, %get3A_624 : vector<2048x1xf32>
    %sub3A_626 = arith.subf %add3A_625, %dot_general3A_618 : vector<2048x1xf32>
    %get3A_627 = arith.constant 0 : index
    %get3A_628 = memref.load %arg6[%get3A_627] : memref<1xf32, #tpu.memory_space<smem>>
    %sub3A_629 = vector.broadcast %get3A_628 : f32 to vector<2048x1xf32>
    %sub3A_630 = arith.subf %sub3A_626, %sub3A_629 : vector<2048x1xf32>
    %logistic3A = arith.negf %sub3A_630 : vector<2048x1xf32>
    %logistic3A_631 = math.exp %logistic3A : vector<2048x1xf32>
    %logistic3A_632 = arith.constant 1.000000e+00 : f32
    %logistic3A_633 = vector.broadcast %logistic3A_632 : f32 to vector<2048x1xf32>
    %logistic3A_634 = arith.addf %logistic3A_633, %logistic3A_631 : vector<2048x1xf32>
    %logistic3A_635 = arith.divf %logistic3A_633, %logistic3A_634 : vector<2048x1xf32>
    %swap3A = arith.constant 0 : index
    %swap3A_636 = arith.constant 0 : index
    %swap3A_637 = vector.load %arg7[%swap3A, %swap3A_636] : memref<2048x1xf32, #tpu.memory_space<vmem>>, vector<2048x1xf32>
    tpu.vector_store %arg7[%swap3A, %swap3A_636], %logistic3A_635 {strides = array<i32>} : memref<2048x1xf32, #tpu.memory_space<vmem>>, vector<2048x1xf32>,
    return
  }
  func.func @transform_0(%arg0: i32) -> (i32, i32) {
    %c0_i32 = arith.constant 0 : i32
    %c0_i32_0 = arith.constant 0 : i32
    return %arg0, %c0_i32 : i32, i32
  }
  func.func @transform_1(%arg0: i32) -> (i32, i32) {
    %c0_i32 = arith.constant 0 : i32
    %c0_i32_0 = arith.constant 0 : i32
    return %arg0, %c0_i32 : i32, i32
  }
  func.func @transform_2(%arg0: i32) -> (i32, i32) {
    %c0_i32 = arith.constant 0 : i32
    %c0_i32_0 = arith.constant 0 : i32
    return %arg0, %c0_i32 : i32, i32
  }
  func.func @transform_3(%arg0: i32) -> (i32, i32) {
    %c0_i32 = arith.constant 0 : i32
    %c0_i32_0 = arith.constant 0 : i32
    return %arg0, %c0_i32 : i32, i32
  }
  func.func @transform_4(%arg0: i32) -> (i32, i32) {
    %c0_i32 = arith.constant 0 : i32
    %c0_i32_0 = arith.constant 0 : i32
    %c0_i32_1 = arith.constant 0 : i32
    return %c0_i32, %c0_i32_0 : i32, i32
  }
  func.func @transform_5(%arg0: i32) -> i32 {
    %c0_i32 = arith.constant 0 : i32
    %c0_i32_0 = arith.constant 0 : i32
    return %c0_i32 : i32
  }
  func.func @transform_6(%arg0: i32) -> (i32, i32) {
    %c0_i32 = arith.constant 0 : i32
    %c0_i32_0 = arith.constant 0 : i32
    return %arg0, %c0_i32 : i32, i32
  }
}

</mosaic_0001>

<sc_bundles>
// kernel: kernel.5.cloned.1.call-start
scs
__scs_entry_jumppad:
0x0: {  	(pc) =	sbr.rel $0x88, $3  }
0x1: {  	(tag) =	ssettag $0x0;
	lr =	simm.s32 $0x1  }
0x2: {  	[smem:$0x3F99] =	sst lr;
	_ =	strace $0xD0000000  }
0x3: {  	_ = 	snop  }
0x4: {  	_ = 	snop  }
0x5: {  	_ = 	snop  }
0x6: {  	_ = 	snop  }
0x7: {  	_ = 	snop  }
__scs_overlays_trampoline_lowered:
0x8: {  	[smem:$0x3FA8] =	sst s0  }
0x9: {  	[smem:$0x3FA9] =	sst s1  }
0xa: {  	[smem:$0x3FAA] =	sst s2  }
0xb: {  	[smem:$0x3FAB] =	sst s3  }
0xc: {  	[smem:$0x3FAC] =	sst s4  }
0xd: {  	[smem:$0x3FAD] =	sst s5  }
0xe: {  	[smem:$0x3FAE] =	sst s6  }
0xf: {  	[smem:$0x3FAF] =	sst s7  }
0x10: {  	[smem:$0x3FB0] =	sst s8  }
0x11: {  	[smem:$0x3FB1] =	sst s9;
	s0 =	simm.s32 @!p0 $0x0  }
0x12: {  	s1 =	sld [smem:$0x3F97];
	s0 =	simm.s32 @p0 $0x1  }
0x13: {  	[smem:$0x3FB2] =	sst s0;
	s0 =	simm.s32 @!p1 $0x0  }
0x14: {  	s2 =	sld [smem:$0x3F96];
	s0 =	simm.s32 @p1 $0x1  }
0x15: {  	[smem:$0x3FB3] =	sst s0;
	s0 =	simm.s32 @!p2 $0x0  }
0x16: {  	s3 =	sld [smem:$0x3FDB];
	s0 =	simm.s32 @p2 $0x1  }
0x17: {  	s4 =	simm.s32 $0x1BF5;
	[smem:$0x3FB5] =	sst s0  }
0x18: {  	s0 =	sld [smem:$0x3F98];
	_ =	swait.ge [sflag:s4], $0x0  }
0x19: {  	s7 =	sld [smem:$0x3F99]  }
0x1a: {  	s8 =	sadd.s32 $0xFFFFE003, lr  }
0x1b: {  	s9 =	sadd.s32 $0xFFFFFEF7, lr;
	s5 =	simm.s32 $0xFFFFFFFF;
	p2 =	slt.u32 s8, $0xFFFFF086  }
0x1c: {  	p1 =	slt.u32 s9, $0xF7A;
	s5 =	simm.s32 @!p2 $0x0  }
0x1d: {  	s5 =	simm.s32 @p1 $0x1;
	p0 =	seq.s32 s7, s2  }
0x1e: {  	s7 =	smul.u32 @!p0 $0xF7A, s2;
	p2 =	seq.s32 @!p0 s5, $0x0  }
0x1f: {  	s9 =	smul.u32 $0xF7A, s1;
	s8 =	simm.s32 @!p0 $0x1BF5;
	p2 =	por !p2, p0  }
0x20: {  	[sflag:s8] =	ssyncset.s32 @!p0 $0xFFFFF086;
	s6 =	sadd.s32 @!p0 s3, s7;
	s7 =	simm.s32 @!p0 $0x108  }
0x21: {  	s3 =	sadd.s32 s3, s9;
	s6 =	sadd.s32 @!p0 $0x88, s6;
	s7 =	simm.s32 @p2 $0x1082  }
0x22: {  	[simem:s7], [sflag:s8] =	dma.local @!p0 [hbm:s6], $0xF7A  }
0x23: {  	s9 =	sor.u32 $0xD0000000, s2;
	s6 =	simm.s32 $0x108;
	_ =	swait.ge @!p0 [sflag:s8], $0x0  }
0x24: {  	s3 =	sadd.s32 $0x88, s3;
	s6 =	simm.s32 @!p1 $0x1082;
	[sflag:s4] =	ssyncset.s32 $0xFFFFF086  }
0x25: {  	[simem:s6], [sflag:s4] =	dma.local [hbm:s3], $0xF7A  }
0x26: {  	[smem:$0x3F99] =	sst s1;
	(tag) =	ssettag s2;
	_ =	strace s9  }
0x27: {  	s1 =	sld [smem:$0x3FA9]  }
0x28: {  	s2 =	sld [smem:$0x3FAA]  }
0x29: {  	s4 =	sld [smem:$0x3FAC]  }
0x2a: {  	p0 =	seq.s32 s5, $0x0;
	s5 =	sld [smem:$0x3FAD]  }
0x2b: {  	s6 =	sld [smem:$0x3FAE]  }
0x2c: {  	s7 =	sld [smem:$0x3FAF]  }
0x2d: {  	s3 =	simm.s32 $0x108;
	s8 =	sld [smem:$0x3FB0]  }
0x2e: {  	s3 =	simm.s32 @!p0 $0x1082;
	s9 =	sld [smem:$0x3FB1]  }
0x2f: {  	lr =	sadd.s32 s0, s3;
	s0 =	sld [smem:$0x3FA8]  }
0x30: {  	s3 =	sld [smem:$0x3FAB]  }
0x31: {  	[smem:$0x3FB4] =	sst s10  }
0x32: {  	s10 =	sld [smem:$0x3FB2];
	_ =	sdelay $0x3  }
0x33: {  	p0 =	seq.s32 s10, $0x1;
	s10 =	sld [smem:$0x3FB4];
	_ =	sdelay $0x3  }
0x34: {  	[smem:$0x3FB4] =	sst s10  }
0x35: {  	s10 =	sld [smem:$0x3FB3];
	_ =	sdelay $0x3  }
0x36: {  	p1 =	seq.s32 s10, $0x1;
	s10 =	sld [smem:$0x3FB4];
	_ =	sdelay $0x3  }
0x37: {  	[smem:$0x3FB4] =	sst s10  }
0x38: {  	s10 =	sld [smem:$0x3FB5]  }
0x39: {  	_ = 	snop;
	(pc) =	sbr.ind lr, $3  }
0x3a: {  	_ = 	snop  }
0x3b: {  	_ = 	snop  }
0x3c: {  	p2 =	seq.s32 s10, $0x1;
	s10 =	sld [smem:$0x3FB4]  }
0x3d: {  	_ =	shalt  }
0x3e: {  	_ =	shalt  }
0x3f: {  	_ =	shalt  }
0x40: {  	_ =	shalt  }
0x41: {  	_ =	shalt  }
0x42: {  	_ =	shalt  }
0x43: {  	_ =	shalt  }
0x44: {  	_ =	shalt  }
0x45: {  	_ =	shalt  }
0x46: {  	_ =	shalt  }
0x47: {  	_ =	shalt  }
0x48: {  	_ =	shalt  }
0x49: {  	_ =	shalt  }
0x4a: {  	_ =	shalt  }
0x4b: {  	_ =	shalt  }
0x4c: {  	_ =	shalt  }
0x4d: {  	_ =	shalt  }
0x4e: {  	_ =	shalt  }
0x4f: {  	_ =	shalt  }
0x50: {  	_ =	shalt  }
0x51: {  	_ =	shalt  }
0x52: {  	_ =	shalt  }
0x53: {  	_ =	shalt  }
0x54: {  	_ =	shalt  }
0x55: {  	_ =	shalt  }
0x56: {  	_ =	shalt  }
0x57: {  	_ =	shalt  }
0x58: {  	_ =	shalt  }
0x59: {  	_ =	shalt  }
0x5a: {  	_ =	shalt  }
0x5b: {  	_ =	shalt  }
0x5c: {  	_ =	shalt  }
0x5d: {  	_ =	shalt  }
0x5e: {  	_ =	shalt  }
0x5f: {  	_ =	shalt  }
0x60: {  	_ =	shalt  }
0x61: {  	_ =	shalt  }
0x62: {  	_ =	shalt  }
0x63: {  	_ =	shalt  }
0x64: {  	_ =	shalt  }
0x65: {  	_ =	shalt  }
0x66: {  	_ =	shalt  }
0x67: {  	_ =	shalt  }
0x68: {  	_ =	shalt  }
0x69: {  	_ =	shalt  }
0x6a: {  	_ =	shalt  }
0x6b: {  	_ =	shalt  }
0x6c: {  	_ =	shalt  }
0x6d: {  	_ =	shalt  }
0x6e: {  	_ =	shalt  }
0x6f: {  	_ =	shalt  }
0x70: {  	_ =	shalt  }
0x71: {  	_ =	shalt  }
0x72: {  	_ =	shalt  }
0x73: {  	_ =	shalt  }
0x74: {  	_ =	shalt  }
0x75: {  	_ =	shalt  }
0x76: {  	_ =	shalt  }
0x77: {  	_ =	shalt  }
0x78: {  	_ =	shalt  }
0x79: {  	_ =	shalt  }
0x7a: {  	_ =	shalt  }
0x7b: {  	_ =	shalt  }
0x7c: {  	_ =	shalt  }
0x7d: {  	_ =	shalt  }
0x7e: {  	_ =	shalt  }
0x7f: {  	_ =	shalt  }
0x80: {  	_ =	shalt  }
0x81: {  	_ =	shalt  }
0x82: {  	_ =	shalt  }
0x83: {  	_ =	shalt  }
0x84: {  	_ =	shalt  }
0x85: {  	_ =	shalt  }
0x86: {  	_ =	shalt  }
0x87: {  	_ =	shalt  }
.Lfunc_end0:
.L_simem_size_0:
called_computation_lowered:
.L_overlay_start_0:
0x88: {  	s2 =	sld [smem:$0x3FD9]  }
0x89: {  	s3 =	sld [smem:$0x3FFE];
	_ =	sdelay $0x1  }
0x8a: {  	s1 =	srdreg.scid  }
0x8b: {  	s0 =	sand.u32 $0x1, s1  }
0x8c: {  	s17 =	sshll.u32 s0, $0xA;
	s2 =	sadd.s32 s3, s2  }
0x8d: {  	s2 =	sadd.s32 s2, s17  }
0x8e: {  	[smem:$0x3FC0] =	sst s2  }
0x8f: {  	_ = 	snop  }
0x90: {  	s18 =	sld [smem:$0x3FC9]  }
0x91: {  	s4 =	sld [smem:$0x3FC8];
	(tm) =	ssettm $0x1  }
0x92: {  	s19 =	sld [smem:$0x3FFB];
	_ =	sdelay $0x3  }
0x93: {  	_ =	strace s19  }
0x94: {  	s2 =	sld [smem:$0x3FFC];
	_ =	sdelay $0x3  }
0x95: {  	_ =	strace s2  }
0x96: {  	s2 =	sld [smem:$0x3FFD];
	_ =	sdelay $0x3  }
0x97: {  	_ =	strace s2  }
0x98: {  	_ =	strace $0x8FFFFFFF  }
0x99: {  	s20 =	sld [smem:$0x3FDB];
	_ =	sdelay $0x1  }
0x9a: {  	s5 =	simm.s32 $_scs_section_size  }
0x9b: {  	s6 =	simm.s32 $_size__tile_overlayer_lowered;
	s7 =	simm.s32 $_tile_overlayer_lowered  }
0x9c: {  	s8 =	simm.s32 $0x1BFF;
	s21 =	sshll.u32 s7, $0x1;
	s5 =	sadd.s32 s5, s20  }
0x9d: {  	s22 =	simm.s32 $0x0;
	s6 =	sshll.u32 s6, $0x1;
	s7 =	sadd.s32 s21, s5  }
0x9e: {  	[timem:s22], [sflag:s8] =	dma.local [hbm:s7], s6  }
0x9f: {  	_ =	swait.ge [sflag:s8], s6  }
0xa0: {  	s6 =	ssub.s32 $0x0, s6;
	[sflag:s8] =	ssyncset.done $0x0  }
0xa1: {  	[sflag:s8] =	ssyncadd.s32 s6;
	_ =	sdelay $0x1  }
0xa2: {  	s23 =	simm.s32 $0x1B8B  }
0xa3: {  	_ =	swait.ge [sflag:s23], $0x1  }
0xa4: {  	[sflag:s23] =	ssyncset.done $0x0  }
0xa5: {  	[sflag:s23] =	ssyncadd.s32 $0xFFFFFFFF  }
0xa6: {  	s6 =	sld [smem:$0x0]  }
0xa7: {  	s7 =	sand.u32 $0xFFFFFFFE, s1  }
0xa8: {  	p0 =	sne.s32 s1, s7  }
0xa9: {  	s7 =	sshll.u32 @p0 s7, $0xE  }
0xaa: {  	s7 =	sadd.s32 @p0 $0x11B8D, s7;
	s8 =	sshll.u32 @p0 s6, $0x11  }
0xab: {  	s7 =	sor.u32 @p0 s8, s7  }
0xac: {  	[sflag:s7] =	ssyncadd.remote.s32 @p0 $0x1;
	_ =	sdelay $0x1  }
0xad: {  	s7 =	simm.s32 @p0 $0x1B8D  }
0xae: {  	_ =	swait.eq @p0 [sflag:s7], $0x1  }
0xaf: {  	[sflag:s7] =	ssyncadd.s32 @p0 $0xFFFFFFFF  }
0xb0: {  	s8 =	sshll.u32 @!p0 s1, $0xE  }
0xb1: {  	s8 =	sor.u32 @!p0 $0x4000, s8;
	s7 =	simm.s32 @!p0 $0x1B8D  }
0xb2: {  	s6 =	sshll.u32 @!p0 s6, $0x11;
	s8 =	sadd.s32 @!p0 $0x11B8D, s8;
	_ =	swait.eq @!p0 [sflag:s7], $0x1  }
0xb3: {  	s6 =	sor.u32 @!p0 s6, s8;
	[sflag:s7] =	ssyncadd.s32 @!p0 $0xFFFFFFFF  }
0xb4: {  	s25 =	simm.s32 $0x1B8E;
	s24 =	sld [smem:$0x3FFE];
	[sflag:s6] =	ssyncadd.remote.s32 @!p0 $0x1  }
0xb5: {  	s26 =	simm.s32 $execute0_lowered;
	[smem:$0x3FD2] =	sst s25  }
0xb6: {  	s7 =	sshll.u32 s26, $0x1;
	_ =	strace $0x80000049;
	[dreg:$0x1] =	wrdreg $0xFFFFFFFF  }
0xb7: {  	s28 =	simm.s32 $_size_execute0_lowered;
	s5 =	sadd.s32 s5, s7;
	[dreg:$0x0] =	wrdreg $0x0  }
0xb8: {  	s7 =	sshll.u32 s28, $0x1;
	[dreg:$0x2] =	wrdreg s5  }
0xb9: {  	[dreg:$0x3] =	wrdreg s7  }
0xba: {  	[dreg:$0x4] =	wrdreg $0xC0  }
0xbb: {  	_ =	task [dreg:s22], $0x5FFFF  }
0xbc: {  	[dreg:$0x1] =	wrdreg $0xFFFFFFFF  }
0xbd: {  	[dreg:$0x0] =	wrdreg $0x60  }
0xbe: {  	[dreg:$0x2] =	wrdreg s18  }
0xbf: {  	[dreg:$0x3] =	wrdreg s4  }
0xc0: {  	[dreg:$0x4] =	wrdreg s24  }
0xc1: {  	[dreg:$0x5] =	wrdreg $0x9  }
0xc2: {  	_ =	task.clear_ibuf [dreg:s22], $0x6FFFF;
	_ =	strace $0x90000049  }
0xc3: {  	s29 =	simm.s32 $0x9;
	_ =	strace $0x8000004B  }
0xc4: {  	_ =	swait.ge [sflag:s29], $0x1  }
0xc5: {  	[sflag:s29] =	ssyncadd.s32 $0xFFFFFFFF  }
0xc6: {  	_ =	strace $0x9000004B  }
0xc7: {  	_ =	sfence  }
0xc8: {  	s30 =	sld [smem:$0x0];
	_ =	sdelay $0x2  }
0xc9: {  	s31 =	sshll.u32 s1, $0xD;
	s1 =	sshrl.u32 s1, $0x2  }
0xca: {  	s4 =	sand.u32 $0x4000, s31;
	s1 =	sadd.s32 s1, s30  }
0xcb: {  	s0 =	sor.u32 s4, s0;
	s1 =	sshll.u32 s1, $0x11  }
0xcc: {  	s0 =	sor.u32 s1, s0  }
0xcd: {  	s0 =	sadd.s32 $0x8F2B, s0  }
0xce: {  	[sflag:s0] =	ssyncadd.remote.s32 $0x1  }
0xcf: {  	_ =	sfence.sel $0xFFFF  }
0xd0: {  	[dreg:$0x0] =	wrdreg $0xFFFFFFFF;
	(pc) =	sbr.abs _section_cstart, $3  }
0xd1: {  	[dreg:$0x1] =	wrdreg $0xFFFFFFFF  }
0xd2: {  	_ =	task.clear_ibuf [dreg:s22], $0x2FFFF;
	_ =	strace $0x9FFFFFFF  }
0xd3: {  	(tm) =	ssettm $0x7FFFFFFF  }
tec
execute0_lowered:
.L_overlay_start_1:
0x0: {  	(tag) =	ssettag $0x1  }
0x1: {  	s0 =	rddreg [dreg:$0x0]  }
0x2: {  	s2 =	rddreg [dreg:$0x1]  }
0x3: {  	s5 =	rddreg [dreg:$0x2];
	s6 =	srdreg.scid  }
0x4: {  	s1 =	simm.s32 $0x0;
	s8 =	stileid.u32;
	s6 =	sand.u32 $0x1, s6  }
0x5: {  	s8 =	sshll.u32 s8, $0xA;
	s7 =	ssub.s32 $0x2, s6;
	s6 =	sshll.u32 s6, $0x9  }
0x6: {  	[smem:$0x7FF] =	sst s1;
	s3 =	sadd.s32 $0x1A00, s5;
	s6 =	sor.u32 s6, s8  }
0x7: {  	s4 =	sadd.s32 $0xF43E00, s5;
	s9 =	sadd.s32 $0x1E86200, s5;
	s8 =	sshrl.u32 s6, $0x3  }
0x8: {  	s5 =	sadd.s32 $0x1EC6200, s5;
	_ =	strace $0x8000004A;
	s0 =	sadd.s32 s0, s8  }
0x9: {  	s26 =	sshll.u32 s6, $0x4;
	s25 =	sadd.s32 s2, s8;
	[dreg:$0x16] =	wrdreg s0  }
0xa: {  	s10 =	sshrl.u32 s7, $0x1;
	s28 =	sadd.s32 s9, s26;
	[dreg:$0x17] =	wrdreg s25  }
0xb: {  	s7 =	ssub.s32 s7, s10;
	s29 =	sadd.s32 s5, s26;
	[dreg:$0x18] =	wrdreg s28  }
0xc: {  	s31 =	smax.u32 s7, $0x1;
	[dreg:$0x19] =	wrdreg s29;
	s0 =	sor.u32 $0x1000, s26  }
0xd: {  	[dreg:$0x1c] =	wrdreg s31;
	s30 =	sadd.s32 s9, s0  }
0xe: {  	s0 =	sadd.s32 s5, s0;
	[dreg:$0x1a] =	wrdreg s30  }
0xf: {  	s2 =	simm.s32 $0x0;
	s5 =	simm.s32 $0x3;
	[dreg:$0x1b] =	wrdreg s0  }
.LBB2_1:
0x10: {  	[dreg:$0x1d] =	wrdreg s2  }
0x11: {  	s0 =	rddreg [dreg:$0x16]  }
0x12: {  	[tilespmem:s1], [sflag:$0x3] =	stream.linear.gather [hbm4b:s0+s1], $0x200, $0x38;
	[tilespmem:$0x10400] =	vst v63  }
0x13: {  	_ =	swait.ge [sflag:s5], $0x200  }
0x14: {  	[sflag:s5] =	ssyncset.done $0x0  }
0x15: {  	s12 =	simm.s32 $0x200;
	s13 =	rddreg [dreg:$0x17];
	[sflag:s5] =	ssyncadd.s32 $0xFFFFFE00  }
0x16: {  	[tilespmem:s12], [sflag:$0x3] =	stream.linear.gather [hbm4b:s13+s1], $0x200, $0x38;
	[tilespmem:$0x10400] =	vst v63  }
0x17: {  	_ =	swait.ge [sflag:s5], $0x200  }
0x18: {  	[sflag:s5] =	ssyncset.done $0x0  }
0x19: {  	[sflag:s5] =	ssyncadd.s32 $0xFFFFFE00  }
0x1a: {  	v0 =	vld [tilespmem:s1+$0x0]  }
0x1b: {  	v2 =	vld [tilespmem:s12+$0x0];
	_ =	sdelay $0x3  }
0x1c: {  	v1 =	vshll.u32 v0, $0x4  }
0x1d: {  	v63 =	vshll.u32 v2, $0x4;
	(v2sf) =	vpush v1, $0x0  }
0x1e: {  	(v2sf) =	vpush v63, $0x0;
	_ =	sdelay $0x2  }
0x1f: {  	(v2sf) =	vpush v1, $0x1  }
0x20: {  	(v2sf) =	vpush v63, $0x1;
	_ =	sdelay $0x1  }
0x21: {  	(v2sf) =	vpush v1, $0x2;
	_ =	sdelay $0x1  }
0x22: {  	(v2sf) =	vpush v63, $0x2;
	_ =	sdelay $0x1  }
0x23: {  	s19 =	simm.s32 $0x2000;
	(v2sf) =	vpush v1, $0x3  }
0x24: {  	s18 =	simm.s32 $0x0;
	s6 =	simm.s32 $0x8400;
	s2 =	simm.s32 $0x880  }
0x25: {  	s7 =	simm.s32 $0x400;
	s9 =	simm.s32 $0x600;
	s10 =	simm.s32 $0x580  }
0x26: {  	s16 =	simm.s32 $0x480;
	s21 =	simm.s32 $0x8480;
	s23 =	simm.s32 $0x500  }
0x27: {  	s26 =	simm.s32 $0x8500;
	s28 =	simm.s32 $0xA00;
	s8 =	spop (v2sf);
	(v2sf) =	vpush v63, $0x3  }
0x28: {  	s0 =	simm.s32 $0x8900;
	s8 =	sand.u32 $0x1FFFFFF0, s8;
	s11 =	spop (v2sf)  }
0x29: {  	s5 =	simm.s32 $0x680;
	(v2sf) =	vpush v1, $0x4;
	s8 =	sadd.s32 s3, s8;
	s14 =	sand.u32 $0x1FFFFFF0, s11  }
0x2a: {  	(v2sf) =	vpush v63, $0x4;
	[tilespmem:s7], [sflag:$0x1] =	stream.linear.gather [hbm4b:s8+s1], $0x80, $0x38;
	[tilespmem:$0x10400] =	vst v63  }
0x2b: {  	s15 =	spop (v2sf);
	s7 =	simm.s32 $0x8580;
	s8 =	sadd.s32 s4, s14  }
0x2c: {  	s11 =	sand.u32 $0x1FFFFFF0, s15;
	s12 =	spop (v2sf);
	s14 =	simm.s32 $0x8600  }
0x2d: {  	(v2sf) =	vpush v1, $0x5;
	[tilespmem:s6], [sflag:$0x2] =	stream.linear.gather [hbm4b:s8+s1], $0x80, $0x38;
	[tilespmem:$0x10400] =	vst v63  }
0x2e: {  	s17 =	sadd.s32 s3, s11;
	s20 =	sand.u32 $0x1FFFFFF0, s12;
	s22 =	spop (v2sf);
	(v2sf) =	vpush v63, $0x5  }
0x2f: {  	[tilespmem:s16], [sflag:$0x1] =	stream.linear.gather [hbm4b:s17+s1], $0x80, $0x38;
	[tilespmem:$0x10400] =	vst v63  }
0x30: {  	s11 =	sadd.s32 s4, s20;
	(v2sf) =	vpush v1, $0x6;
	s8 =	sand.u32 $0x1FFFFFF0, s22;
	s24 =	spop (v2sf)  }
0x31: {  	[tilespmem:s21], [sflag:$0x2] =	stream.linear.gather [hbm4b:s11+s1], $0x80, $0x38;
	[tilespmem:$0x10400] =	vst v63  }
0x32: {  	s8 =	sadd.s32 s3, s8;
	s25 =	spop (v2sf);
	s11 =	sand.u32 $0x1FFFFFF0, s24  }
0x33: {  	[tilespmem:s23], [sflag:$0x1] =	stream.linear.gather [hbm4b:s8+s1], $0x80, $0x38;
	[tilespmem:$0x10400] =	vst v63  }
0x34: {  	s12 =	simm.s32 $0x8A00;
	(v2sf) =	vpush v63, $0x6;
	s30 =	sand.u32 $0x1FFFFFF0, s25;
	s29 =	sadd.s32 s4, s11  }
0x35: {  	[tilespmem:s26], [sflag:$0x2] =	stream.linear.gather [hbm4b:s29+s1], $0x80, $0x38;
	[tilespmem:$0x10400] =	vst v63  }
0x36: {  	s13 =	sadd.s32 s3, s30;
	s21 =	simm.s32 $0x8680;
	s31 =	spop (v2sf)  }
0x37: {  	[tilespmem:s10], [sflag:$0x1] =	stream.linear.gather [hbm4b:s13+s1], $0x80, $0x38;
	[tilespmem:$0x10400] =	vst v63  }
0x38: {  	s23 =	simm.s32 $0x700;
	(v2sf) =	vpush v1, $0x7;
	s6 =	sand.u32 $0x1FFFFFF0, s31;
	s15 =	spop (v2sf)  }
0x39: {  	s6 =	sadd.s32 s4, s6;
	s10 =	sand.u32 $0x1FFFFFF0, s15;
	s16 =	spop (v2sf)  }
0x3a: {  	(v2sf) =	vpush v63, $0x7;
	[tilespmem:s7], [sflag:$0x2] =	stream.linear.gather [hbm4b:s6+s1], $0x80, $0x38;
	[tilespmem:$0x10400] =	vst v63  }
0x3b: {  	s13 =	simm.s32 $0xA80;
	(v2sf) =	vpush v1, $0x8;
	s17 =	sadd.s32 s3, s10;
	s20 =	sand.u32 $0x1FFFFFF0, s16  }
0x3c: {  	s22 =	spop (v2sf);
	s10 =	simm.s32 $0x8A80;
	s7 =	sadd.s32 s4, s20  }
0x3d: {  	(v2sf) =	vpush v63, $0x8;
	s24 =	sand.u32 $0x1FFFFFF0, s22;
	s25 =	spop (v2sf);
	s22 =	simm.s32 $0x8780  }
0x3e: {  	[tilespmem:s9], [sflag:$0x1] =	stream.linear.gather [hbm4b:s17+s1], $0x80, $0x38;
	[tilespmem:$0x10400] =	vst v63  }
0x3f: {  	(v2sf) =	vpush v1, $0x9;
	s8 =	sadd.s32 s3, s24;
	s9 =	sand.u32 $0x1FFFFFF0, s25;
	s26 =	spop (v2sf)  }
0x40: {  	[tilespmem:s14], [sflag:$0x2] =	stream.linear.gather [hbm4b:s7+s1], $0x80, $0x38;
	[tilespmem:$0x10400] =	vst v63  }
0x41: {  	(v2sf) =	vpush v63, $0x9;
	s17 =	simm.s32 $0x780;
	s24 =	simm.s32 $0x800;
	s29 =	sadd.s32 s4, s9  }
0x42: {  	[tilespmem:s5], [sflag:$0x1] =	stream.linear.gather [hbm4b:s8+s1], $0x80, $0x38;
	[tilespmem:$0x10400] =	vst v63  }
0x43: {  	s30 =	sand.u32 $0x1FFFFFF0, s26;
	s31 =	spop (v2sf);
	(v2sf) =	vpush v1, $0xA;
	s9 =	simm.s32 $0x8880  }
0x44: {  	[tilespmem:s21], [sflag:$0x2] =	stream.linear.gather [hbm4b:s29+s1], $0x80, $0x38;
	[tilespmem:$0x10400] =	vst v63  }
0x45: {  	s11 =	sadd.s32 s3, s30;
	s14 =	simm.s32 $0x8700;
	(v2sf) =	vpush v63, $0xA;
	s6 =	sand.u32 $0x1FFFFFF0, s31  }
0x46: {  	[tilespmem:s23], [sflag:$0x1] =	stream.linear.gather [hbm4b:s11+s1], $0x80, $0x38;
	[tilespmem:$0x10400] =	vst v63  }
0x47: {  	s6 =	sadd.s32 s4, s6;
	s29 =	simm.s32 $0x8800;
	s15 =	spop (v2sf);
	(v2sf) =	vpush v1, $0xB  }
0x48: {  	[tilespmem:s14], [sflag:$0x2] =	stream.linear.gather [hbm4b:s6+s1], $0x80, $0x38;
	[tilespmem:$0x10400] =	vst v63  }
0x49: {  	s14 =	simm.s32 $0x900;
	s8 =	sand.u32 $0x1FFFFFF0, s15;
	s16 =	spop (v2sf)  }
0x4a: {  	s20 =	sadd.s32 s3, s8;
	s21 =	sand.u32 $0x1FFFFFF0, s16;
	s23 =	spop (v2sf)  }
0x4b: {  	(v2sf) =	vpush v63, $0xB;
	[tilespmem:s17], [sflag:$0x1] =	stream.linear.gather [hbm4b:s20+s1], $0x80, $0x38;
	[tilespmem:$0x10400] =	vst v63  }
0x4c: {  	s8 =	sadd.s32 s4, s21;
	s7 =	sand.u32 $0x1FFFFFF0, s23;
	s25 =	spop (v2sf)  }
0x4d: {  	[tilespmem:s22], [sflag:$0x2] =	stream.linear.gather [hbm4b:s8+s1], $0x80, $0x38;
	[tilespmem:$0x10400] =	vst v63  }
0x4e: {  	(v2sf) =	vpush v1, $0xC;
	s7 =	sadd.s32 s3, s7;
	s26 =	spop (v2sf);
	s8 =	sand.u32 $0x1FFFFFF0, s25  }
0x4f: {  	(v2sf) =	vpush v63, $0xC;
	[tilespmem:s24], [sflag:$0x1] =	stream.linear.gather [hbm4b:s7+s1], $0x80, $0x38;
	[tilespmem:$0x10400] =	vst v63  }
0x50: {  	s31 =	sand.u32 $0x1FFFFFF0, s26;
	s11 =	spop (v2sf);
	s30 =	sadd.s32 s4, s8  }
0x51: {  	[tilespmem:s29], [sflag:$0x2] =	stream.linear.gather [hbm4b:s30+s1], $0x80, $0x38;
	[tilespmem:$0x10400] =	vst v63  }
0x52: {  	s8 =	sadd.s32 s3, s31;
	s15 =	spop (v2sf);
	s7 =	sand.u32 $0x1FFFFFF0, s11  }
0x53: {  	[tilespmem:s2], [sflag:$0x1] =	stream.linear.gather [hbm4b:s8+s1], $0x80, $0x38;
	[tilespmem:$0x10400] =	vst v63  }
0x54: {  	s16 =	spop (v2sf);
	s7 =	sadd.s32 s4, s7;
	s8 =	sand.u32 $0x1FFFFFF0, s15  }
0x55: {  	[tilespmem:s9], [sflag:$0x2] =	stream.linear.gather [hbm4b:s7+s1], $0x80, $0x38;
	[tilespmem:$0x10400] =	vst v63  }
0x56: {  	s20 =	sand.u32 $0x1FFFFFF0, s16;
	s17 =	sadd.s32 s3, s8;
	s21 =	spop (v2sf)  }
0x57: {  	[tilespmem:s14], [sflag:$0x1] =	stream.linear.gather [hbm4b:s17+s1], $0x80, $0x38;
	[tilespmem:$0x10400] =	vst v63  }
0x58: {  	s5 =	simm.s32 $0x8980;
	s22 =	sadd.s32 s4, s20;
	s23 =	sand.u32 $0x1FFFFFF0, s21  }
0x59: {  	[tilespmem:s0], [sflag:$0x2] =	stream.linear.gather [hbm4b:s22+s1], $0x80, $0x38;
	[tilespmem:$0x10400] =	vst v63  }
0x5a: {  	s25 =	simm.s32 $0x980;
	(v2sf) =	vpush v1, $0xD;
	s24 =	spop (v2sf);
	s26 =	sadd.s32 s3, s23  }
0x5b: {  	(v2sf) =	vpush v63, $0xD;
	s29 =	sand.u32 $0x1FFFFFF0, s24;
	s23 =	simm.s32 $0x10;
	s24 =	simm.s32 $0x210  }
0x5c: {  	(v2sf) =	vpush v1, $0xE;
	[tilespmem:s25], [sflag:$0x1] =	stream.linear.gather [hbm4b:s26+s1], $0x80, $0x38;
	[tilespmem:$0x10400] =	vst v63  }
0x5d: {  	s30 =	sadd.s32 s4, s29;
	(v2sf) =	vpush v63, $0xE;
	s31 =	spop (v2sf);
	s26 =	simm.s32 $0xB00  }
0x5e: {  	(v2sf) =	vpush v1, $0xF;
	s25 =	simm.s32 $0x8B00;
	s0 =	sand.u32 $0x1FFFFFF0, s31;
	s2 =	spop (v2sf)  }
0x5f: {  	(v2sf) =	vpush v63, $0xF;
	[tilespmem:s5], [sflag:$0x2] =	stream.linear.gather [hbm4b:s30+s1], $0x80, $0x38;
	[tilespmem:$0x10400] =	vst v63  }
.LBB2_2:
0x60: {  	_ =	sdelay $0x4  }
0x61: {  	s0 =	sadd.s32 s3, s0;
	s2 =	sand.u32 $0x1FFFFFF0, s2  }
0x62: {  	[tilespmem:s28], [sflag:$0x1] =	stream.linear.gather [hbm4b:s0+s1], $0x80, $0x38;
	[tilespmem:$0x10400] =	vst v63  }
0x63: {  	s29 =	sadd.s32 s4, s2  }
0x64: {  	[tilespmem:s12], [sflag:$0x2] =	stream.linear.gather [hbm4b:s29+s1], $0x80, $0x38;
	[tilespmem:$0x10400] =	vst v63  }
0x65: {  	s5 =	spop (v2sf)  }
0x66: {  	s30 =	sand.u32 $0x1FFFFFF0, s5;
	s31 =	spop (v2sf)  }
0x67: {  	s2 =	sadd.s32 s3, s30;
	s5 =	sand.u32 $0x1FFFFFF0, s31;
	s6 =	spop (v2sf)  }
0x68: {  	[tilespmem:s13], [sflag:$0x1] =	stream.linear.gather [hbm4b:s2+s1], $0x80, $0x38;
	[tilespmem:$0x10400] =	vst v63  }
0x69: {  	s7 =	sadd.s32 s4, s5;
	s8 =	sand.u32 $0x1FFFFFF0, s6;
	s9 =	spop (v2sf)  }
0x6a: {  	[tilespmem:s10], [sflag:$0x2] =	stream.linear.gather [hbm4b:s7+s1], $0x80, $0x38;
	[tilespmem:$0x10400] =	vst v63  }
0x6b: {  	s11 =	sand.u32 $0x1FFFFFF0, s9;
	s12 =	spop (v2sf);
	s10 =	sadd.s32 s3, s8  }
0x6c: {  	[tilespmem:s26], [sflag:$0x1] =	stream.linear.gather [hbm4b:s10+s1], $0x80, $0x38;
	[tilespmem:$0x10400] =	vst v63  }
0x6d: {  	s13 =	sadd.s32 s4, s11;
	s14 =	sand.u32 $0x1FFFFFF0, s12;
	s15 =	spop (v2sf)  }
0x6e: {  	[tilespmem:s25], [sflag:$0x2] =	stream.linear.gather [hbm4b:s13+s1], $0x80, $0x38;
	[tilespmem:$0x10400] =	vst v63  }
0x6f: {  	s16 =	sadd.s32 $0xB80, s18;
	s2 =	sadd.s32 s3, s14;
	s5 =	sand.u32 $0x1FFFFFF0, s15  }
0x70: {  	[tilespmem:s16], [sflag:$0x1] =	stream.linear.gather [hbm4b:s2+s1], $0x80, $0x38;
	[tilespmem:$0x10400] =	vst v63  }
0x71: {  	s17 =	sadd.s32 $0x8B80, s18;
	s18 =	sadd.s32 s4, s5  }
0x72: {  	[tilespmem:s17], [sflag:$0x2] =	stream.linear.gather [hbm4b:s18+s1], $0x80, $0x38;
	[tilespmem:$0x10400] =	vst v63  }
0x73: {  	v0 =	vld [tilespmem:s23+$0x0]  }
0x74: {  	v2 =	vld [tilespmem:s24+$0x0];
	_ =	sdelay $0x3  }
0x75: {  	v1 =	vshll.u32 v0, $0x4  }
0x76: {  	s20 =	smov.u32 s19;
	v63 =	vshll.u32 v2, $0x4;
	(v2sf) =	vpush v1, $0x0  }
0x77: {  	s18 =	sshra.s32 s20, $0x2;
	(v2sf) =	vpush v63, $0x0  }
0x78: {  	p0 =	sne.s32 s19, $0x1E000;
	s19 =	sadd.s32 $0x2000, s19;
	s30 =	sadd.s32 $0x8400, s18;
	(v2sf) =	vpush v1, $0x1  }
0x79: {  	s6 =	sadd.s32 $0x680, s18;
	s0 =	sadd.s32 $0x880, s18;
	s29 =	sadd.s32 $0x400, s18  }
0x7a: {  	s13 =	sadd.s32 $0x600, s18;
	s21 =	sadd.s32 $0x8900, s18;
	s12 =	sadd.s32 $0x580, s18;
	(v2sf) =	vpush v63, $0x1  }
0x7b: {  	s17 =	sadd.s32 $0x8580, s18;
	s22 =	sadd.s32 $0x8A00, s18;
	s20 =	sadd.s32 $0x500, s18  }
0x7c: {  	s14 =	sadd.s32 $0x8600, s18;
	s5 =	sadd.s32 $0xA80, s18;
	s31 =	sadd.s32 $0x8480, s18;
	(v2sf) =	vpush v1, $0x2  }
0x7d: {  	s11 =	sadd.s32 $0x8680, s18;
	s10 =	sadd.s32 $0x700, s18;
	[dreg:$0x8] =	wrdreg s0  }
0x7e: {  	s25 =	sadd.s32 $0x8980, s18;
	s26 =	sadd.s32 $0x8A80, s18;
	[dreg:$0x4] =	wrdreg s21;
	(v2sf) =	vpush v63, $0x2  }
0x7f: {  	s9 =	sadd.s32 $0x8700, s18;
	s7 =	sadd.s32 $0x8880, s18;
	[dreg:$0x12] =	wrdreg s22  }
0x80: {  	s8 =	sadd.s32 $0x900, s18;
	s15 =	sadd.s32 $0x8800, s18;
	[dreg:$0x6] =	wrdreg s25;
	(v2sf) =	vpush v1, $0x3  }
0x81: {  	s28 =	sadd.s32 $0xA00, s18;
	s16 =	sadd.s32 $0x800, s18;
	[dreg:$0x14] =	wrdreg s26  }
0x82: {  	s23 =	sadd.s32 $0x10, s23;
	s24 =	sadd.s32 $0x10, s24;
	[dreg:$0xc] =	wrdreg s7;
	(v2sf) =	vpush v63, $0x3  }
0x83: {  	s2 =	sadd.s32 $0x980, s18;
	s0 =	sadd.s32 $0x8500, s18;
	[dreg:$0xa] =	wrdreg s8  }
0x84: {  	s8 =	sadd.s32 $0x780, s18;
	[dreg:$0xe] =	wrdreg s15;
	s15 =	sadd.s32 $0x480, s18;
	(v2sf) =	vpush v1, $0x4  }
0x85: {  	s7 =	sadd.s32 $0x8780, s18;
	[dreg:$0x10] =	wrdreg s16;
	s21 =	spop (v2sf)  }
0x86: {  	s26 =	sadd.s32 $0xB00, s18;
	s21 =	sand.u32 $0x1FFFFFF0, s21;
	s22 =	spop (v2sf);
	(v2sf) =	vpush v63, $0x4  }
0x87: {  	s21 =	sadd.s32 s3, s21;
	s22 =	sand.u32 $0x1FFFFFF0, s22;
	s16 =	spop (v2sf)  }
0x88: {  	(v2sf) =	vpush v1, $0x5;
	[tilespmem:s29], [sflag:$0x1] =	stream.linear.gather [hbm4b:s21+s1], $0x80, $0x38;
	[tilespmem:$0x10400] =	vst v63  }
0x89: {  	s22 =	sadd.s32 s4, s22;
	s16 =	sand.u32 $0x1FFFFFF0, s16;
	s29 =	spop (v2sf);
	(v2sf) =	vpush v63, $0x5  }
0x8a: {  	[tilespmem:s30], [sflag:$0x2] =	stream.linear.gather [hbm4b:s22+s1], $0x80, $0x38;
	[tilespmem:$0x10400] =	vst v63  }
0x8b: {  	s16 =	sadd.s32 s3, s16;
	s29 =	sand.u32 $0x1FFFFFF0, s29;
	s30 =	spop (v2sf);
	(v2sf) =	vpush v1, $0x6  }
0x8c: {  	[tilespmem:s15], [sflag:$0x1] =	stream.linear.gather [hbm4b:s16+s1], $0x80, $0x38;
	[tilespmem:$0x10400] =	vst v63  }
0x8d: {  	s21 =	sand.u32 $0x1FFFFFF0, s30;
	s22 =	spop (v2sf);
	(v2sf) =	vpush v63, $0x6;
	s16 =	sadd.s32 s4, s29  }
0x8e: {  	[tilespmem:s31], [sflag:$0x2] =	stream.linear.gather [hbm4b:s16+s1], $0x80, $0x38;
	[tilespmem:$0x10400] =	vst v63  }
0x8f: {  	s29 =	sadd.s32 s3, s21;
	s30 =	sand.u32 $0x1FFFFFF0, s22;
	s31 =	spop (v2sf)  }
0x90: {  	(v2sf) =	vpush v1, $0x7;
	[tilespmem:s20], [sflag:$0x1] =	stream.linear.gather [hbm4b:s29+s1], $0x80, $0x38;
	[tilespmem:$0x10400] =	vst v63  }
0x91: {  	s21 =	sand.u32 $0x1FFFFFF0, s31;
	s22 =	spop (v2sf);
	s20 =	sadd.s32 s4, s30  }
0x92: {  	(v2sf) =	vpush v63, $0x7;
	[tilespmem:s0], [sflag:$0x2] =	stream.linear.gather [hbm4b:s20+s1], $0x80, $0x38;
	[tilespmem:$0x10400] =	vst v63  }
0x93: {  	s29 =	sadd.s32 s3, s21;
	s30 =	sand.u32 $0x1FFFFFF0, s22;
	s31 =	spop (v2sf)  }
0x94: {  	[tilespmem:s12], [sflag:$0x1] =	stream.linear.gather [hbm4b:s29+s1], $0x80, $0x38;
	[tilespmem:$0x10400] =	vst v63  }
0x95: {  	s21 =	sand.u32 $0x1FFFFFF0, s31;
	s20 =	sadd.s32 s4, s30;
	s22 =	spop (v2sf)  }
0x96: {  	(v2sf) =	vpush v1, $0x8;
	[tilespmem:s17], [sflag:$0x2] =	stream.linear.gather [hbm4b:s20+s1], $0x80, $0x38;
	[tilespmem:$0x10400] =	vst v63  }
0x97: {  	s25 =	sadd.s32 $0x8B00, s18;
	s29 =	sadd.s32 s3, s21;
	s31 =	spop (v2sf)  }
0x98: {  	s12 =	rddreg [dreg:$0x12];
	(v2sf) =	vpush v63, $0x8;
	s30 =	sand.u32 $0x1FFFFFF0, s22;
	s20 =	spop (v2sf)  }
0x99: {  	(v2sf) =	vpush v1, $0x9;
	[tilespmem:s13], [sflag:$0x1] =	stream.linear.gather [hbm4b:s29+s1], $0x80, $0x38;
	[tilespmem:$0x10400] =	vst v63  }
0x9a: {  	s16 =	sadd.s32 s4, s30;
	s17 =	sand.u32 $0x1FFFFFF0, s31;
	s29 =	spop (v2sf)  }
0x9b: {  	(v2sf) =	vpush v63, $0x9;
	[tilespmem:s14], [sflag:$0x2] =	stream.linear.gather [hbm4b:s16+s1], $0x80, $0x38;
	[tilespmem:$0x10400] =	vst v63  }
0x9c: {  	s22 =	sand.u32 $0x1FFFFFF0, s20;
	s13 =	smov.u32 s5;
	s5 =	spop (v2sf)  }
0x9d: {  	s21 =	sadd.s32 s3, s17;
	s30 =	sadd.s32 s4, s22;
	s14 =	sand.u32 $0x1FFFFFF0, s5  }
0x9e: {  	[tilespmem:s6], [sflag:$0x1] =	stream.linear.gather [hbm4b:s21+s1], $0x80, $0x38;
	[tilespmem:$0x10400] =	vst v63  }
0x9f: {  	(v2sf) =	vpush v1, $0xA;
	s31 =	sand.u32 $0x1FFFFFF0, s29;
	s16 =	sadd.s32 s4, s14;
	s15 =	spop (v2sf)  }
0xa0: {  	[tilespmem:s11], [sflag:$0x2] =	stream.linear.gather [hbm4b:s30+s1], $0x80, $0x38;
	[tilespmem:$0x10400] =	vst v63  }
0xa1: {  	(v2sf) =	vpush v63, $0xA;
	s11 =	sadd.s32 s3, s31;
	s17 =	sand.u32 $0x1FFFFFF0, s15;
	s20 =	spop (v2sf)  }
0xa2: {  	[tilespmem:s10], [sflag:$0x1] =	stream.linear.gather [hbm4b:s11+s1], $0x80, $0x38;
	[tilespmem:$0x10400] =	vst v63  }
0xa3: {  	s21 =	sadd.s32 s3, s17;
	s22 =	sand.u32 $0x1FFFFFF0, s20;
	s10 =	rddreg [dreg:$0x14]  }
0xa4: {  	[tilespmem:s9], [sflag:$0x2] =	stream.linear.gather [hbm4b:s16+s1], $0x80, $0x38;
	[tilespmem:$0x10400] =	vst v63  }
0xa5: {  	(v2sf) =	vpush v1, $0xB;
	s29 =	spop (v2sf);
	s30 =	sadd.s32 s4, s22;
	s22 =	rddreg [dreg:$0x8]  }
0xa6: {  	[tilespmem:s8], [sflag:$0x1] =	stream.linear.gather [hbm4b:s21+s1], $0x80, $0x38;
	[tilespmem:$0x10400] =	vst v63  }
0xa7: {  	(v2sf) =	vpush v63, $0xB;
	s31 =	sand.u32 $0x1FFFFFF0, s29;
	s9 =	rddreg [dreg:$0x10];
	s5 =	spop (v2sf)  }
0xa8: {  	(v2sf) =	vpush v1, $0xC;
	s6 =	sadd.s32 s3, s31;
	s16 =	rddreg [dreg:$0xe];
	s8 =	spop (v2sf)  }
0xa9: {  	[tilespmem:s7], [sflag:$0x2] =	stream.linear.gather [hbm4b:s30+s1], $0x80, $0x38;
	[tilespmem:$0x10400] =	vst v63  }
0xaa: {  	(v2sf) =	vpush v63, $0xC;
	s7 =	sand.u32 $0x1FFFFFF0, s5;
	s14 =	sand.u32 $0x1FFFFFF0, s8;
	s15 =	spop (v2sf)  }
0xab: {  	[tilespmem:s9], [sflag:$0x1] =	stream.linear.gather [hbm4b:s6+s1], $0x80, $0x38;
	[tilespmem:$0x10400] =	vst v63  }
0xac: {  	s8 =	rddreg [dreg:$0xc];
	s11 =	sadd.s32 s4, s7;
	s17 =	sadd.s32 s3, s14  }
0xad: {  	[tilespmem:s16], [sflag:$0x2] =	stream.linear.gather [hbm4b:s11+s1], $0x80, $0x38;
	[tilespmem:$0x10400] =	vst v63  }
0xae: {  	s20 =	sand.u32 $0x1FFFFFF0, s15;
	s15 =	rddreg [dreg:$0xa];
	s21 =	spop (v2sf)  }
0xaf: {  	[tilespmem:s22], [sflag:$0x1] =	stream.linear.gather [hbm4b:s17+s1], $0x80, $0x38;
	[tilespmem:$0x10400] =	vst v63  }
0xb0: {  	s29 =	sadd.s32 s4, s20;
	s30 =	sand.u32 $0x1FFFFFF0, s21;
	s31 =	spop (v2sf)  }
0xb1: {  	[tilespmem:s8], [sflag:$0x2] =	stream.linear.gather [hbm4b:s29+s1], $0x80, $0x38;
	[tilespmem:$0x10400] =	vst v63  }
0xb2: {  	s21 =	rddreg [dreg:$0x4];
	s9 =	sadd.s32 s3, s30;
	s11 =	sand.u32 $0x1FFFFFF0, s31  }
0xb3: {  	[tilespmem:s15], [sflag:$0x1] =	stream.linear.gather [hbm4b:s9+s1], $0x80, $0x38;
	[tilespmem:$0x10400] =	vst v63  }
0xb4: {  	s31 =	rddreg [dreg:$0x6];
	s16 =	sadd.s32 s4, s11;
	s14 =	spop (v2sf)  }
0xb5: {  	(v2sf) =	vpush v1, $0xD;
	[tilespmem:s21], [sflag:$0x2] =	stream.linear.gather [hbm4b:s16+s1], $0x80, $0x38;
	[tilespmem:$0x10400] =	vst v63  }
.Ltmp0:
0xb6: {  	(v2sf) =	vpush v63, $0xD;
	s17 =	sand.u32 $0x1FFFFFF0, s14;
	s20 =	spop (v2sf);
	(pc) =	sbr.rel @p0 .LBB2_2-.Ltmp0, $4  }
0xb7: {  	(v2sf) =	vpush v1, $0xE;
	s22 =	sadd.s32 s3, s17;
	s29 =	sand.u32 $0x1FFFFFF0, s20;
	s30 =	spop (v2sf)  }
0xb8: {  	(v2sf) =	vpush v63, $0xE;
	[tilespmem:s2], [sflag:$0x1] =	stream.linear.gather [hbm4b:s22+s1], $0x80, $0x38;
	[tilespmem:$0x10400] =	vst v63  }
0xb9: {  	(v2sf) =	vpush v1, $0xF;
	s5 =	sadd.s32 s4, s29;
	s0 =	sand.u32 $0x1FFFFFF0, s30;
	s2 =	spop (v2sf)  }
0xba: {  	(v2sf) =	vpush v63, $0xF;
	[tilespmem:s31], [sflag:$0x2] =	stream.linear.gather [hbm4b:s5+s1], $0x80, $0x38;
	[tilespmem:$0x10400] =	vst v63  }
0xbb: {  	_ =	sdelay $0x4  }
0xbc: {  	s0 =	sadd.s32 s3, s0;
	s2 =	sand.u32 $0x1FFFFFF0, s2  }
0xbd: {  	[tilespmem:s28], [sflag:$0x1] =	stream.linear.gather [hbm4b:s0+s1], $0x80, $0x38;
	[tilespmem:$0x10400] =	vst v63  }
0xbe: {  	s6 =	sadd.s32 s4, s2  }
0xbf: {  	[tilespmem:s12], [sflag:$0x2] =	stream.linear.gather [hbm4b:s6+s1], $0x80, $0x38;
	[tilespmem:$0x10400] =	vst v63  }
0xc0: {  	s5 =	spop (v2sf)  }
0xc1: {  	s7 =	sand.u32 $0x1FFFFFF0, s5;
	s8 =	spop (v2sf)  }
0xc2: {  	s9 =	sadd.s32 s3, s7;
	s11 =	sand.u32 $0x1FFFFFF0, s8;
	s12 =	spop (v2sf)  }
0xc3: {  	[tilespmem:s13], [sflag:$0x1] =	stream.linear.gather [hbm4b:s9+s1], $0x80, $0x38;
	[tilespmem:$0x10400] =	vst v63  }
0xc4: {  	s14 =	sadd.s32 s4, s11;
	s15 =	sand.u32 $0x1FFFFFF0, s12;
	s16 =	spop (v2sf)  }
0xc5: {  	[tilespmem:s10], [sflag:$0x2] =	stream.linear.gather [hbm4b:s14+s1], $0x80, $0x38;
	[tilespmem:$0x10400] =	vst v63  }
0xc6: {  	s17 =	sadd.s32 s3, s15;
	s19 =	sand.u32 $0x1FFFFFF0, s16;
	s20 =	spop (v2sf)  }
0xc7: {  	[tilespmem:s26], [sflag:$0x1] =	stream.linear.gather [hbm4b:s17+s1], $0x80, $0x38;
	[tilespmem:$0x10400] =	vst v63  }
0xc8: {  	s21 =	sadd.s32 s4, s19;
	s22 =	sand.u32 $0x1FFFFFF0, s20;
	s23 =	spop (v2sf)  }
0xc9: {  	[tilespmem:s25], [sflag:$0x2] =	stream.linear.gather [hbm4b:s21+s1], $0x80, $0x38;
	[tilespmem:$0x10400] =	vst v63  }
0xca: {  	s24 =	sadd.s32 $0xB80, s18;
	s2 =	sadd.s32 s3, s22;
	s5 =	sand.u32 $0x1FFFFFF0, s23  }
0xcb: {  	[tilespmem:s24], [sflag:$0x1] =	stream.linear.gather [hbm4b:s2+s1], $0x80, $0x38;
	[tilespmem:$0x10400] =	vst v63  }
0xcc: {  	s29 =	simm.s32 $0x1;
	s26 =	sadd.s32 s4, s5;
	s25 =	sadd.s32 $0x8B80, s18  }
0xcd: {  	[tilespmem:s25], [sflag:$0x2] =	stream.linear.gather [hbm4b:s26+s1], $0x80, $0x38;
	[tilespmem:$0x10400] =	vst v63  }
0xce: {  	_ =	swait.ge [sflag:s29], $0x8000  }
0xcf: {  	[sflag:s29] =	ssyncset.done $0x0  }
0xd0: {  	s30 =	simm.s32 $0x2;
	[sflag:s29] =	ssyncadd.s32 $0xFFFF8000  }
0xd1: {  	_ =	swait.ge [sflag:s30], $0x8000  }
0xd2: {  	s31 =	simm.s32 $0x0;
	s7 =	simm.s32 $0x400;
	[sflag:s30] =	ssyncset.done $0x0  }
0xd3: {  	s8 =	simm.s32 $0x3;
	s6 =	rddreg [dreg:$0x18];
	[sflag:s30] =	ssyncadd.s32 $0xFFFF8000  }
0xd4: {  	[hbm4b:s6+s31] =	stream.linear.scatter [tilespmem:s7], [sflag:$0x3], $0x8000, $0x38;
	[tilespmem:$0x10400] =	vst v63  }
0xd5: {  	_ =	swait.ge [sflag:s8], $0x8000  }
0xd6: {  	[sflag:s8] =	ssyncset.done $0x0  }
0xd7: {  	s6 =	simm.s32 $0x8400;
	s9 =	rddreg [dreg:$0x19];
	[sflag:s8] =	ssyncadd.s32 $0xFFFF8000  }
0xd8: {  	[hbm4b:s9+s31] =	stream.linear.scatter [tilespmem:s6], [sflag:$0x3], $0x8000, $0x38;
	[tilespmem:$0x10400] =	vst v63  }
0xd9: {  	_ =	swait.ge [sflag:s8], $0x8000  }
0xda: {  	[sflag:s8] =	ssyncset.done $0x0  }
0xdb: {  	s10 =	simm.s32 $0x100;
	[sflag:s8] =	ssyncadd.s32 $0xFFFF8000  }
0xdc: {  	s11 =	simm.s32 $0x300;
	v0 =	vld [tilespmem:s10+$0x0]  }
0xdd: {  	v2 =	vld [tilespmem:s11+$0x0];
	_ =	sdelay $0x3  }
0xde: {  	v1 =	vshll.u32 v0, $0x4  }
0xdf: {  	v63 =	vshll.u32 v2, $0x4;
	(v2sf) =	vpush v1, $0x0  }
0xe0: {  	(v2sf) =	vpush v63, $0x0;
	_ =	sdelay $0x2  }
0xe1: {  	(v2sf) =	vpush v1, $0x1  }
0xe2: {  	(v2sf) =	vpush v63, $0x1;
	_ =	sdelay $0x1  }
0xe3: {  	(v2sf) =	vpush v1, $0x2;
	_ =	sdelay $0x1  }
0xe4: {  	(v2sf) =	vpush v63, $0x2;
	_ =	sdelay $0x1  }
0xe5: {  	s0 =	simm.s32 $0x8900;
	(v2sf) =	vpush v1, $0x3  }
0xe6: {  	s28 =	simm.s32 $0xA00;
	s12 =	simm.s32 $0x8400;
	s16 =	simm.s32 $0x480  }
0xe7: {  	s19 =	simm.s32 $0x2000;
	s23 =	simm.s32 $0x500;
	s5 =	simm.s32 $0x680;
	(v2sf) =	vpush v63, $0x3  }
0xe8: {  	s18 =	simm.s32 $0x0;
	s21 =	simm.s32 $0x8480;
	s2 =	simm.s32 $0x880  }
0xe9: {  	s26 =	simm.s32 $0x8500;
	s7 =	simm.s32 $0x400;
	s8 =	spop (v2sf)  }
0xea: {  	s9 =	simm.s32 $0x600;
	s8 =	sand.u32 $0x1FFFFFF0, s8;
	s11 =	spop (v2sf)  }
0xeb: {  	s10 =	simm.s32 $0x580;
	(v2sf) =	vpush v1, $0x4;
	s8 =	sadd.s32 s3, s8;
	s13 =	sand.u32 $0x1FFFFFF0, s11  }
0xec: {  	(v2sf) =	vpush v63, $0x4;
	[tilespmem:s7], [sflag:$0x1] =	stream.linear.gather [hbm4b:s8+s1], $0x80, $0x38;
	[tilespmem:$0x10400] =	vst v63  }
0xed: {  	s14 =	spop (v2sf);
	s7 =	simm.s32 $0x8580;
	s8 =	sadd.s32 s4, s13  }
0xee: {  	s11 =	sand.u32 $0x1FFFFFF0, s14;
	s15 =	spop (v2sf);
	s14 =	simm.s32 $0x8600  }
0xef: {  	(v2sf) =	vpush v1, $0x5;
	[tilespmem:s12], [sflag:$0x2] =	stream.linear.gather [hbm4b:s8+s1], $0x80, $0x38;
	[tilespmem:$0x10400] =	vst v63  }
0xf0: {  	s17 =	sadd.s32 s3, s11;
	s20 =	sand.u32 $0x1FFFFFF0, s15;
	s22 =	spop (v2sf)  }
0xf1: {  	(v2sf) =	vpush v63, $0x5;
	[tilespmem:s16], [sflag:$0x1] =	stream.linear.gather [hbm4b:s17+s1], $0x80, $0x38;
	[tilespmem:$0x10400] =	vst v63  }
0xf2: {  	s11 =	sadd.s32 s4, s20;
	s8 =	sand.u32 $0x1FFFFFF0, s22;
	s24 =	spop (v2sf)  }
0xf3: {  	[tilespmem:s21], [sflag:$0x2] =	stream.linear.gather [hbm4b:s11+s1], $0x80, $0x38;
	[tilespmem:$0x10400] =	vst v63  }
0xf4: {  	(v2sf) =	vpush v1, $0x6;
	s8 =	sadd.s32 s3, s8;
	s25 =	spop (v2sf);
	s11 =	sand.u32 $0x1FFFFFF0, s24  }
0xf5: {  	(v2sf) =	vpush v63, $0x6;
	[tilespmem:s23], [sflag:$0x1] =	stream.linear.gather [hbm4b:s8+s1], $0x80, $0x38;
	[tilespmem:$0x10400] =	vst v63  }
0xf6: {  	s30 =	sand.u32 $0x1FFFFFF0, s25;
	s31 =	spop (v2sf);
	s29 =	sadd.s32 s4, s11  }
0xf7: {  	(v2sf) =	vpush v1, $0x7;
	[tilespmem:s26], [sflag:$0x2] =	stream.linear.gather [hbm4b:s29+s1], $0x80, $0x38;
	[tilespmem:$0x10400] =	vst v63  }
0xf8: {  	s12 =	simm.s32 $0x8A00;
	s13 =	sadd.s32 s3, s30;
	s6 =	sand.u32 $0x1FFFFFF0, s31  }
0xf9: {  	[tilespmem:s10], [sflag:$0x1] =	stream.linear.gather [hbm4b:s13+s1], $0x80, $0x38;
	[tilespmem:$0x10400] =	vst v63  }
0xfa: {  	s6 =	sadd.s32 s4, s6;
	s21 =	simm.s32 $0x8680;
	s15 =	spop (v2sf)  }
0xfb: {  	(v2sf) =	vpush v63, $0x7;
	s23 =	simm.s32 $0x700;
	s10 =	sand.u32 $0x1FFFFFF0, s15;
	s16 =	spop (v2sf)  }
0xfc: {  	[tilespmem:s7], [sflag:$0x2] =	stream.linear.gather [hbm4b:s6+s1], $0x80, $0x38;
	[tilespmem:$0x10400] =	vst v63  }
0xfd: {  	s13 =	simm.s32 $0xA80;
	(v2sf) =	vpush v1, $0x8;
	s17 =	sadd.s32 s3, s10;
	s20 =	sand.u32 $0x1FFFFFF0, s16  }
0xfe: {  	s10 =	simm.s32 $0x8A80;
	s22 =	spop (v2sf);
	s7 =	sadd.s32 s4, s20  }
0xff: {  	(v2sf) =	vpush v63, $0x8;
	[tilespmem:s9], [sflag:$0x1] =	stream.linear.gather [hbm4b:s17+s1], $0x80, $0x38;
	[tilespmem:$0x10400] =	vst v63  }
0x100: {  	s24 =	sand.u32 $0x1FFFFFF0, s22;
	s25 =	spop (v2sf);
	s17 =	simm.s32 $0x780  }
0x101: {  	(v2sf) =	vpush v1, $0x9;
	s22 =	simm.s32 $0x8780;
	s8 =	sadd.s32 s3, s24;
	s9 =	sand.u32 $0x1FFFFFF0, s25  }
0x102: {  	(v2sf) =	vpush v63, $0x9;
	[tilespmem:s14], [sflag:$0x2] =	stream.linear.gather [hbm4b:s7+s1], $0x80, $0x38;
	[tilespmem:$0x10400] =	vst v63  }
0x103: {  	s26 =	spop (v2sf);
	s24 =	simm.s32 $0x800;
	s29 =	sadd.s32 s4, s9  }
0x104: {  	(v2sf) =	vpush v1, $0xA;
	s30 =	sand.u32 $0x1FFFFFF0, s26;
	s31 =	spop (v2sf);
	s14 =	simm.s32 $0x8700  }
0x105: {  	[tilespmem:s5], [sflag:$0x1] =	stream.linear.gather [hbm4b:s8+s1], $0x80, $0x38;
	[tilespmem:$0x10400] =	vst v63  }
0x106: {  	(v2sf) =	vpush v63, $0xA;
	s9 =	simm.s32 $0x8880;
	s11 =	sadd.s32 s3, s30;
	s15 =	spop (v2sf)  }
0x107: {  	[tilespmem:s21], [sflag:$0x2] =	stream.linear.gather [hbm4b:s29+s1], $0x80, $0x38;
	[tilespmem:$0x10400] =	vst v63  }
0x108: {  	s6 =	sand.u32 $0x1FFFFFF0, s31;
	(v2sf) =	vpush v1, $0xB;
	s5 =	simm.s32 $0x8980;
	s8 =	sand.u32 $0x1FFFFFF0, s15  }
0x109: {  	[tilespmem:s23], [sflag:$0x1] =	stream.linear.gather [hbm4b:s11+s1], $0x80, $0x38;
	[tilespmem:$0x10400] =	vst v63  }
0x10a: {  	s6 =	sadd.s32 s4, s6;
	s16 =	spop (v2sf);
	s20 =	sadd.s32 s3, s8  }
0x10b: {  	[tilespmem:s14], [sflag:$0x2] =	stream.linear.gather [hbm4b:s6+s1], $0x80, $0x38;
	[tilespmem:$0x10400] =	vst v63  }
0x10c: {  	(v2sf) =	vpush v63, $0xB;
	s21 =	sand.u32 $0x1FFFFFF0, s16;
	s29 =	simm.s32 $0x8800;
	s23 =	spop (v2sf)  }
0x10d: {  	[tilespmem:s17], [sflag:$0x1] =	stream.linear.gather [hbm4b:s20+s1], $0x80, $0x38;
	[tilespmem:$0x10400] =	vst v63  }
0x10e: {  	s8 =	sadd.s32 s4, s21;
	s7 =	sand.u32 $0x1FFFFFF0, s23;
	s25 =	spop (v2sf)  }
0x10f: {  	[tilespmem:s22], [sflag:$0x2] =	stream.linear.gather [hbm4b:s8+s1], $0x80, $0x38;
	[tilespmem:$0x10400] =	vst v63  }
0x110: {  	s14 =	simm.s32 $0x900;
	(v2sf) =	vpush v1, $0xC;
	s7 =	sadd.s32 s3, s7;
	s26 =	spop (v2sf)  }
0x111: {  	s8 =	sand.u32 $0x1FFFFFF0, s25;
	(v2sf) =	vpush v63, $0xC;
	s25 =	simm.s32 $0x980;
	s11 =	spop (v2sf)  }
0x112: {  	[tilespmem:s24], [sflag:$0x1] =	stream.linear.gather [hbm4b:s7+s1], $0x80, $0x38;
	[tilespmem:$0x10400] =	vst v63  }
0x113: {  	s30 =	sadd.s32 s4, s8;
	s31 =	sand.u32 $0x1FFFFFF0, s26;
	s15 =	spop (v2sf)  }
0x114: {  	[tilespmem:s29], [sflag:$0x2] =	stream.linear.gather [hbm4b:s30+s1], $0x80, $0x38;
	[tilespmem:$0x10400] =	vst v63  }
0x115: {  	s8 =	sadd.s32 s3, s31;
	s7 =	sand.u32 $0x1FFFFFF0, s11;
	s16 =	spop (v2sf)  }
0x116: {  	[tilespmem:s2], [sflag:$0x1] =	stream.linear.gather [hbm4b:s8+s1], $0x80, $0x38;
	[tilespmem:$0x10400] =	vst v63  }
0x117: {  	s7 =	sadd.s32 s4, s7;
	s21 =	spop (v2sf);
	s8 =	sand.u32 $0x1FFFFFF0, s15  }
0x118: {  	[tilespmem:s9], [sflag:$0x2] =	stream.linear.gather [hbm4b:s7+s1], $0x80, $0x38;
	[tilespmem:$0x10400] =	vst v63  }
0x119: {  	s20 =	sand.u32 $0x1FFFFFF0, s16;
	s23 =	sand.u32 $0x1FFFFFF0, s21;
	s17 =	sadd.s32 s3, s8  }
0x11a: {  	[tilespmem:s14], [sflag:$0x1] =	stream.linear.gather [hbm4b:s17+s1], $0x80, $0x38;
	[tilespmem:$0x10400] =	vst v63  }
0x11b: {  	s22 =	sadd.s32 s4, s20;
	s24 =	spop (v2sf);
	s26 =	sadd.s32 s3, s23  }
0x11c: {  	(v2sf) =	vpush v1, $0xD;
	[tilespmem:s0], [sflag:$0x2] =	stream.linear.gather [hbm4b:s22+s1], $0x80, $0x38;
	[tilespmem:$0x10400] =	vst v63  }
0x11d: {  	(v2sf) =	vpush v63, $0xD;
	s29 =	sand.u32 $0x1FFFFFF0, s24;
	s23 =	simm.s32 $0x110;
	s24 =	simm.s32 $0x310  }
0x11e: {  	(v2sf) =	vpush v1, $0xE;
	[tilespmem:s25], [sflag:$0x1] =	stream.linear.gather [hbm4b:s26+s1], $0x80, $0x38;
	[tilespmem:$0x10400] =	vst v63  }
0x11f: {  	s30 =	sadd.s32 s4, s29;
	(v2sf) =	vpush v63, $0xE;
	s31 =	spop (v2sf);
	s26 =	simm.s32 $0xB00  }
0x120: {  	(v2sf) =	vpush v1, $0xF;
	s25 =	simm.s32 $0x8B00;
	s0 =	sand.u32 $0x1FFFFFF0, s31;
	s2 =	spop (v2sf)  }
0x121: {  	(v2sf) =	vpush v63, $0xF;
	[tilespmem:s5], [sflag:$0x2] =	stream.linear.gather [hbm4b:s30+s1], $0x80, $0x38;
	[tilespmem:$0x10400] =	vst v63  }
.LBB2_4:
0x122: {  	_ =	sdelay $0x4  }
0x123: {  	s0 =	sadd.s32 s3, s0;
	s2 =	sand.u32 $0x1FFFFFF0, s2  }
0x124: {  	[tilespmem:s28], [sflag:$0x1] =	stream.linear.gather [hbm4b:s0+s1], $0x80, $0x38;
	[tilespmem:$0x10400] =	vst v63  }
0x125: {  	s29 =	sadd.s32 s4, s2  }
0x126: {  	[tilespmem:s12], [sflag:$0x2] =	stream.linear.gather [hbm4b:s29+s1], $0x80, $0x38;
	[tilespmem:$0x10400] =	vst v63  }
0x127: {  	s5 =	spop (v2sf)  }
0x128: {  	s30 =	sand.u32 $0x1FFFFFF0, s5;
	s31 =	spop (v2sf)  }
0x129: {  	s2 =	sadd.s32 s3, s30;
	s5 =	sand.u32 $0x1FFFFFF0, s31;
	s6 =	spop (v2sf)  }
0x12a: {  	[tilespmem:s13], [sflag:$0x1] =	stream.linear.gather [hbm4b:s2+s1], $0x80, $0x38;
	[tilespmem:$0x10400] =	vst v63  }
0x12b: {  	s7 =	sadd.s32 s4, s5;
	s8 =	sand.u32 $0x1FFFFFF0, s6;
	s9 =	spop (v2sf)  }
0x12c: {  	[tilespmem:s10], [sflag:$0x2] =	stream.linear.gather [hbm4b:s7+s1], $0x80, $0x38;
	[tilespmem:$0x10400] =	vst v63  }
0x12d: {  	s11 =	sand.u32 $0x1FFFFFF0, s9;
	s12 =	spop (v2sf);
	s10 =	sadd.s32 s3, s8  }
0x12e: {  	[tilespmem:s26], [sflag:$0x1] =	stream.linear.gather [hbm4b:s10+s1], $0x80, $0x38;
	[tilespmem:$0x10400] =	vst v63  }
0x12f: {  	s13 =	sadd.s32 s4, s11;
	s14 =	sand.u32 $0x1FFFFFF0, s12;
	s15 =	spop (v2sf)  }
0x130: {  	[tilespmem:s25], [sflag:$0x2] =	stream.linear.gather [hbm4b:s13+s1], $0x80, $0x38;
	[tilespmem:$0x10400] =	vst v63  }
0x131: {  	s16 =	sadd.s32 $0xB80, s18;
	s2 =	sadd.s32 s3, s14;
	s5 =	sand.u32 $0x1FFFFFF0, s15  }
0x132: {  	[tilespmem:s16], [sflag:$0x1] =	stream.linear.gather [hbm4b:s2+s1], $0x80, $0x38;
	[tilespmem:$0x10400] =	vst v63  }
0x133: {  	s17 =	sadd.s32 $0x8B80, s18;
	s18 =	sadd.s32 s4, s5  }
0x134: {  	[tilespmem:s17], [sflag:$0x2] =	stream.linear.gather [hbm4b:s18+s1], $0x80, $0x38;
	[tilespmem:$0x10400] =	vst v63  }
0x135: {  	v0 =	vld [tilespmem:s23+$0x0]  }
0x136: {  	v2 =	vld [tilespmem:s24+$0x0];
	_ =	sdelay $0x3  }
0x137: {  	v1 =	vshll.u32 v0, $0x4  }
0x138: {  	s20 =	smov.u32 s19;
	v63 =	vshll.u32 v2, $0x4;
	(v2sf) =	vpush v1, $0x0  }
0x139: {  	s18 =	sshra.s32 s20, $0x2;
	(v2sf) =	vpush v63, $0x0  }
0x13a: {  	p0 =	sne.s32 s19, $0x1E000;
	s19 =	sadd.s32 $0x2000, s19;
	s30 =	sadd.s32 $0x8400, s18;
	(v2sf) =	vpush v1, $0x1  }
0x13b: {  	s6 =	sadd.s32 $0x680, s18;
	s0 =	sadd.s32 $0x880, s18;
	s29 =	sadd.s32 $0x400, s18  }
0x13c: {  	s13 =	sadd.s32 $0x600, s18;
	s21 =	sadd.s32 $0x8900, s18;
	s12 =	sadd.s32 $0x580, s18;
	(v2sf) =	vpush v63, $0x1  }
0x13d: {  	s17 =	sadd.s32 $0x8580, s18;
	s22 =	sadd.s32 $0x8A00, s18;
	s20 =	sadd.s32 $0x500, s18  }
0x13e: {  	s14 =	sadd.s32 $0x8600, s18;
	s5 =	sadd.s32 $0xA80, s18;
	s31 =	sadd.s32 $0x8480, s18;
	(v2sf) =	vpush v1, $0x2  }
0x13f: {  	s11 =	sadd.s32 $0x8680, s18;
	s10 =	sadd.s32 $0x700, s18;
	[dreg:$0x9] =	wrdreg s0  }
0x140: {  	s25 =	sadd.s32 $0x8980, s18;
	s26 =	sadd.s32 $0x8A80, s18;
	[dreg:$0x5] =	wrdreg s21;
	(v2sf) =	vpush v63, $0x2  }
0x141: {  	s9 =	sadd.s32 $0x8700, s18;
	s7 =	sadd.s32 $0x8880, s18;
	[dreg:$0x13] =	wrdreg s22  }
0x142: {  	s8 =	sadd.s32 $0x900, s18;
	s15 =	sadd.s32 $0x8800, s18;
	[dreg:$0x7] =	wrdreg s25;
	(v2sf) =	vpush v1, $0x3  }
0x143: {  	s28 =	sadd.s32 $0xA00, s18;
	s16 =	sadd.s32 $0x800, s18;
	[dreg:$0x15] =	wrdreg s26  }
0x144: {  	s23 =	sadd.s32 $0x10, s23;
	s24 =	sadd.s32 $0x10, s24;
	[dreg:$0xd] =	wrdreg s7;
	(v2sf) =	vpush v63, $0x3  }
0x145: {  	s2 =	sadd.s32 $0x980, s18;
	s0 =	sadd.s32 $0x8500, s18;
	[dreg:$0xb] =	wrdreg s8  }
0x146: {  	s8 =	sadd.s32 $0x780, s18;
	[dreg:$0xf] =	wrdreg s15;
	s15 =	sadd.s32 $0x480, s18;
	(v2sf) =	vpush v1, $0x4  }
0x147: {  	s7 =	sadd.s32 $0x8780, s18;
	[dreg:$0x11] =	wrdreg s16;
	s21 =	spop (v2sf)  }
0x148: {  	s26 =	sadd.s32 $0xB00, s18;
	s21 =	sand.u32 $0x1FFFFFF0, s21;
	s22 =	spop (v2sf);
	(v2sf) =	vpush v63, $0x4  }
0x149: {  	s21 =	sadd.s32 s3, s21;
	s22 =	sand.u32 $0x1FFFFFF0, s22;
	s16 =	spop (v2sf)  }
0x14a: {  	(v2sf) =	vpush v1, $0x5;
	[tilespmem:s29], [sflag:$0x1] =	stream.linear.gather [hbm4b:s21+s1], $0x80, $0x38;
	[tilespmem:$0x10400] =	vst v63  }
0x14b: {  	s22 =	sadd.s32 s4, s22;
	s16 =	sand.u32 $0x1FFFFFF0, s16;
	s29 =	spop (v2sf);
	(v2sf) =	vpush v63, $0x5  }
0x14c: {  	[tilespmem:s30], [sflag:$0x2] =	stream.linear.gather [hbm4b:s22+s1], $0x80, $0x38;
	[tilespmem:$0x10400] =	vst v63  }
0x14d: {  	s16 =	sadd.s32 s3, s16;
	s29 =	sand.u32 $0x1FFFFFF0, s29;
	s30 =	spop (v2sf);
	(v2sf) =	vpush v1, $0x6  }
0x14e: {  	[tilespmem:s15], [sflag:$0x1] =	stream.linear.gather [hbm4b:s16+s1], $0x80, $0x38;
	[tilespmem:$0x10400] =	vst v63  }
0x14f: {  	s21 =	sand.u32 $0x1FFFFFF0, s30;
	s22 =	spop (v2sf);
	(v2sf) =	vpush v63, $0x6;
	s16 =	sadd.s32 s4, s29  }
0x150: {  	[tilespmem:s31], [sflag:$0x2] =	stream.linear.gather [hbm4b:s16+s1], $0x80, $0x38;
	[tilespmem:$0x10400] =	vst v63  }
0x151: {  	s29 =	sadd.s32 s3, s21;
	s30 =	sand.u32 $0x1FFFFFF0, s22;
	s31 =	spop (v2sf)  }
0x152: {  	(v2sf) =	vpush v1, $0x7;
	[tilespmem:s20], [sflag:$0x1] =	stream.linear.gather [hbm4b:s29+s1], $0x80, $0x38;
	[tilespmem:$0x10400] =	vst v63  }
0x153: {  	s21 =	sand.u32 $0x1FFFFFF0, s31;
	s22 =	spop (v2sf);
	s20 =	sadd.s32 s4, s30  }
0x154: {  	(v2sf) =	vpush v63, $0x7;
	[tilespmem:s0], [sflag:$0x2] =	stream.linear.gather [hbm4b:s20+s1], $0x80, $0x38;
	[tilespmem:$0x10400] =	vst v63  }
0x155: {  	s29 =	sadd.s32 s3, s21;
	s30 =	sand.u32 $0x1FFFFFF0, s22;
	s31 =	spop (v2sf)  }
0x156: {  	[tilespmem:s12], [sflag:$0x1] =	stream.linear.gather [hbm4b:s29+s1], $0x80, $0x38;
	[tilespmem:$0x10400] =	vst v63  }
0x157: {  	s21 =	sand.u32 $0x1FFFFFF0, s31;
	s20 =	sadd.s32 s4, s30;
	s22 =	spop (v2sf)  }
0x158: {  	(v2sf) =	vpush v1, $0x8;
	[tilespmem:s17], [sflag:$0x2] =	stream.linear.gather [hbm4b:s20+s1], $0x80, $0x38;
	[tilespmem:$0x10400] =	vst v63  }
0x159: {  	s25 =	sadd.s32 $0x8B00, s18;
	s29 =	sadd.s32 s3, s21;
	s31 =	spop (v2sf)  }
0x15a: {  	s12 =	rddreg [dreg:$0x13];
	(v2sf) =	vpush v63, $0x8;
	s30 =	sand.u32 $0x1FFFFFF0, s22;
	s20 =	spop (v2sf)  }
0x15b: {  	(v2sf) =	vpush v1, $0x9;
	[tilespmem:s13], [sflag:$0x1] =	stream.linear.gather [hbm4b:s29+s1], $0x80, $0x38;
	[tilespmem:$0x10400] =	vst v63  }
0x15c: {  	s16 =	sadd.s32 s4, s30;
	s17 =	sand.u32 $0x1FFFFFF0, s31;
	s29 =	spop (v2sf)  }
0x15d: {  	(v2sf) =	vpush v63, $0x9;
	[tilespmem:s14], [sflag:$0x2] =	stream.linear.gather [hbm4b:s16+s1], $0x80, $0x38;
	[tilespmem:$0x10400] =	vst v63  }
0x15e: {  	s22 =	sand.u32 $0x1FFFFFF0, s20;
	s13 =	smov.u32 s5;
	s5 =	spop (v2sf)  }
0x15f: {  	s21 =	sadd.s32 s3, s17;
	s30 =	sadd.s32 s4, s22;
	s14 =	sand.u32 $0x1FFFFFF0, s5  }
0x160: {  	[tilespmem:s6], [sflag:$0x1] =	stream.linear.gather [hbm4b:s21+s1], $0x80, $0x38;
	[tilespmem:$0x10400] =	vst v63  }
0x161: {  	(v2sf) =	vpush v1, $0xA;
	s31 =	sand.u32 $0x1FFFFFF0, s29;
	s16 =	sadd.s32 s4, s14;
	s15 =	spop (v2sf)  }
0x162: {  	[tilespmem:s11], [sflag:$0x2] =	stream.linear.gather [hbm4b:s30+s1], $0x80, $0x38;
	[tilespmem:$0x10400] =	vst v63  }
0x163: {  	(v2sf) =	vpush v63, $0xA;
	s11 =	sadd.s32 s3, s31;
	s17 =	sand.u32 $0x1FFFFFF0, s15;
	s20 =	spop (v2sf)  }
0x164: {  	[tilespmem:s10], [sflag:$0x1] =	stream.linear.gather [hbm4b:s11+s1], $0x80, $0x38;
	[tilespmem:$0x10400] =	vst v63  }
0x165: {  	s21 =	sadd.s32 s3, s17;
	s22 =	sand.u32 $0x1FFFFFF0, s20;
	s10 =	rddreg [dreg:$0x15]  }
0x166: {  	[tilespmem:s9], [sflag:$0x2] =	stream.linear.gather [hbm4b:s16+s1], $0x80, $0x38;
	[tilespmem:$0x10400] =	vst v63  }
0x167: {  	(v2sf) =	vpush v1, $0xB;
	s29 =	spop (v2sf);
	s30 =	sadd.s32 s4, s22;
	s22 =	rddreg [dreg:$0x9]  }
0x168: {  	[tilespmem:s8], [sflag:$0x1] =	stream.linear.gather [hbm4b:s21+s1], $0x80, $0x38;
	[tilespmem:$0x10400] =	vst v63  }
0x169: {  	(v2sf) =	vpush v63, $0xB;
	s31 =	sand.u32 $0x1FFFFFF0, s29;
	s9 =	rddreg [dreg:$0x11];
	s5 =	spop (v2sf)  }
0x16a: {  	(v2sf) =	vpush v1, $0xC;
	s6 =	sadd.s32 s3, s31;
	s16 =	rddreg [dreg:$0xf];
	s8 =	spop (v2sf)  }
0x16b: {  	[tilespmem:s7], [sflag:$0x2] =	stream.linear.gather [hbm4b:s30+s1], $0x80, $0x38;
	[tilespmem:$0x10400] =	vst v63  }
0x16c: {  	(v2sf) =	vpush v63, $0xC;
	s7 =	sand.u32 $0x1FFFFFF0, s5;
	s14 =	sand.u32 $0x1FFFFFF0, s8;
	s15 =	spop (v2sf)  }
0x16d: {  	[tilespmem:s9], [sflag:$0x1] =	stream.linear.gather [hbm4b:s6+s1], $0x80, $0x38;
	[tilespmem:$0x10400] =	vst v63  }
0x16e: {  	s8 =	rddreg [dreg:$0xd];
	s11 =	sadd.s32 s4, s7;
	s17 =	sadd.s32 s3, s14  }
0x16f: {  	[tilespmem:s16], [sflag:$0x2] =	stream.linear.gather [hbm4b:s11+s1], $0x80, $0x38;
	[tilespmem:$0x10400] =	vst v63  }
0x170: {  	s20 =	sand.u32 $0x1FFFFFF0, s15;
	s15 =	rddreg [dreg:$0xb];
	s21 =	spop (v2sf)  }
0x171: {  	[tilespmem:s22], [sflag:$0x1] =	stream.linear.gather [hbm4b:s17+s1], $0x80, $0x38;
	[tilespmem:$0x10400] =	vst v63  }
0x172: {  	s29 =	sadd.s32 s4, s20;
	s30 =	sand.u32 $0x1FFFFFF0, s21;
	s31 =	spop (v2sf)  }
0x173: {  	[tilespmem:s8], [sflag:$0x2] =	stream.linear.gather [hbm4b:s29+s1], $0x80, $0x38;
	[tilespmem:$0x10400] =	vst v63  }
0x174: {  	s21 =	rddreg [dreg:$0x5];
	s9 =	sadd.s32 s3, s30;
	s11 =	sand.u32 $0x1FFFFFF0, s31  }
0x175: {  	[tilespmem:s15], [sflag:$0x1] =	stream.linear.gather [hbm4b:s9+s1], $0x80, $0x38;
	[tilespmem:$0x10400] =	vst v63  }
0x176: {  	s31 =	rddreg [dreg:$0x7];
	s16 =	sadd.s32 s4, s11;
	s14 =	spop (v2sf)  }
0x177: {  	(v2sf) =	vpush v1, $0xD;
	[tilespmem:s21], [sflag:$0x2] =	stream.linear.gather [hbm4b:s16+s1], $0x80, $0x38;
	[tilespmem:$0x10400] =	vst v63  }
.Ltmp1:
0x178: {  	(v2sf) =	vpush v63, $0xD;
	s17 =	sand.u32 $0x1FFFFFF0, s14;
	s20 =	spop (v2sf);
	(pc) =	sbr.rel @p0 .LBB2_4-.Ltmp1, $4  }
0x179: {  	(v2sf) =	vpush v1, $0xE;
	s22 =	sadd.s32 s3, s17;
	s29 =	sand.u32 $0x1FFFFFF0, s20;
	s30 =	spop (v2sf)  }
0x17a: {  	(v2sf) =	vpush v63, $0xE;
	[tilespmem:s2], [sflag:$0x1] =	stream.linear.gather [hbm4b:s22+s1], $0x80, $0x38;
	[tilespmem:$0x10400] =	vst v63  }
0x17b: {  	(v2sf) =	vpush v1, $0xF;
	s5 =	sadd.s32 s4, s29;
	s0 =	sand.u32 $0x1FFFFFF0, s30;
	s2 =	spop (v2sf)  }
0x17c: {  	(v2sf) =	vpush v63, $0xF;
	[tilespmem:s31], [sflag:$0x2] =	stream.linear.gather [hbm4b:s5+s1], $0x80, $0x38;
	[tilespmem:$0x10400] =	vst v63  }
0x17d: {  	_ =	sdelay $0x4  }
0x17e: {  	s0 =	sadd.s32 s3, s0;
	s2 =	sand.u32 $0x1FFFFFF0, s2  }
0x17f: {  	[tilespmem:s28], [sflag:$0x1] =	stream.linear.gather [hbm4b:s0+s1], $0x80, $0x38;
	[tilespmem:$0x10400] =	vst v63  }
0x180: {  	s29 =	sadd.s32 s4, s2  }
0x181: {  	[tilespmem:s12], [sflag:$0x2] =	stream.linear.gather [hbm4b:s29+s1], $0x80, $0x38;
	[tilespmem:$0x10400] =	vst v63  }
0x182: {  	s5 =	spop (v2sf)  }
0x183: {  	s30 =	sand.u32 $0x1FFFFFF0, s5;
	s31 =	spop (v2sf)  }
0x184: {  	s6 =	sadd.s32 s3, s30;
	s7 =	sand.u32 $0x1FFFFFF0, s31;
	s8 =	spop (v2sf)  }
0x185: {  	[tilespmem:s13], [sflag:$0x1] =	stream.linear.gather [hbm4b:s6+s1], $0x80, $0x38;
	[tilespmem:$0x10400] =	vst v63  }
0x186: {  	s9 =	sadd.s32 s4, s7;
	s11 =	sand.u32 $0x1FFFFFF0, s8;
	s12 =	spop (v2sf)  }
0x187: {  	[tilespmem:s10], [sflag:$0x2] =	stream.linear.gather [hbm4b:s9+s1], $0x80, $0x38;
	[tilespmem:$0x10400] =	vst v63  }
0x188: {  	s13 =	sadd.s32 s3, s11;
	s14 =	sand.u32 $0x1FFFFFF0, s12;
	s15 =	spop (v2sf)  }
0x189: {  	[tilespmem:s26], [sflag:$0x1] =	stream.linear.gather [hbm4b:s13+s1], $0x80, $0x38;
	[tilespmem:$0x10400] =	vst v63  }
0x18a: {  	s16 =	sadd.s32 s4, s14;
	s17 =	sand.u32 $0x1FFFFFF0, s15;
	s19 =	spop (v2sf)  }
0x18b: {  	[tilespmem:s25], [sflag:$0x2] =	stream.linear.gather [hbm4b:s16+s1], $0x80, $0x38;
	[tilespmem:$0x10400] =	vst v63  }
0x18c: {  	s20 =	sadd.s32 $0xB80, s18;
	s2 =	sadd.s32 s3, s17;
	s5 =	sand.u32 $0x1FFFFFF0, s19  }
0x18d: {  	[tilespmem:s20], [sflag:$0x1] =	stream.linear.gather [hbm4b:s2+s1], $0x80, $0x38;
	[tilespmem:$0x10400] =	vst v63  }
0x18e: {  	s21 =	sadd.s32 $0x8B80, s18;
	s23 =	simm.s32 $0x1;
	s22 =	sadd.s32 s4, s5  }
0x18f: {  	[tilespmem:s21], [sflag:$0x2] =	stream.linear.gather [hbm4b:s22+s1], $0x80, $0x38;
	[tilespmem:$0x10400] =	vst v63  }
0x190: {  	_ =	swait.ge [sflag:s23], $0x8000  }
0x191: {  	[sflag:s23] =	ssyncset.done $0x0  }
0x192: {  	s24 =	simm.s32 $0x2;
	[sflag:s23] =	ssyncadd.s32 $0xFFFF8000  }
0x193: {  	_ =	swait.ge [sflag:s24], $0x8000  }
0x194: {  	s26 =	simm.s32 $0x400;
	[sflag:s24] =	ssyncset.done $0x0  }
0x195: {  	s5 =	simm.s32 $0x3;
	s25 =	rddreg [dreg:$0x1a];
	[sflag:s24] =	ssyncadd.s32 $0xFFFF8000  }
0x196: {  	[hbm4b:s25+s1] =	stream.linear.scatter [tilespmem:s26], [sflag:$0x3], $0x8000, $0x38;
	[tilespmem:$0x10400] =	vst v63  }
0x197: {  	_ =	swait.ge [sflag:s5], $0x8000  }
0x198: {  	[sflag:s5] =	ssyncset.done $0x0  }
0x199: {  	s29 =	simm.s32 $0x8400;
	s28 =	rddreg [dreg:$0x1b];
	[sflag:s5] =	ssyncadd.s32 $0xFFFF8000  }
0x19a: {  	[hbm4b:s28+s1] =	stream.linear.scatter [tilespmem:s29], [sflag:$0x3], $0x8000, $0x38;
	[tilespmem:$0x10400] =	vst v63  }
0x19b: {  	_ =	swait.ge [sflag:s5], $0x8000  }
0x19c: {  	s30 =	rddreg [dreg:$0x1d]  }
0x19d: {  	s31 =	rddreg [dreg:$0x1c];
	s2 =	sadd.s32 $0x1, s30  }
0x19e: {  	p0 =	sne.s32 s2, s31  }
.Ltmp2:
0x19f: {  	_ = 	snop;
	(pc) =	sbr.rel @p0 .LBB2_1-.Ltmp2, $3  }
0x1a0: {  	_ =	sdelay $0x1  }
0x1a1: {  	[sflag:s5] =	ssyncset.done $0x0  }
0x1a2: {  	[sflag:s5] =	ssyncadd.s32 $0xFFFF8000  }
0x1a3: {  	_ =	sfence.sel $0x180000  }
0x1a4: {  	[bflag:$0x0] =	sbarrier.arrive $0xFFFF  }
0x1a5: {  	_ =	strace $0x9000004A  }
0x1a6: {  	s0 =	stileid.u32;
	[bflag:$0x2] =	sbarrier.arrive $0xFFFF  }
0x1a7: {  	p0 =	sne.s32 s0, $0x0;
	s0 =	rddreg [dreg:$0x3]  }
0x1a8: {  	s0 =	sadd.s32 @!p0 $0x100000, s0  }
0x1a9: {  	[sflag:s0] =	ssyncadd.tile.s32 @!p0 $0x1;
	_ =	shalt  }
.Lfunc_end2:
_tile_overlayer_lowered:
.L_overlay_start_2:
0x1aa: {  	(tag) =	ssettag $0x2  }
0x1ab: {  	s0 =	rddreg [dreg:$0x0];
	s2 =	stileid.u32  }
0x1ac: {  	s1 =	rddreg [dreg:$0x1];
	p0 =	sne.s32 s2, $0x0  }
0x1ad: {  	s3 =	rddreg [dreg:$0x2];
	[bflag:$0x3] =	sbarrier.arrive $0xFFFF;
	s2 =	simm.s32 @!p0 $0x1C03  }
0x1ae: {  	[timem:s3], [sflag:s2] =	dma.local @!p0 [hbm:s0], s1  }
0x1af: {  	s0 =	simm.s32 @!p0 $0x3  }
0x1b0: {  	_ =	swait.ge @!p0 [sflag:s0], s1  }
0x1b1: {  	s1 =	ssub.s32 @!p0 $0x0, s1;
	[sflag:s0] =	ssyncset.done @!p0 $0x0  }
0x1b2: {  	[sflag:s0] =	ssyncadd.s32 @!p0 s1  }
0x1b3: {  	[bflag:$0x3] =	sbarrier.arrive $0xFFFF  }
0x1b4: {  	_ =	shalt  }

// kernel: kernel.8.cloned.1.call-start
scs
__scs_entry_jumppad:
0x0: {  	(pc) =	sbr.rel $0x88, $3  }
0x1: {  	(tag) =	ssettag $0x0;
	lr =	simm.s32 $0x1  }
0x2: {  	[smem:$0x3F99] =	sst lr;
	_ =	strace $0xD0000000  }
0x3: {  	_ = 	snop  }
0x4: {  	_ = 	snop  }
0x5: {  	_ = 	snop  }
0x6: {  	_ = 	snop  }
0x7: {  	_ = 	snop  }
__scs_overlays_trampoline_lowered:
0x8: {  	[smem:$0x3FA8] =	sst s0  }
0x9: {  	[smem:$0x3FA9] =	sst s1  }
0xa: {  	[smem:$0x3FAA] =	sst s2  }
0xb: {  	[smem:$0x3FAB] =	sst s3  }
0xc: {  	[smem:$0x3FAC] =	sst s4  }
0xd: {  	[smem:$0x3FAD] =	sst s5  }
0xe: {  	[smem:$0x3FAE] =	sst s6  }
0xf: {  	[smem:$0x3FAF] =	sst s7  }
0x10: {  	[smem:$0x3FB0] =	sst s8  }
0x11: {  	[smem:$0x3FB1] =	sst s9;
	s0 =	simm.s32 @!p0 $0x0  }
0x12: {  	s1 =	sld [smem:$0x3F97];
	s0 =	simm.s32 @p0 $0x1  }
0x13: {  	[smem:$0x3FB2] =	sst s0;
	s0 =	simm.s32 @!p1 $0x0  }
0x14: {  	s2 =	sld [smem:$0x3F96];
	s0 =	simm.s32 @p1 $0x1  }
0x15: {  	[smem:$0x3FB3] =	sst s0;
	s0 =	simm.s32 @!p2 $0x0  }
0x16: {  	s3 =	sld [smem:$0x3FDB];
	s0 =	simm.s32 @p2 $0x1  }
0x17: {  	s4 =	simm.s32 $0x1BF5;
	[smem:$0x3FB5] =	sst s0  }
0x18: {  	s0 =	sld [smem:$0x3F98];
	_ =	swait.ge [sflag:s4], $0x0  }
0x19: {  	s7 =	sld [smem:$0x3F99]  }
0x1a: {  	s8 =	sadd.s32 $0xFFFFE003, lr  }
0x1b: {  	s9 =	sadd.s32 $0xFFFFFEF7, lr;
	s5 =	simm.s32 $0xFFFFFFFF;
	p2 =	slt.u32 s8, $0xFFFFF086  }
0x1c: {  	p1 =	slt.u32 s9, $0xF7A;
	s5 =	simm.s32 @!p2 $0x0  }
0x1d: {  	s5 =	simm.s32 @p1 $0x1;
	p0 =	seq.s32 s7, s2  }
0x1e: {  	s7 =	smul.u32 @!p0 $0xF7A, s2;
	p2 =	seq.s32 @!p0 s5, $0x0  }
0x1f: {  	s9 =	smul.u32 $0xF7A, s1;
	s8 =	simm.s32 @!p0 $0x1BF5;
	p2 =	por !p2, p0  }
0x20: {  	[sflag:s8] =	ssyncset.s32 @!p0 $0xFFFFF086;
	s6 =	sadd.s32 @!p0 s3, s7;
	s7 =	simm.s32 @!p0 $0x108  }
0x21: {  	s3 =	sadd.s32 s3, s9;
	s6 =	sadd.s32 @!p0 $0x88, s6;
	s7 =	simm.s32 @p2 $0x1082  }
0x22: {  	[simem:s7], [sflag:s8] =	dma.local @!p0 [hbm:s6], $0xF7A  }
0x23: {  	s9 =	sor.u32 $0xD0000000, s2;
	s6 =	simm.s32 $0x108;
	_ =	swait.ge @!p0 [sflag:s8], $0x0  }
0x24: {  	s3 =	sadd.s32 $0x88, s3;
	s6 =	simm.s32 @!p1 $0x1082;
	[sflag:s4] =	ssyncset.s32 $0xFFFFF086  }
0x25: {  	[simem:s6], [sflag:s4] =	dma.local [hbm:s3], $0xF7A  }
0x26: {  	[smem:$0x3F99] =	sst s1;
	(tag) =	ssettag s2;
	_ =	strace s9  }
0x27: {  	s1 =	sld [smem:$0x3FA9]  }
0x28: {  	s2 =	sld [smem:$0x3FAA]  }
0x29: {  	s4 =	sld [smem:$0x3FAC]  }
0x2a: {  	p0 =	seq.s32 s5, $0x0;
	s5 =	sld [smem:$0x3FAD]  }
0x2b: {  	s6 =	sld [smem:$0x3FAE]  }
0x2c: {  	s7 =	sld [smem:$0x3FAF]  }
0x2d: {  	s3 =	simm.s32 $0x108;
	s8 =	sld [smem:$0x3FB0]  }
0x2e: {  	s3 =	simm.s32 @!p0 $0x1082;
	s9 =	sld [smem:$0x3FB1]  }
0x2f: {  	lr =	sadd.s32 s0, s3;
	s0 =	sld [smem:$0x3FA8]  }
0x30: {  	s3 =	sld [smem:$0x3FAB]  }
0x31: {  	[smem:$0x3FB4] =	sst s10  }
0x32: {  	s10 =	sld [smem:$0x3FB2];
	_ =	sdelay $0x3  }
0x33: {  	p0 =	seq.s32 s10, $0x1;
	s10 =	sld [smem:$0x3FB4];
	_ =	sdelay $0x3  }
0x34: {  	[smem:$0x3FB4] =	sst s10  }
0x35: {  	s10 =	sld [smem:$0x3FB3];
	_ =	sdelay $0x3  }
0x36: {  	p1 =	seq.s32 s10, $0x1;
	s10 =	sld [smem:$0x3FB4];
	_ =	sdelay $0x3  }
0x37: {  	[smem:$0x3FB4] =	sst s10  }
0x38: {  	s10 =	sld [smem:$0x3FB5]  }
0x39: {  	_ = 	snop;
	(pc) =	sbr.ind lr, $3  }
0x3a: {  	_ = 	snop  }
0x3b: {  	_ = 	snop  }
0x3c: {  	p2 =	seq.s32 s10, $0x1;
	s10 =	sld [smem:$0x3FB4]  }
0x3d: {  	_ =	shalt  }
0x3e: {  	_ =	shalt  }
0x3f: {  	_ =	shalt  }
0x40: {  	_ =	shalt  }
0x41: {  	_ =	shalt  }
0x42: {  	_ =	shalt  }
0x43: {  	_ =	shalt  }
0x44: {  	_ =	shalt  }
0x45: {  	_ =	shalt  }
0x46: {  	_ =	shalt  }
0x47: {  	_ =	shalt  }
0x48: {  	_ =	shalt  }
0x49: {  	_ =	shalt  }
0x4a: {  	_ =	shalt  }
0x4b: {  	_ =	shalt  }
0x4c: {  	_ =	shalt  }
0x4d: {  	_ =	shalt  }
0x4e: {  	_ =	shalt  }
0x4f: {  	_ =	shalt  }
0x50: {  	_ =	shalt  }
0x51: {  	_ =	shalt  }
0x52: {  	_ =	shalt  }
0x53: {  	_ =	shalt  }
0x54: {  	_ =	shalt  }
0x55: {  	_ =	shalt  }
0x56: {  	_ =	shalt  }
0x57: {  	_ =	shalt  }
0x58: {  	_ =	shalt  }
0x59: {  	_ =	shalt  }
0x5a: {  	_ =	shalt  }
0x5b: {  	_ =	shalt  }
0x5c: {  	_ =	shalt  }
0x5d: {  	_ =	shalt  }
0x5e: {  	_ =	shalt  }
0x5f: {  	_ =	shalt  }
0x60: {  	_ =	shalt  }
0x61: {  	_ =	shalt  }
0x62: {  	_ =	shalt  }
0x63: {  	_ =	shalt  }
0x64: {  	_ =	shalt  }
0x65: {  	_ =	shalt  }
0x66: {  	_ =	shalt  }
0x67: {  	_ =	shalt  }
0x68: {  	_ =	shalt  }
0x69: {  	_ =	shalt  }
0x6a: {  	_ =	shalt  }
0x6b: {  	_ =	shalt  }
0x6c: {  	_ =	shalt  }
0x6d: {  	_ =	shalt  }
0x6e: {  	_ =	shalt  }
0x6f: {  	_ =	shalt  }
0x70: {  	_ =	shalt  }
0x71: {  	_ =	shalt  }
0x72: {  	_ =	shalt  }
0x73: {  	_ =	shalt  }
0x74: {  	_ =	shalt  }
0x75: {  	_ =	shalt  }
0x76: {  	_ =	shalt  }
0x77: {  	_ =	shalt  }
0x78: {  	_ =	shalt  }
0x79: {  	_ =	shalt  }
0x7a: {  	_ =	shalt  }
0x7b: {  	_ =	shalt  }
0x7c: {  	_ =	shalt  }
0x7d: {  	_ =	shalt  }
0x7e: {  	_ =	shalt  }
0x7f: {  	_ =	shalt  }
0x80: {  	_ =	shalt  }
0x81: {  	_ =	shalt  }
0x82: {  	_ =	shalt  }
0x83: {  	_ =	shalt  }
0x84: {  	_ =	shalt  }
0x85: {  	_ =	shalt  }
0x86: {  	_ =	shalt  }
0x87: {  	_ =	shalt  }
.Lfunc_end0:
.L_simem_size_0:
called_computation.1_lowered:
.L_overlay_start_0:
0x88: {  	s2 =	sld [smem:$0x3FD9]  }
0x89: {  	s3 =	sld [smem:$0x3FFE];
	_ =	sdelay $0x1  }
0x8a: {  	s1 =	srdreg.scid  }
0x8b: {  	s0 =	sand.u32 $0x1, s1  }
0x8c: {  	s17 =	sshll.u32 s0, $0xA;
	s2 =	sadd.s32 s3, s2  }
0x8d: {  	s2 =	sadd.s32 s2, s17  }
0x8e: {  	[smem:$0x3FC0] =	sst s2  }
0x8f: {  	_ = 	snop  }
0x90: {  	s2 =	sld [smem:$0x3FC9]  }
0x91: {  	s18 =	sld [smem:$0x3FC8]  }
0x92: {  	s4 =	sld [smem:$0x3FC5]  }
0x93: {  	s5 =	sld [smem:$0x3FC4]  }
0x94: {  	s6 =	sld [smem:$0x3FD0];
	(tm) =	ssettm $0x1  }
0x95: {  	s7 =	sld [smem:$0x3FFB];
	_ =	sdelay $0x3  }
0x96: {  	_ =	strace s7  }
0x97: {  	s7 =	sld [smem:$0x3FFC];
	_ =	sdelay $0x3  }
0x98: {  	_ =	strace s7  }
0x99: {  	s7 =	sld [smem:$0x3FFD];
	_ =	sdelay $0x3  }
0x9a: {  	_ =	strace s7  }
0x9b: {  	_ =	strace $0x8FFFFFFF  }
0x9c: {  	s19 =	sld [smem:$0x3FDB];
	_ =	sdelay $0x1  }
0x9d: {  	s8 =	simm.s32 $_scs_section_size  }
0x9e: {  	s9 =	simm.s32 $_size__tile_overlayer_lowered;
	s10 =	simm.s32 $_tile_overlayer_lowered  }
0x9f: {  	s22 =	simm.s32 $0x1BFF;
	s21 =	sshll.u32 s10, $0x1;
	s7 =	sadd.s32 s8, s19  }
0xa0: {  	s11 =	simm.s32 $0x0;
	s20 =	sshll.u32 s9, $0x1;
	s9 =	sadd.s32 s21, s7  }
0xa1: {  	[timem:s11], [sflag:s22] =	dma.local [hbm:s9], s20  }
0xa2: {  	_ =	swait.ge [sflag:s22], s20  }
0xa3: {  	s8 =	ssub.s32 $0x0, s20;
	[sflag:s22] =	ssyncset.done $0x0  }
0xa4: {  	[sflag:s22] =	ssyncadd.s32 s8;
	_ =	sdelay $0x1  }
0xa5: {  	s23 =	simm.s32 $0x1B8B  }
0xa6: {  	_ =	swait.ge [sflag:s23], $0x1  }
0xa7: {  	[sflag:s23] =	ssyncset.done $0x0  }
0xa8: {  	s25 =	simm.s32 $0x1B8E;
	s24 =	sld [smem:$0x3FFE];
	[sflag:s23] =	ssyncadd.s32 $0xFFFFFFFF  }
0xa9: {  	s26 =	simm.s32 $execute0_lowered;
	[smem:$0x3FD2] =	sst s25  }
0xaa: {  	s9 =	sshll.u32 s26, $0x1;
	_ =	strace $0x80000046;
	[dreg:$0x1] =	wrdreg $0xFFFFFFFF  }
0xab: {  	s28 =	simm.s32 $_size_execute0_lowered;
	s7 =	sadd.s32 s7, s9;
	[dreg:$0x0] =	wrdreg $0x0  }
0xac: {  	s9 =	sshll.u32 s28, $0x1;
	[dreg:$0x2] =	wrdreg s7  }
0xad: {  	[dreg:$0x3] =	wrdreg s9  }
0xae: {  	[dreg:$0x4] =	wrdreg $0xC0  }
0xaf: {  	_ =	task [dreg:s11], $0x5FFFF  }
0xb0: {  	[dreg:$0x1] =	wrdreg $0xFFFFFFFF  }
0xb1: {  	[dreg:$0x0] =	wrdreg $0x60  }
0xb2: {  	[dreg:$0x2] =	wrdreg s2  }
0xb3: {  	[dreg:$0x3] =	wrdreg s18  }
0xb4: {  	[dreg:$0x4] =	wrdreg s4  }
0xb5: {  	[dreg:$0x5] =	wrdreg s5  }
0xb6: {  	[dreg:$0x6] =	wrdreg s6  }
0xb7: {  	[dreg:$0x7] =	wrdreg s24  }
0xb8: {  	[dreg:$0x8] =	wrdreg $0xA  }
0xb9: {  	_ =	task.clear_ibuf [dreg:s11], $0x9FFFF;
	_ =	strace $0x90000046  }
0xba: {  	s29 =	simm.s32 $0xA;
	_ =	strace $0x80000048  }
0xbb: {  	_ =	swait.ge [sflag:s29], $0x1  }
0xbc: {  	[sflag:s29] =	ssyncadd.s32 $0xFFFFFFFF  }
0xbd: {  	_ =	strace $0x90000048  }
0xbe: {  	_ =	sfence  }
0xbf: {  	s30 =	sld [smem:$0x0];
	_ =	sdelay $0x2  }
0xc0: {  	s31 =	sshll.u32 s1, $0xD;
	s1 =	sshrl.u32 s1, $0x2  }
0xc1: {  	s3 =	sand.u32 $0x4000, s31;
	s1 =	sadd.s32 s1, s30  }
0xc2: {  	s0 =	sor.u32 s3, s0;
	s1 =	sshll.u32 s1, $0x11  }
0xc3: {  	s0 =	sor.u32 s1, s0  }
0xc4: {  	s0 =	sadd.s32 $0x8F2B, s0  }
0xc5: {  	[sflag:s0] =	ssyncadd.remote.s32 $0x1  }
0xc6: {  	_ =	sfence.sel $0xFFFF  }
0xc7: {  	[dreg:$0x0] =	wrdreg $0xFFFFFFFF;
	(pc) =	sbr.abs _section_cstart, $3  }
0xc8: {  	[dreg:$0x1] =	wrdreg $0xFFFFFFFF  }
0xc9: {  	_ =	task.clear_ibuf [dreg:s11], $0x2FFFF;
	_ =	strace $0x9FFFFFFF  }
0xca: {  	(tm) =	ssettm $0x7FFFFFFF  }
0xcb: {  	_ =	shalt  }
tec
execute0_lowered:
.L_overlay_start_1:
0x0: {  	(tag) =	ssettag $0x1  }
0x1: {  	s5 =	rddreg [dreg:$0x0]  }
0x2: {  	s7 =	rddreg [dreg:$0x1]  }
0x3: {  	s1 =	rddreg [dreg:$0x2]  }
0x4: {  	s3 =	rddreg [dreg:$0x3]  }
0x5: {  	s25 =	rddreg [dreg:$0x4]  }
0x6: {  	s26 =	rddreg [dreg:$0x5];
	s4 =	srdreg.scid  }
0x7: {  	s0 =	rddreg [dreg:$0x6];
	s2 =	stileid.u32;
	s29 =	sand.u32 $0x1, s4  }
0x8: {  	s4 =	simm.s32 $0x0;
	s6 =	sshll.u32 s2, $0x7;
	s8 =	sshll.u32 s29, $0x6  }
0x9: {  	[smem:$0x7FF] =	sst s4;
	s28 =	sor.u32 s8, s6  }
0xa: {  	_ =	strace $0x80000047;
	s6 =	sadd.s32 s5, s28;
	s5 =	simm.s32 $0x3  }
0xb: {  	[tilespmem:s4], [sflag:$0x3] =	stream.linear.gather [hbm4b:s6+s4], $0x200, $0x38;
	[tilespmem:$0x800] =	vst v63  }
0xc: {  	_ =	swait.ge [sflag:s5], $0x200  }
0xd: {  	[sflag:s5] =	ssyncset.done $0x0  }
0xe: {  	s8 =	simm.s32 $0x200;
	s7 =	sadd.s32 s7, s28;
	[sflag:s5] =	ssyncadd.s32 $0xFFFFFE00  }
0xf: {  	[tilespmem:s8], [sflag:$0x3] =	stream.linear.gather [hbm4b:s7+s4], $0x200, $0x38;
	[tilespmem:$0x800] =	vst v63  }
0x10: {  	_ =	swait.ge [sflag:s5], $0x200  }
0x11: {  	[sflag:s5] =	ssyncset.done $0x0  }
0x12: {  	s9 =	simm.s32 $0x80;
	s10 =	simm.s32 $0x400;
	[sflag:s5] =	ssyncadd.s32 $0xFFFFFE00  }
0x13: {  	[tilespmem:s10], [sflag:$0x1] =	stream.indirect.gather [hbm4b:s1+s9], $0x1, s4, s9, $0xb8;
	[tilespmem:$0x800] =	vst v63  }
0x14: {  	s11 =	simm.s32 $0x600  }
0x15: {  	[tilespmem:s11], [sflag:$0x2] =	stream.indirect.gather [hbm4b:s3+s9], $0x1, s8, s9, $0xb8;
	[tilespmem:$0x800] =	vst v63  }
0x16: {  	s12 =	simm.s32 $0x480  }
0x17: {  	[tilespmem:s12], [sflag:$0x1] =	stream.indirect.gather [hbm4b:s1+s9], $0x1, s9, s9, $0xb8;
	[tilespmem:$0x800] =	vst v63  }
0x18: {  	s13 =	simm.s32 $0x280;
	s14 =	simm.s32 $0x680  }
0x19: {  	[tilespmem:s14], [sflag:$0x2] =	stream.indirect.gather [hbm4b:s3+s9], $0x1, s13, s9, $0xb8;
	[tilespmem:$0x800] =	vst v63  }
0x1a: {  	s15 =	simm.s32 $0x100;
	s16 =	simm.s32 $0x500  }
0x1b: {  	[tilespmem:s16], [sflag:$0x1] =	stream.indirect.gather [hbm4b:s1+s9], $0x1, s15, s9, $0xb8;
	[tilespmem:$0x800] =	vst v63  }
0x1c: {  	s17 =	simm.s32 $0x300;
	s18 =	simm.s32 $0x700  }
0x1d: {  	[tilespmem:s18], [sflag:$0x2] =	stream.indirect.gather [hbm4b:s3+s9], $0x1, s17, s9, $0xb8;
	[tilespmem:$0x800] =	vst v63  }
0x1e: {  	s19 =	simm.s32 $0x180;
	s20 =	simm.s32 $0x580  }
0x1f: {  	[tilespmem:s20], [sflag:$0x1] =	stream.indirect.gather [hbm4b:s1+s9], $0x1, s19, s9, $0xb8;
	[tilespmem:$0x800] =	vst v63  }
0x20: {  	s21 =	simm.s32 $0x380;
	s22 =	simm.s32 $0x780;
	s23 =	simm.s32 $0x1  }
0x21: {  	[tilespmem:s22], [sflag:$0x2] =	stream.indirect.gather [hbm4b:s3+s9], $0x1, s21, s9, $0xb8;
	[tilespmem:$0x800] =	vst v63  }
0x22: {  	_ =	swait.ge [sflag:s23], $0x80  }
0x23: {  	[sflag:s23] =	ssyncset.done $0x0  }
0x24: {  	s24 =	simm.s32 $0x2;
	[sflag:s23] =	ssyncadd.s32 $0xFFFFFF80  }
0x25: {  	_ =	swait.ge [sflag:s24], $0x80  }
0x26: {  	[sflag:s24] =	ssyncset.done $0x0  }
0x27: {  	[sflag:s24] =	ssyncadd.s32 $0xFFFFFF80  }
0x28: {  	_ =	swait.ge [sflag:s23], $0x80  }
0x29: {  	[sflag:s23] =	ssyncset.done $0x0  }
0x2a: {  	[sflag:s23] =	ssyncadd.s32 $0xFFFFFF80  }
0x2b: {  	_ =	swait.ge [sflag:s24], $0x80  }
0x2c: {  	[sflag:s24] =	ssyncset.done $0x0  }
0x2d: {  	[sflag:s24] =	ssyncadd.s32 $0xFFFFFF80  }
0x2e: {  	_ =	swait.ge [sflag:s23], $0x80  }
0x2f: {  	[sflag:s23] =	ssyncset.done $0x0  }
0x30: {  	[sflag:s23] =	ssyncadd.s32 $0xFFFFFF80  }
0x31: {  	_ =	swait.ge [sflag:s24], $0x80  }
0x32: {  	[sflag:s24] =	ssyncset.done $0x0  }
0x33: {  	[sflag:s24] =	ssyncadd.s32 $0xFFFFFF80  }
0x34: {  	_ =	swait.ge [sflag:s23], $0x80  }
0x35: {  	[sflag:s23] =	ssyncset.done $0x0  }
0x36: {  	s29 =	ssub.s32 $0x2, s29;
	[sflag:s23] =	ssyncadd.s32 $0xFFFFFF80  }
0x37: {  	s30 =	sshrl.u32 s29, $0x1;
	s25 =	sadd.s32 s25, s28;
	_ =	swait.ge [sflag:s24], $0x80  }
0x38: {  	s26 =	sadd.s32 s28, s26;
	s28 =	ssub.s32 s29, s30;
	[sflag:s24] =	ssyncset.done $0x0  }
0x39: {  	s28 =	smax.u32 s28, $0x1;
	[sflag:s24] =	ssyncadd.s32 $0xFFFFFF80  }
0x3a: {  	[hbm4b:s25+s4] =	stream.linear.scatter [tilespmem:s10], [sflag:$0x3], $0x200, $0x38;
	[tilespmem:$0x800] =	vst v63  }
0x3b: {  	p0 =	sne.s32 s28, $0x1;
	_ =	swait.ge [sflag:s5], $0x200  }
.Ltmp0:
0x3c: {  	[sflag:s5] =	ssyncset.done $0x0;
	(pc) =	sbr.rel @!p0 .LBB2_2-.Ltmp0, $4  }
0x3d: {  	s26 =	sadd.s32 $0x1200, s26;
	[sflag:s5] =	ssyncadd.s32 $0xFFFFFE00  }
0x3e: {  	[hbm4b:s26+s4] =	stream.linear.scatter [tilespmem:s11], [sflag:$0x3], $0x200, $0x38;
	[tilespmem:$0x800] =	vst v63  }
0x3f: {  	_ =	swait.ge [sflag:s5], $0x200  }
0x40: {  	s28 =	sadd.s32 $0xFFFFFFFF, s28;
	[sflag:s5] =	ssyncset.done $0x0  }
.LBB2_1:
0x41: {  	p0 =	sne.s32 s28, $0x1;
	s28 =	sadd.s32 $0xFFFFFFFF, s28;
	[sflag:s5] =	ssyncadd.s32 $0xFFFFFE00  }
0x42: {  	[tilespmem:s4], [sflag:$0x3] =	stream.linear.gather [hbm4b:s6+s4], $0x200, $0x38;
	[tilespmem:$0x800] =	vst v63  }
0x43: {  	_ =	swait.ge [sflag:s5], $0x200  }
0x44: {  	[sflag:s5] =	ssyncset.done $0x0  }
0x45: {  	[sflag:s5] =	ssyncadd.s32 $0xFFFFFE00  }
0x46: {  	[tilespmem:s8], [sflag:$0x3] =	stream.linear.gather [hbm4b:s7+s4], $0x200, $0x38;
	[tilespmem:$0x800] =	vst v63  }
0x47: {  	_ =	swait.ge [sflag:s5], $0x200  }
0x48: {  	[sflag:s5] =	ssyncset.done $0x0  }
0x49: {  	[sflag:s5] =	ssyncadd.s32 $0xFFFFFE00  }
0x4a: {  	[tilespmem:s10], [sflag:$0x1] =	stream.indirect.gather [hbm4b:s1+s9], $0x1, s4, s9, $0xb8;
	[tilespmem:$0x800] =	vst v63  }
0x4b: {  	_ = 	snop  }
0x4c: {  	[tilespmem:s11], [sflag:$0x2] =	stream.indirect.gather [hbm4b:s3+s9], $0x1, s8, s9, $0xb8;
	[tilespmem:$0x800] =	vst v63  }
0x4d: {  	_ = 	snop  }
0x4e: {  	[tilespmem:s12], [sflag:$0x1] =	stream.indirect.gather [hbm4b:s1+s9], $0x1, s9, s9, $0xb8;
	[tilespmem:$0x800] =	vst v63  }
0x4f: {  	_ = 	snop  }
0x50: {  	[tilespmem:s14], [sflag:$0x2] =	stream.indirect.gather [hbm4b:s3+s9], $0x1, s13, s9, $0xb8;
	[tilespmem:$0x800] =	vst v63  }
0x51: {  	_ = 	snop  }
0x52: {  	[tilespmem:s16], [sflag:$0x1] =	stream.indirect.gather [hbm4b:s1+s9], $0x1, s15, s9, $0xb8;
	[tilespmem:$0x800] =	vst v63  }
0x53: {  	_ = 	snop  }
0x54: {  	[tilespmem:s18], [sflag:$0x2] =	stream.indirect.gather [hbm4b:s3+s9], $0x1, s17, s9, $0xb8;
	[tilespmem:$0x800] =	vst v63  }
0x55: {  	_ = 	snop  }
0x56: {  	[tilespmem:s20], [sflag:$0x1] =	stream.indirect.gather [hbm4b:s1+s9], $0x1, s19, s9, $0xb8;
	[tilespmem:$0x800] =	vst v63  }
0x57: {  	_ = 	snop  }
0x58: {  	[tilespmem:s22], [sflag:$0x2] =	stream.indirect.gather [hbm4b:s3+s9], $0x1, s21, s9, $0xb8;
	[tilespmem:$0x800] =	vst v63  }
0x59: {  	_ =	swait.ge [sflag:s23], $0x80  }
0x5a: {  	[sflag:s23] =	ssyncset.done $0x0  }
0x5b: {  	[sflag:s23] =	ssyncadd.s32 $0xFFFFFF80  }
0x5c: {  	_ =	swait.ge [sflag:s24], $0x80  }
0x5d: {  	[sflag:s24] =	ssyncset.done $0x0  }
0x5e: {  	[sflag:s24] =	ssyncadd.s32 $0xFFFFFF80  }
0x5f: {  	_ =	swait.ge [sflag:s23], $0x80  }
0x60: {  	[sflag:s23] =	ssyncset.done $0x0  }
0x61: {  	[sflag:s23] =	ssyncadd.s32 $0xFFFFFF80  }
0x62: {  	_ =	swait.ge [sflag:s24], $0x80  }
0x63: {  	[sflag:s24] =	ssyncset.done $0x0  }
0x64: {  	[sflag:s24] =	ssyncadd.s32 $0xFFFFFF80  }
0x65: {  	_ =	swait.ge [sflag:s23], $0x80  }
0x66: {  	[sflag:s23] =	ssyncset.done $0x0  }
0x67: {  	[sflag:s23] =	ssyncadd.s32 $0xFFFFFF80  }
0x68: {  	_ =	swait.ge [sflag:s24], $0x80  }
0x69: {  	[sflag:s24] =	ssyncset.done $0x0  }
0x6a: {  	[sflag:s24] =	ssyncadd.s32 $0xFFFFFF80  }
0x6b: {  	_ =	swait.ge [sflag:s23], $0x80  }
0x6c: {  	[sflag:s23] =	ssyncset.done $0x0  }
0x6d: {  	[sflag:s23] =	ssyncadd.s32 $0xFFFFFF80  }
0x6e: {  	_ =	swait.ge [sflag:s24], $0x80  }
0x6f: {  	[sflag:s24] =	ssyncset.done $0x0  }
0x70: {  	[sflag:s24] =	ssyncadd.s32 $0xFFFFFF80  }
0x71: {  	[hbm4b:s25+s4] =	stream.linear.scatter [tilespmem:s10], [sflag:$0x3], $0x200, $0x38;
	[tilespmem:$0x800] =	vst v63  }
0x72: {  	_ =	swait.ge [sflag:s5], $0x200  }
.Ltmp1:
0x73: {  	[sflag:s5] =	ssyncset.done $0x0;
	(pc) =	sbr.rel @p0 .LBB2_1-.Ltmp1, $4  }
0x74: {  	[sflag:s5] =	ssyncadd.s32 $0xFFFFFE00  }
0x75: {  	[hbm4b:s26+s4] =	stream.linear.scatter [tilespmem:s11], [sflag:$0x3], $0x200, $0x38;
	[tilespmem:$0x800] =	vst v63  }
0x76: {  	_ =	swait.ge [sflag:s5], $0x200  }
0x77: {  	[sflag:s5] =	ssyncset.done $0x0  }
.LBB2_2:
0x78: {  	[sflag:s5] =	ssyncadd.s32 $0xFFFFFE00  }
0x79: {  	_ =	sfence.sel $0x180000  }
0x7a: {  	[bflag:$0x0] =	sbarrier.arrive $0xFFFF  }
0x7b: {  	p0 =	sne.s32 s2, $0x0;
	_ =	strace $0x90000047  }
0x7c: {  	s0 =	sadd.s32 @!p0 $0x100000, s0;
	[bflag:$0x2] =	sbarrier.arrive $0xFFFF  }
0x7d: {  	[sflag:s0] =	ssyncadd.tile.s32 @!p0 $0x1;
	_ =	shalt  }
.Lfunc_end2:
_tile_overlayer_lowered:
.L_overlay_start_2:
0x7e: {  	(tag) =	ssettag $0x2  }
0x7f: {  	s0 =	rddreg [dreg:$0x0];
	s2 =	stileid.u32  }
0x80: {  	s1 =	rddreg [dreg:$0x1];
	p0 =	sne.s32 s2, $0x0  }
0x81: {  	s3 =	rddreg [dreg:$0x2];
	[bflag:$0x3] =	sbarrier.arrive $0xFFFF;
	s2 =	simm.s32 @!p0 $0x1C03  }
0x82: {  	[timem:s3], [sflag:s2] =	dma.local @!p0 [hbm:s0], s1  }
0x83: {  	s0 =	simm.s32 @!p0 $0x3  }
0x84: {  	_ =	swait.ge @!p0 [sflag:s0], s1  }
0x85: {  	s1 =	ssub.s32 @!p0 $0x0, s1;
	[sflag:s0] =	ssyncset.done @!p0 $0x0  }
0x86: {  	[sflag:s0] =	ssyncadd.s32 @!p0 s1  }
0x87: {  	[bflag:$0x3] =	sbarrier.arrive $0xFFFF  }
0x88: {  	_ =	shalt  }

</sc_bundles>
